<compile_context>
chip_gen: v7x
topology: tpu7x:2x2x1
jax: 0.10.2.dev20260603
libtpu: 0.0.44.dev20260713+nightly
codegen_flags: <defaults>
</compile_context>

<pallas_src>
import jax
import jax.numpy as jnp
from jax import lax
from jax.experimental import pallas as pl
from jax.experimental.pallas import tpu as pltpu
from jax.experimental.pallas import tpu_sc as plsc

_NC = 2
_NS = 16
_NW = _NC * _NS
_L = 16
_CH = 80
_BC = 16


def _splat(v, e):
    idx = jnp.full((_L, 1), e, jnp.int32)
    dnums = lax.GatherDimensionNumbers(
        offset_dims=(), collapsed_slice_dims=(0,), start_index_map=(0,))
    return lax.gather(v, idx, dnums, slice_sizes=(1,),
                      mode=lax.GatherScatterMode.PROMISE_IN_BOUNDS)


def _xw_matmul(x, weight):
    n, d_in = x.shape
    r, _, d_out = weight.shape
    bn = 1000
    def body(x_ref, w_ref, o_ref):
        o_ref[0] = jnp.dot(x_ref[...], w_ref[0],
                           preferred_element_type=jnp.float32)
    return pl.pallas_call(
        body,
        grid=(n // bn, r),
        in_specs=[
            pl.BlockSpec((bn, d_in), lambda i, j: (i, 0)),
            pl.BlockSpec((1, d_in, d_out), lambda i, j: (j, 0, 0)),
        ],
        out_specs=pl.BlockSpec((1, bn, d_out), lambda i, j: (j, i, 0)),
        out_shape=jax.ShapeDtypeStruct((r, n, d_out), jnp.float32),
    )(x, weight)


def _partial_sum(partials, n):
    _, n_pad, d = partials.shape
    bn = next(b for b in (1024, 512, 128, 8, 1) if n_pad % b == 0)
    def body(p_ref, o_ref):
        o_ref[...] = p_ref[0] + p_ref[1]
    out = pl.pallas_call(
        body,
        grid=(n_pad // bn,),
        in_specs=[pl.BlockSpec((2, bn, d), lambda i: (0, i, 0))],
        out_specs=pl.BlockSpec((bn, d), lambda i: (i, 0)),
        out_shape=jax.ShapeDtypeStruct((n_pad, d), jnp.float32),
    )(partials)
    return out[:n]


def _make_sc_scatter(n, d, nchunk):
    zr = _CH
    npt = -(-n // (_NS * zr)) * zr
    n_pad = npt * _NS
    nzc = npt // zr
    mesh = plsc.VectorSubcoreMesh(core_axis_name="c", subcore_axis_name="s")

    def body(xw_hbm, src_hbm, rel_hbm, dst_hbm, norm_hbm, out_hbm,
             idx_v, rel_v, dst_v, norm_v, g0_v, g1_v, s0_v, s1_v, h_sh,
             gsem0, gsem1, ssem0, ssem1):
        cid = lax.axis_index("c")
        sid = lax.axis_index("s")
        wid = sid * _NC + cid
        gbuf = (g0_v, g1_v)
        sbuf = (s0_v, s1_v)
        gsem = (gsem0, gsem1)
        ssem = (ssem0, ssem1)

        zero16 = jnp.zeros((_L,), jnp.float32)
        @plsc.parallel_loop(0, zr)
        def zrow(i):
            for k in range(d // _L):
                s0_v[i, pl.ds(k * _L, _L)] = zero16
        for c in range(nzc):
            pltpu.sync_copy(s0_v, h_sh.at[pl.ds(sid * npt + c * zr, zr)])
        plsc.subcore_barrier()

        def block(b, carry):
            b0 = b * _BC
            pltpu.sync_copy(src_hbm.at[wid, pl.ds(b0, _BC)], idx_v)
            pltpu.sync_copy(rel_hbm.at[wid, pl.ds(b0, _BC)], rel_v)
            pltpu.sync_copy(dst_hbm.at[wid, pl.ds(b0, _BC)], dst_v)
            pltpu.sync_copy(norm_hbm.at[wid, pl.ds(b0, _BC)], norm_v)

            @plsc.parallel_loop(0, _BC)
            def idxrow(j):
                for k in range(_CH // _L):
                    sl = pl.ds(k * _L, _L)
                    idx_v[j, sl] = rel_v[j, sl] * n + idx_v[j, sl]

            def scale(j, p):
                @plsc.parallel_loop(0, _CH, unroll=8)
                def edge(i):
                    base = i & ~(_L - 1)
                    norms16 = norm_v[j, pl.ds(base, _L)]
                    nv = _splat(norms16, i & (_L - 1))
                    vals = [gbuf[p][i, pl.ds(k * _L, _L)]
                            for k in range(d // _L)]
                    for k in range(d // _L):
                        sbuf[p][i, pl.ds(k * _L, _L)] = vals[k] * nv

            def wait_gather(p):
                pltpu.make_async_copy(
                    xw_hbm.at[pl.ds(0, _CH)], gbuf[p], gsem[p]).wait()

            def wait_scatter(p):
                pltpu.make_async_copy(
                    out_hbm.at[0, pl.ds(0, _CH)], sbuf[p], ssem[p]).wait()

            def issue_gather(j, p):
                pltpu.async_copy(xw_hbm.at[idx_v.at[j]], gbuf[p], gsem[p])

            def issue_scatter(j, p):
                pltpu.async_copy(sbuf[p], h_sh.at[dst_v.at[j]], ssem[p],
                                 add=True)

            issue_gather(0, 0)
            issue_gather(1, 1)
            for p in (0, 1):
                wait_gather(p)
                scale(p, p)
                issue_gather(2 + p, p)
                issue_scatter(p, p)
            def pair(q, carry2):
                for p in (0, 1):
                    jj = 2 * q + p
                    wait_gather(p)
                    wait_scatter(p)
                    scale(jj, p)
                    issue_gather(jj + 2, p)
                    issue_scatter(jj, p)
                return carry2
            lax.fori_loop(1, _BC // 2 - 1, pair, 0)
            for p in (0, 1):
                wait_gather(p)
                wait_scatter(p)
                scale(_BC - 2 + p, p)
                issue_scatter(_BC - 2 + p, p)
            wait_scatter(0)
            wait_scatter(1)
            return carry
        lax.fori_loop(0, nchunk // _BC, block, 0)

        plsc.subcore_barrier()
        for c in range(nzc):
            r0 = sid * npt + c * zr
            pltpu.sync_copy(h_sh.at[pl.ds(r0, zr)],
                            out_hbm.at[cid, pl.ds(r0, zr)])

    return pl.kernel(
        body,
        out_type=jax.ShapeDtypeStruct((_NC, n_pad, d), jnp.float32),
        mesh=mesh,
        scratch_types=[
            pltpu.VMEM((_BC, _CH), jnp.int32),
            pltpu.VMEM((_BC, _CH), jnp.int32),
            pltpu.VMEM((_BC, _CH), jnp.int32),
            pltpu.VMEM((_BC, _CH), jnp.float32),
            pltpu.VMEM((_CH, d), jnp.float32),
            pltpu.VMEM((_CH, d), jnp.float32),
            pltpu.VMEM((_CH, d), jnp.float32),
            pltpu.VMEM((_CH, d), jnp.float32),
            pltpu.VMEM_SHARED((n_pad, d), jnp.float32),
            pltpu.SemaphoreType.DMA,
            pltpu.SemaphoreType.DMA,
            pltpu.SemaphoreType.DMA,
            pltpu.SemaphoreType.DMA,
        ],
    )


def kernel(x, edge_index, rel_type, norm, weight):
    n, d_in = x.shape
    r, _, d_out = weight.shape
    e = norm.shape[0]

    ept = -(-e // _NW)
    ept = -(-ept // (_CH * _BC)) * (_CH * _BC)
    epad = ept * _NW - e
    nchunk = ept // _CH

    src = edge_index[0]
    dst = edge_index[1]
    zi = jnp.zeros((epad,), jnp.int32)
    src_p = jnp.concatenate([src, zi]).reshape(_NW, nchunk, _CH)
    rel_p = jnp.concatenate([rel_type, zi]).reshape(_NW, nchunk, _CH)
    dst_p = jnp.concatenate([dst, zi]).reshape(_NW, nchunk, _CH)
    norm_p = jnp.concatenate(
        [norm, jnp.zeros((epad,), jnp.float32)]).reshape(_NW, nchunk, _CH)

    xw = _xw_matmul(x, weight).reshape(r * n, d_out)
    sc = _make_sc_scatter(n, d_out, nchunk)
    partials = sc(xw, src_p, rel_p, dst_p, norm_p)
    return _partial_sum(partials, n)

# --- scband reference (transcript-rebuilt; emitter-appended) ---
"""Pipeline reference for scband-rgcnlayer-44478681318050 (READ-ONLY COPY).

The authoritative reference and input builder live on the scoring server;
editing this copy changes nothing except your own understanding.
"""

import jax, jax.numpy as jnp
import numpy as np

N_NODES = 10000
N_EDGES = 320000
NUM_RELS = 16
D_IN = 128
D_OUT = 128


def setup_inputs(seed: int = 0) -> dict:
    key = jax.random.key(seed)
    k1, k2, k3, k4, k5 = jax.random.split(key, 5)
    x = jax.random.normal(k1, (N_NODES, D_IN), dtype=jnp.float32)
    edge_index = jax.random.randint(k2, (2, N_EDGES), 0, N_NODES, dtype=jnp.int32)
    rel_type = jax.random.randint(k3, (N_EDGES,), 0, NUM_RELS, dtype=jnp.int32)
    norm = jax.random.uniform(k4, (N_EDGES,), dtype=jnp.float32)
    # learned per-relation weight bank: self.weight[num_rels, in_feat, out_feat]
    weight = jax.random.normal(k5, (NUM_RELS, D_IN, D_OUT), dtype=jnp.float32) * 0.05
    return {"x": x, "edge_index": edge_index, "rel_type": rel_type, "norm": norm, "weight": weight}


def reference(x, edge_index, rel_type, norm, weight):
    # Middle-layer RGCN path (is_input_layer=False, is_output_layer=False):
    #   message: msg_e = (h_src[e] @ W[rel_type[e]]) * norm[e]
    #   reduce:  h_dst = sum over incoming edges of msg
    #   apply:   identity (bias=None, activation=None)
    # Mathematically identical to per-edge bmm(h_src, weight[rel_type]);
    # computed as per-(node,relation) transform to avoid materializing [E, D_IN, D_OUT].
    src = edge_index[0]
    dst = edge_index[1]
    xw = jnp.einsum('nd,rde->nre', x, weight)          # [N, R, D_OUT]
    msg = xw[src, rel_type]                             # gather: [E, D_OUT]
    msg = msg * norm[:, None]
    h = jax.ops.segment_sum(msg, dst, num_segments=x.shape[0])  # scatter-add: [N, D_OUT]
    return h


if False:  # reference __main__ guard neutralized (emitter)
    out = reference(**setup_inputs())
    print(out.shape, out.dtype)

if __name__ == "__main__":
    import jax
    _d = setup_inputs()
    print(jax.jit(kernel)(*tuple(_d.values())))

</pallas_src>

<mosaic_0001>
#map = affine_map<(d0, d1) -> (0, 0)>
#map1 = affine_map<(d0, d1) -> (0, 0, 0)>
module attributes {stable_mosaic.version = 14 : i64} {
  func.func @body(%arg0: i32, %arg1: i32, %arg2: memref<160000x128xf32, #tpu.memory_space<hbm>>, %arg3: memref<32x128x80xi32, #tpu.memory_space<hbm>>, %arg4: memref<32x128x80xi32, #tpu.memory_space<hbm>>, %arg5: memref<32x128x80xi32, #tpu.memory_space<hbm>>, %arg6: memref<32x128x80xf32, #tpu.memory_space<hbm>>, %arg7: memref<2x10240x128xf32, #tpu.memory_space<hbm>>, %arg8: memref<16x80xi32, #tpu.memory_space<vmem>>, %arg9: memref<16x80xi32, #tpu.memory_space<vmem>>, %arg10: memref<16x80xi32, #tpu.memory_space<vmem>>, %arg11: memref<16x80xf32, #tpu.memory_space<vmem>>, %arg12: memref<80x128xf32, #tpu.memory_space<vmem>>, %arg13: memref<80x128xf32, #tpu.memory_space<vmem>>, %arg14: memref<80x128xf32, #tpu.memory_space<vmem>>, %arg15: memref<80x128xf32, #tpu.memory_space<vmem>>, %arg16: memref<10240x128xf32, #tpu.memory_space<vmem_shared>>, %arg17: memref<!tpu.dma_semaphore, #tpu.memory_space<semaphore_mem>>, %arg18: memref<!tpu.dma_semaphore, #tpu.memory_space<semaphore_mem>>, %arg19: memref<!tpu.dma_semaphore, #tpu.memory_space<semaphore_mem>>, %arg20: memref<!tpu.dma_semaphore, #tpu.memory_space<semaphore_mem>>) attributes {dimension_semantics = [#tpu.dimension_semantics<core_parallel>, #tpu.dimension_semantics<subcore_parallel>], iteration_bounds = array<i64: 2, 16>, scalar_prefetch = 0 : i64, scratch_operands = 13 : i64, tpu.core_type = #tpu.core_type<sc_vector_subcore>, window_params = [{transform_indices = #map}, {transform_indices = #map1}, {transform_indices = #map1}, {transform_indices = #map1}, {transform_indices = #map1}, {transform_indices = #map1}]} {
    %mul3A = arith.constant 2 : i32
    %mul3A_0 = arith.muli %arg1, %mul3A : i32
    %add3A = arith.addi %mul3A_0, %arg0 : i32
    %broadcast_in_dim3A = arith.constant 0.000000e+00 : f32
    %broadcast_in_dim3A_1 = vector.broadcast %broadcast_in_dim3A : f32 to vector<16xf32>
    %parallel_loop3A = arith.constant 0 : i32
    %parallel_loop3A_2 = arith.constant 80 : i32
    %parallel_loop3A_3 = arith.constant 1 : i32
    scf.for %parallel_loop3A_74 = %parallel_loop3A to %parallel_loop3A_2 step %parallel_loop3A_3  : i32 {
      %parallel_loop3A_75 = arith.index_cast %parallel_loop3A_74 : i32 to index
      %parallel_loop3A_76 = arith.constant 0 : index
      %parallel_loop3A_77 = tpu.vector_load %arg14[%parallel_loop3A_75, %parallel_loop3A_76] {strides = array<i32>} : memref<80x128xf32, #tpu.memory_space<vmem>>, vector<1x16xf32>,
      %parallel_loop3A_78 = vector.shape_cast %parallel_loop3A_77 : vector<1x16xf32> to vector<16xf32>
      %parallel_loop3A_79 = vector.shape_cast %broadcast_in_dim3A_1 : vector<16xf32> to vector<1x16xf32>
      tpu.vector_store %arg14[%parallel_loop3A_75, %parallel_loop3A_76], %parallel_loop3A_79 {strides = array<i32>} : memref<80x128xf32, #tpu.memory_space<vmem>>, vector<1x16xf32>,
      %parallel_loop3A_80 = arith.index_cast %parallel_loop3A_74 : i32 to index
      %parallel_loop3A_81 = arith.constant 16 : index
      %parallel_loop3A_82 = tpu.vector_load %arg14[%parallel_loop3A_80, %parallel_loop3A_81] {strides = array<i32>} : memref<80x128xf32, #tpu.memory_space<vmem>>, vector<1x16xf32>,
      %parallel_loop3A_83 = vector.shape_cast %parallel_loop3A_82 : vector<1x16xf32> to vector<16xf32>
      %parallel_loop3A_84 = vector.shape_cast %broadcast_in_dim3A_1 : vector<16xf32> to vector<1x16xf32>
      tpu.vector_store %arg14[%parallel_loop3A_80, %parallel_loop3A_81], %parallel_loop3A_84 {strides = array<i32>} : memref<80x128xf32, #tpu.memory_space<vmem>>, vector<1x16xf32>,
      %parallel_loop3A_85 = arith.index_cast %parallel_loop3A_74 : i32 to index
      %parallel_loop3A_86 = arith.constant 32 : index
      %parallel_loop3A_87 = tpu.vector_load %arg14[%parallel_loop3A_85, %parallel_loop3A_86] {strides = array<i32>} : memref<80x128xf32, #tpu.memory_space<vmem>>, vector<1x16xf32>,
      %parallel_loop3A_88 = vector.shape_cast %parallel_loop3A_87 : vector<1x16xf32> to vector<16xf32>
      %parallel_loop3A_89 = vector.shape_cast %broadcast_in_dim3A_1 : vector<16xf32> to vector<1x16xf32>
      tpu.vector_store %arg14[%parallel_loop3A_85, %parallel_loop3A_86], %parallel_loop3A_89 {strides = array<i32>} : memref<80x128xf32, #tpu.memory_space<vmem>>, vector<1x16xf32>,
      %parallel_loop3A_90 = arith.index_cast %parallel_loop3A_74 : i32 to index
      %parallel_loop3A_91 = arith.constant 48 : index
      %parallel_loop3A_92 = tpu.vector_load %arg14[%parallel_loop3A_90, %parallel_loop3A_91] {strides = array<i32>} : memref<80x128xf32, #tpu.memory_space<vmem>>, vector<1x16xf32>,
      %parallel_loop3A_93 = vector.shape_cast %parallel_loop3A_92 : vector<1x16xf32> to vector<16xf32>
      %parallel_loop3A_94 = vector.shape_cast %broadcast_in_dim3A_1 : vector<16xf32> to vector<1x16xf32>
      tpu.vector_store %arg14[%parallel_loop3A_90, %parallel_loop3A_91], %parallel_loop3A_94 {strides = array<i32>} : memref<80x128xf32, #tpu.memory_space<vmem>>, vector<1x16xf32>,
      %parallel_loop3A_95 = arith.index_cast %parallel_loop3A_74 : i32 to index
      %parallel_loop3A_96 = arith.constant 64 : index
      %parallel_loop3A_97 = tpu.vector_load %arg14[%parallel_loop3A_95, %parallel_loop3A_96] {strides = array<i32>} : memref<80x128xf32, #tpu.memory_space<vmem>>, vector<1x16xf32>,
      %parallel_loop3A_98 = vector.shape_cast %parallel_loop3A_97 : vector<1x16xf32> to vector<16xf32>
      %parallel_loop3A_99 = vector.shape_cast %broadcast_in_dim3A_1 : vector<16xf32> to vector<1x16xf32>
      tpu.vector_store %arg14[%parallel_loop3A_95, %parallel_loop3A_96], %parallel_loop3A_99 {strides = array<i32>} : memref<80x128xf32, #tpu.memory_space<vmem>>, vector<1x16xf32>,
      %parallel_loop3A_100 = arith.index_cast %parallel_loop3A_74 : i32 to index
      %parallel_loop3A_101 = arith.constant 80 : index
      %parallel_loop3A_102 = tpu.vector_load %arg14[%parallel_loop3A_100, %parallel_loop3A_101] {strides = array<i32>} : memref<80x128xf32, #tpu.memory_space<vmem>>, vector<1x16xf32>,
      %parallel_loop3A_103 = vector.shape_cast %parallel_loop3A_102 : vector<1x16xf32> to vector<16xf32>
      %parallel_loop3A_104 = vector.shape_cast %broadcast_in_dim3A_1 : vector<16xf32> to vector<1x16xf32>
      tpu.vector_store %arg14[%parallel_loop3A_100, %parallel_loop3A_101], %parallel_loop3A_104 {strides = array<i32>} : memref<80x128xf32, #tpu.memory_space<vmem>>, vector<1x16xf32>,
      %parallel_loop3A_105 = arith.index_cast %parallel_loop3A_74 : i32 to index
      %parallel_loop3A_106 = arith.constant 96 : index
      %parallel_loop3A_107 = tpu.vector_load %arg14[%parallel_loop3A_105, %parallel_loop3A_106] {strides = array<i32>} : memref<80x128xf32, #tpu.memory_space<vmem>>, vector<1x16xf32>,
      %parallel_loop3A_108 = vector.shape_cast %parallel_loop3A_107 : vector<1x16xf32> to vector<16xf32>
      %parallel_loop3A_109 = vector.shape_cast %broadcast_in_dim3A_1 : vector<16xf32> to vector<1x16xf32>
      tpu.vector_store %arg14[%parallel_loop3A_105, %parallel_loop3A_106], %parallel_loop3A_109 {strides = array<i32>} : memref<80x128xf32, #tpu.memory_space<vmem>>, vector<1x16xf32>,
      %parallel_loop3A_110 = arith.index_cast %parallel_loop3A_74 : i32 to index
      %parallel_loop3A_111 = arith.constant 112 : index
      %parallel_loop3A_112 = tpu.vector_load %arg14[%parallel_loop3A_110, %parallel_loop3A_111] {strides = array<i32>} : memref<80x128xf32, #tpu.memory_space<vmem>>, vector<1x16xf32>,
      %parallel_loop3A_113 = vector.shape_cast %parallel_loop3A_112 : vector<1x16xf32> to vector<16xf32>
      %parallel_loop3A_114 = vector.shape_cast %broadcast_in_dim3A_1 : vector<16xf32> to vector<1x16xf32>
      tpu.vector_store %arg14[%parallel_loop3A_110, %parallel_loop3A_111], %parallel_loop3A_114 {strides = array<i32>} : memref<80x128xf32, #tpu.memory_space<vmem>>, vector<1x16xf32>,
    } {sc.loop_unroll_factor = 1 : i64, sc.parallel_access}
    %mul3A_4 = arith.constant 640 : i32
    %mul3A_5 = arith.muli %arg1, %mul3A_4 : i32
    %add3A_6 = arith.constant 0 : i32
    %add3A_7 = arith.addi %mul3A_5, %add3A_6 : i32
    "tpu.region"() ({
      %run_scoped3A = tpu.sem_alloc : memref<!tpu.dma_semaphore, #tpu.memory_space<semaphore_mem>>
      %dma_start3A = arith.constant 0 : i32
      %dma_start3A_74 = tpu.memref_slice %arg16[%add3A_7, %dma_start3A] : memref<10240x128xf32, #tpu.memory_space<vmem_shared>> -> memref<80x128xf32, #tpu.memory_space<vmem_shared>>
      %dma_start3A_75 = arith.constant 0 : i32
      %dma_start3A_76 = tpu.memref_slice %arg16[%add3A_7, %dma_start3A_75] : memref<10240x128xf32, #tpu.memory_space<vmem_shared>> -> memref<80x128xf32, #tpu.memory_space<vmem_shared>>
      tpu.enqueue_dma source(%arg14 : memref<80x128xf32, #tpu.memory_space<vmem>>) target(%dma_start3A_76 : memref<80x128xf32, #tpu.memory_space<vmem_shared>>) target_semaphore(%run_scoped3A : memref<!tpu.dma_semaphore, #tpu.memory_space<semaphore_mem>>)
      %dma_wait3A = arith.constant 0 : i32
      %dma_wait3A_77 = tpu.memref_slice %arg16[%add3A_7, %dma_wait3A] : memref<10240x128xf32, #tpu.memory_space<vmem_shared>> -> memref<80x128xf32, #tpu.memory_space<vmem_shared>>
      %dma_wait3A_78 = arith.constant 0 : i32
      %dma_wait3A_79 = tpu.memref_slice %arg16[%add3A_7, %dma_wait3A_78] : memref<10240x128xf32, #tpu.memory_space<vmem_shared>> -> memref<80x128xf32, #tpu.memory_space<vmem_shared>>
      tpu.wait_dma2 semaphore(%run_scoped3A : memref<!tpu.dma_semaphore, #tpu.memory_space<semaphore_mem>>) src(%arg14 : memref<80x128xf32, #tpu.memory_space<vmem>>) dst(%dma_wait3A_79 : memref<80x128xf32, #tpu.memory_space<vmem_shared>>)
      tpu.yield
    }) : () -> ()
    %mul3A_8 = arith.constant 640 : i32
    %mul3A_9 = arith.muli %arg1, %mul3A_8 : i32
    %add3A_10 = arith.constant 80 : i32
    %add3A_11 = arith.addi %mul3A_9, %add3A_10 : i32
    "tpu.region"() ({
      %run_scoped3A = tpu.sem_alloc : memref<!tpu.dma_semaphore, #tpu.memory_space<semaphore_mem>>
      %dma_start3A = arith.constant 0 : i32
      %dma_start3A_74 = tpu.memref_slice %arg16[%add3A_11, %dma_start3A] : memref<10240x128xf32, #tpu.memory_space<vmem_shared>> -> memref<80x128xf32, #tpu.memory_space<vmem_shared>>
      %dma_start3A_75 = arith.constant 0 : i32
      %dma_start3A_76 = tpu.memref_slice %arg16[%add3A_11, %dma_start3A_75] : memref<10240x128xf32, #tpu.memory_space<vmem_shared>> -> memref<80x128xf32, #tpu.memory_space<vmem_shared>>
      tpu.enqueue_dma source(%arg14 : memref<80x128xf32, #tpu.memory_space<vmem>>) target(%dma_start3A_76 : memref<80x128xf32, #tpu.memory_space<vmem_shared>>) target_semaphore(%run_scoped3A : memref<!tpu.dma_semaphore, #tpu.memory_space<semaphore_mem>>)
      %dma_wait3A = arith.constant 0 : i32
      %dma_wait3A_77 = tpu.memref_slice %arg16[%add3A_11, %dma_wait3A] : memref<10240x128xf32, #tpu.memory_space<vmem_shared>> -> memref<80x128xf32, #tpu.memory_space<vmem_shared>>
      %dma_wait3A_78 = arith.constant 0 : i32
      %dma_wait3A_79 = tpu.memref_slice %arg16[%add3A_11, %dma_wait3A_78] : memref<10240x128xf32, #tpu.memory_space<vmem_shared>> -> memref<80x128xf32, #tpu.memory_space<vmem_shared>>
      tpu.wait_dma2 semaphore(%run_scoped3A : memref<!tpu.dma_semaphore, #tpu.memory_space<semaphore_mem>>) src(%arg14 : memref<80x128xf32, #tpu.memory_space<vmem>>) dst(%dma_wait3A_79 : memref<80x128xf32, #tpu.memory_space<vmem_shared>>)
      tpu.yield
    }) : () -> ()
    %mul3A_12 = arith.constant 640 : i32
    %mul3A_13 = arith.muli %arg1, %mul3A_12 : i32
    %add3A_14 = arith.constant 160 : i32
    %add3A_15 = arith.addi %mul3A_13, %add3A_14 : i32
    "tpu.region"() ({
      %run_scoped3A = tpu.sem_alloc : memref<!tpu.dma_semaphore, #tpu.memory_space<semaphore_mem>>
      %dma_start3A = arith.constant 0 : i32
      %dma_start3A_74 = tpu.memref_slice %arg16[%add3A_15, %dma_start3A] : memref<10240x128xf32, #tpu.memory_space<vmem_shared>> -> memref<80x128xf32, #tpu.memory_space<vmem_shared>>
      %dma_start3A_75 = arith.constant 0 : i32
      %dma_start3A_76 = tpu.memref_slice %arg16[%add3A_15, %dma_start3A_75] : memref<10240x128xf32, #tpu.memory_space<vmem_shared>> -> memref<80x128xf32, #tpu.memory_space<vmem_shared>>
      tpu.enqueue_dma source(%arg14 : memref<80x128xf32, #tpu.memory_space<vmem>>) target(%dma_start3A_76 : memref<80x128xf32, #tpu.memory_space<vmem_shared>>) target_semaphore(%run_scoped3A : memref<!tpu.dma_semaphore, #tpu.memory_space<semaphore_mem>>)
      %dma_wait3A = arith.constant 0 : i32
      %dma_wait3A_77 = tpu.memref_slice %arg16[%add3A_15, %dma_wait3A] : memref<10240x128xf32, #tpu.memory_space<vmem_shared>> -> memref<80x128xf32, #tpu.memory_space<vmem_shared>>
      %dma_wait3A_78 = arith.constant 0 : i32
      %dma_wait3A_79 = tpu.memref_slice %arg16[%add3A_15, %dma_wait3A_78] : memref<10240x128xf32, #tpu.memory_space<vmem_shared>> -> memref<80x128xf32, #tpu.memory_space<vmem_shared>>
      tpu.wait_dma2 semaphore(%run_scoped3A : memref<!tpu.dma_semaphore, #tpu.memory_space<semaphore_mem>>) src(%arg14 : memref<80x128xf32, #tpu.memory_space<vmem>>) dst(%dma_wait3A_79 : memref<80x128xf32, #tpu.memory_space<vmem_shared>>)
      tpu.yield
    }) : () -> ()
    %mul3A_16 = arith.constant 640 : i32
    %mul3A_17 = arith.muli %arg1, %mul3A_16 : i32
    %add3A_18 = arith.constant 240 : i32
    %add3A_19 = arith.addi %mul3A_17, %add3A_18 : i32
    "tpu.region"() ({
      %run_scoped3A = tpu.sem_alloc : memref<!tpu.dma_semaphore, #tpu.memory_space<semaphore_mem>>
      %dma_start3A = arith.constant 0 : i32
      %dma_start3A_74 = tpu.memref_slice %arg16[%add3A_19, %dma_start3A] : memref<10240x128xf32, #tpu.memory_space<vmem_shared>> -> memref<80x128xf32, #tpu.memory_space<vmem_shared>>
      %dma_start3A_75 = arith.constant 0 : i32
      %dma_start3A_76 = tpu.memref_slice %arg16[%add3A_19, %dma_start3A_75] : memref<10240x128xf32, #tpu.memory_space<vmem_shared>> -> memref<80x128xf32, #tpu.memory_space<vmem_shared>>
      tpu.enqueue_dma source(%arg14 : memref<80x128xf32, #tpu.memory_space<vmem>>) target(%dma_start3A_76 : memref<80x128xf32, #tpu.memory_space<vmem_shared>>) target_semaphore(%run_scoped3A : memref<!tpu.dma_semaphore, #tpu.memory_space<semaphore_mem>>)
      %dma_wait3A = arith.constant 0 : i32
      %dma_wait3A_77 = tpu.memref_slice %arg16[%add3A_19, %dma_wait3A] : memref<10240x128xf32, #tpu.memory_space<vmem_shared>> -> memref<80x128xf32, #tpu.memory_space<vmem_shared>>
      %dma_wait3A_78 = arith.constant 0 : i32
      %dma_wait3A_79 = tpu.memref_slice %arg16[%add3A_19, %dma_wait3A_78] : memref<10240x128xf32, #tpu.memory_space<vmem_shared>> -> memref<80x128xf32, #tpu.memory_space<vmem_shared>>
      tpu.wait_dma2 semaphore(%run_scoped3A : memref<!tpu.dma_semaphore, #tpu.memory_space<semaphore_mem>>) src(%arg14 : memref<80x128xf32, #tpu.memory_space<vmem>>) dst(%dma_wait3A_79 : memref<80x128xf32, #tpu.memory_space<vmem_shared>>)
      tpu.yield
    }) : () -> ()
    %mul3A_20 = arith.constant 640 : i32
    %mul3A_21 = arith.muli %arg1, %mul3A_20 : i32
    %add3A_22 = arith.constant 320 : i32
    %add3A_23 = arith.addi %mul3A_21, %add3A_22 : i32
    "tpu.region"() ({
      %run_scoped3A = tpu.sem_alloc : memref<!tpu.dma_semaphore, #tpu.memory_space<semaphore_mem>>
      %dma_start3A = arith.constant 0 : i32
      %dma_start3A_74 = tpu.memref_slice %arg16[%add3A_23, %dma_start3A] : memref<10240x128xf32, #tpu.memory_space<vmem_shared>> -> memref<80x128xf32, #tpu.memory_space<vmem_shared>>
      %dma_start3A_75 = arith.constant 0 : i32
      %dma_start3A_76 = tpu.memref_slice %arg16[%add3A_23, %dma_start3A_75] : memref<10240x128xf32, #tpu.memory_space<vmem_shared>> -> memref<80x128xf32, #tpu.memory_space<vmem_shared>>
      tpu.enqueue_dma source(%arg14 : memref<80x128xf32, #tpu.memory_space<vmem>>) target(%dma_start3A_76 : memref<80x128xf32, #tpu.memory_space<vmem_shared>>) target_semaphore(%run_scoped3A : memref<!tpu.dma_semaphore, #tpu.memory_space<semaphore_mem>>)
      %dma_wait3A = arith.constant 0 : i32
      %dma_wait3A_77 = tpu.memref_slice %arg16[%add3A_23, %dma_wait3A] : memref<10240x128xf32, #tpu.memory_space<vmem_shared>> -> memref<80x128xf32, #tpu.memory_space<vmem_shared>>
      %dma_wait3A_78 = arith.constant 0 : i32
      %dma_wait3A_79 = tpu.memref_slice %arg16[%add3A_23, %dma_wait3A_78] : memref<10240x128xf32, #tpu.memory_space<vmem_shared>> -> memref<80x128xf32, #tpu.memory_space<vmem_shared>>
      tpu.wait_dma2 semaphore(%run_scoped3A : memref<!tpu.dma_semaphore, #tpu.memory_space<semaphore_mem>>) src(%arg14 : memref<80x128xf32, #tpu.memory_space<vmem>>) dst(%dma_wait3A_79 : memref<80x128xf32, #tpu.memory_space<vmem_shared>>)
      tpu.yield
    }) : () -> ()
    %mul3A_24 = arith.constant 640 : i32
    %mul3A_25 = arith.muli %arg1, %mul3A_24 : i32
    %add3A_26 = arith.constant 400 : i32
    %add3A_27 = arith.addi %mul3A_25, %add3A_26 : i32
    "tpu.region"() ({
      %run_scoped3A = tpu.sem_alloc : memref<!tpu.dma_semaphore, #tpu.memory_space<semaphore_mem>>
      %dma_start3A = arith.constant 0 : i32
      %dma_start3A_74 = tpu.memref_slice %arg16[%add3A_27, %dma_start3A] : memref<10240x128xf32, #tpu.memory_space<vmem_shared>> -> memref<80x128xf32, #tpu.memory_space<vmem_shared>>
      %dma_start3A_75 = arith.constant 0 : i32
      %dma_start3A_76 = tpu.memref_slice %arg16[%add3A_27, %dma_start3A_75] : memref<10240x128xf32, #tpu.memory_space<vmem_shared>> -> memref<80x128xf32, #tpu.memory_space<vmem_shared>>
      tpu.enqueue_dma source(%arg14 : memref<80x128xf32, #tpu.memory_space<vmem>>) target(%dma_start3A_76 : memref<80x128xf32, #tpu.memory_space<vmem_shared>>) target_semaphore(%run_scoped3A : memref<!tpu.dma_semaphore, #tpu.memory_space<semaphore_mem>>)
      %dma_wait3A = arith.constant 0 : i32
      %dma_wait3A_77 = tpu.memref_slice %arg16[%add3A_27, %dma_wait3A] : memref<10240x128xf32, #tpu.memory_space<vmem_shared>> -> memref<80x128xf32, #tpu.memory_space<vmem_shared>>
      %dma_wait3A_78 = arith.constant 0 : i32
      %dma_wait3A_79 = tpu.memref_slice %arg16[%add3A_27, %dma_wait3A_78] : memref<10240x128xf32, #tpu.memory_space<vmem_shared>> -> memref<80x128xf32, #tpu.memory_space<vmem_shared>>
      tpu.wait_dma2 semaphore(%run_scoped3A : memref<!tpu.dma_semaphore, #tpu.memory_space<semaphore_mem>>) src(%arg14 : memref<80x128xf32, #tpu.memory_space<vmem>>) dst(%dma_wait3A_79 : memref<80x128xf32, #tpu.memory_space<vmem_shared>>)
      tpu.yield
    }) : () -> ()
    %mul3A_28 = arith.constant 640 : i32
    %mul3A_29 = arith.muli %arg1, %mul3A_28 : i32
    %add3A_30 = arith.constant 480 : i32
    %add3A_31 = arith.addi %mul3A_29, %add3A_30 : i32
    "tpu.region"() ({
      %run_scoped3A = tpu.sem_alloc : memref<!tpu.dma_semaphore, #tpu.memory_space<semaphore_mem>>
      %dma_start3A = arith.constant 0 : i32
      %dma_start3A_74 = tpu.memref_slice %arg16[%add3A_31, %dma_start3A] : memref<10240x128xf32, #tpu.memory_space<vmem_shared>> -> memref<80x128xf32, #tpu.memory_space<vmem_shared>>
      %dma_start3A_75 = arith.constant 0 : i32
      %dma_start3A_76 = tpu.memref_slice %arg16[%add3A_31, %dma_start3A_75] : memref<10240x128xf32, #tpu.memory_space<vmem_shared>> -> memref<80x128xf32, #tpu.memory_space<vmem_shared>>
      tpu.enqueue_dma source(%arg14 : memref<80x128xf32, #tpu.memory_space<vmem>>) target(%dma_start3A_76 : memref<80x128xf32, #tpu.memory_space<vmem_shared>>) target_semaphore(%run_scoped3A : memref<!tpu.dma_semaphore, #tpu.memory_space<semaphore_mem>>)
      %dma_wait3A = arith.constant 0 : i32
      %dma_wait3A_77 = tpu.memref_slice %arg16[%add3A_31, %dma_wait3A] : memref<10240x128xf32, #tpu.memory_space<vmem_shared>> -> memref<80x128xf32, #tpu.memory_space<vmem_shared>>
      %dma_wait3A_78 = arith.constant 0 : i32
      %dma_wait3A_79 = tpu.memref_slice %arg16[%add3A_31, %dma_wait3A_78] : memref<10240x128xf32, #tpu.memory_space<vmem_shared>> -> memref<80x128xf32, #tpu.memory_space<vmem_shared>>
      tpu.wait_dma2 semaphore(%run_scoped3A : memref<!tpu.dma_semaphore, #tpu.memory_space<semaphore_mem>>) src(%arg14 : memref<80x128xf32, #tpu.memory_space<vmem>>) dst(%dma_wait3A_79 : memref<80x128xf32, #tpu.memory_space<vmem_shared>>)
      tpu.yield
    }) : () -> ()
    %mul3A_32 = arith.constant 640 : i32
    %mul3A_33 = arith.muli %arg1, %mul3A_32 : i32
    %add3A_34 = arith.constant 560 : i32
    %add3A_35 = arith.addi %mul3A_33, %add3A_34 : i32
    "tpu.region"() ({
      %run_scoped3A = tpu.sem_alloc : memref<!tpu.dma_semaphore, #tpu.memory_space<semaphore_mem>>
      %dma_start3A = arith.constant 0 : i32
      %dma_start3A_74 = tpu.memref_slice %arg16[%add3A_35, %dma_start3A] : memref<10240x128xf32, #tpu.memory_space<vmem_shared>> -> memref<80x128xf32, #tpu.memory_space<vmem_shared>>
      %dma_start3A_75 = arith.constant 0 : i32
      %dma_start3A_76 = tpu.memref_slice %arg16[%add3A_35, %dma_start3A_75] : memref<10240x128xf32, #tpu.memory_space<vmem_shared>> -> memref<80x128xf32, #tpu.memory_space<vmem_shared>>
      tpu.enqueue_dma source(%arg14 : memref<80x128xf32, #tpu.memory_space<vmem>>) target(%dma_start3A_76 : memref<80x128xf32, #tpu.memory_space<vmem_shared>>) target_semaphore(%run_scoped3A : memref<!tpu.dma_semaphore, #tpu.memory_space<semaphore_mem>>)
      %dma_wait3A = arith.constant 0 : i32
      %dma_wait3A_77 = tpu.memref_slice %arg16[%add3A_35, %dma_wait3A] : memref<10240x128xf32, #tpu.memory_space<vmem_shared>> -> memref<80x128xf32, #tpu.memory_space<vmem_shared>>
      %dma_wait3A_78 = arith.constant 0 : i32
      %dma_wait3A_79 = tpu.memref_slice %arg16[%add3A_35, %dma_wait3A_78] : memref<10240x128xf32, #tpu.memory_space<vmem_shared>> -> memref<80x128xf32, #tpu.memory_space<vmem_shared>>
      tpu.wait_dma2 semaphore(%run_scoped3A : memref<!tpu.dma_semaphore, #tpu.memory_space<semaphore_mem>>) src(%arg14 : memref<80x128xf32, #tpu.memory_space<vmem>>) dst(%dma_wait3A_79 : memref<80x128xf32, #tpu.memory_space<vmem_shared>>)
      tpu.yield
    }) : () -> ()
    %barrier3A = arith.constant 0 : index
    tpu.barrier barrier_id(%barrier3A)
    %scan3A = arith.constant 0 : i32
    %scan3A_36 = arith.constant 0 : i32
    %scan3A_37 = arith.constant 8 : i32
    %scan3A_38 = arith.addi %scan3A_36, %scan3A_37 : i32
    %scan3A_39 = arith.constant 1 : i32
    scf.for %scan3A_74 = %scan3A_36 to %scan3A_38 step %scan3A_39  : i32 {
      %mul3A_75 = arith.constant 16 : i32
      %mul3A_76 = arith.muli %scan3A_74, %mul3A_75 : i32
      "tpu.region"() ({
        %run_scoped3A = tpu.sem_alloc : memref<!tpu.dma_semaphore, #tpu.memory_space<semaphore_mem>>
        %dma_start3A_212 = arith.constant 0 : i32
        %dma_start3A_213 = tpu.memref_slice %arg3[%add3A, %mul3A_76, %dma_start3A_212] : memref<32x128x80xi32, #tpu.memory_space<hbm>> -> memref<1x16x80xi32, #tpu.memory_space<hbm>>
        %dma_start3A_214 = tpu.memref_squeeze %dma_start3A_213 : memref<1x16x80xi32, #tpu.memory_space<hbm>> -> memref<16x80xi32, #tpu.memory_space<hbm>>
        %dma_start3A_215 = arith.constant 0 : i32
        %dma_start3A_216 = tpu.memref_slice %arg3[%add3A, %mul3A_76, %dma_start3A_215] : memref<32x128x80xi32, #tpu.memory_space<hbm>> -> memref<1x16x80xi32, #tpu.memory_space<hbm>>
        %dma_start3A_217 = tpu.memref_squeeze %dma_start3A_216 : memref<1x16x80xi32, #tpu.memory_space<hbm>> -> memref<16x80xi32, #tpu.memory_space<hbm>>
        tpu.enqueue_dma source(%dma_start3A_217 : memref<16x80xi32, #tpu.memory_space<hbm>>) target(%arg8 : memref<16x80xi32, #tpu.memory_space<vmem>>) target_semaphore(%run_scoped3A : memref<!tpu.dma_semaphore, #tpu.memory_space<semaphore_mem>>)
        %dma_wait3A_218 = arith.constant 0 : i32
        %dma_wait3A_219 = tpu.memref_slice %arg3[%add3A, %mul3A_76, %dma_wait3A_218] : memref<32x128x80xi32, #tpu.memory_space<hbm>> -> memref<1x16x80xi32, #tpu.memory_space<hbm>>
        %dma_wait3A_220 = tpu.memref_squeeze %dma_wait3A_219 : memref<1x16x80xi32, #tpu.memory_space<hbm>> -> memref<16x80xi32, #tpu.memory_space<hbm>>
        %dma_wait3A_221 = arith.constant 0 : i32
        %dma_wait3A_222 = tpu.memref_slice %arg3[%add3A, %mul3A_76, %dma_wait3A_221] : memref<32x128x80xi32, #tpu.memory_space<hbm>> -> memref<1x16x80xi32, #tpu.memory_space<hbm>>
        %dma_wait3A_223 = tpu.memref_squeeze %dma_wait3A_222 : memref<1x16x80xi32, #tpu.memory_space<hbm>> -> memref<16x80xi32, #tpu.memory_space<hbm>>
        tpu.wait_dma2 semaphore(%run_scoped3A : memref<!tpu.dma_semaphore, #tpu.memory_space<semaphore_mem>>) src(%dma_wait3A_223 : memref<16x80xi32, #tpu.memory_space<hbm>>) dst(%arg8 : memref<16x80xi32, #tpu.memory_space<vmem>>)
        tpu.yield
      }) : () -> ()
      "tpu.region"() ({
        %run_scoped3A = tpu.sem_alloc : memref<!tpu.dma_semaphore, #tpu.memory_space<semaphore_mem>>
        %dma_start3A_212 = arith.constant 0 : i32
        %dma_start3A_213 = tpu.memref_slice %arg4[%add3A, %mul3A_76, %dma_start3A_212] : memref<32x128x80xi32, #tpu.memory_space<hbm>> -> memref<1x16x80xi32, #tpu.memory_space<hbm>>
        %dma_start3A_214 = tpu.memref_squeeze %dma_start3A_213 : memref<1x16x80xi32, #tpu.memory_space<hbm>> -> memref<16x80xi32, #tpu.memory_space<hbm>>
        %dma_start3A_215 = arith.constant 0 : i32
        %dma_start3A_216 = tpu.memref_slice %arg4[%add3A, %mul3A_76, %dma_start3A_215] : memref<32x128x80xi32, #tpu.memory_space<hbm>> -> memref<1x16x80xi32, #tpu.memory_space<hbm>>
        %dma_start3A_217 = tpu.memref_squeeze %dma_start3A_216 : memref<1x16x80xi32, #tpu.memory_space<hbm>> -> memref<16x80xi32, #tpu.memory_space<hbm>>
        tpu.enqueue_dma source(%dma_start3A_217 : memref<16x80xi32, #tpu.memory_space<hbm>>) target(%arg9 : memref<16x80xi32, #tpu.memory_space<vmem>>) target_semaphore(%run_scoped3A : memref<!tpu.dma_semaphore, #tpu.memory_space<semaphore_mem>>)
        %dma_wait3A_218 = arith.constant 0 : i32
        %dma_wait3A_219 = tpu.memref_slice %arg4[%add3A, %mul3A_76, %dma_wait3A_218] : memref<32x128x80xi32, #tpu.memory_space<hbm>> -> memref<1x16x80xi32, #tpu.memory_space<hbm>>
        %dma_wait3A_220 = tpu.memref_squeeze %dma_wait3A_219 : memref<1x16x80xi32, #tpu.memory_space<hbm>> -> memref<16x80xi32, #tpu.memory_space<hbm>>
        %dma_wait3A_221 = arith.constant 0 : i32
        %dma_wait3A_222 = tpu.memref_slice %arg4[%add3A, %mul3A_76, %dma_wait3A_221] : memref<32x128x80xi32, #tpu.memory_space<hbm>> -> memref<1x16x80xi32, #tpu.memory_space<hbm>>
        %dma_wait3A_223 = tpu.memref_squeeze %dma_wait3A_222 : memref<1x16x80xi32, #tpu.memory_space<hbm>> -> memref<16x80xi32, #tpu.memory_space<hbm>>
        tpu.wait_dma2 semaphore(%run_scoped3A : memref<!tpu.dma_semaphore, #tpu.memory_space<semaphore_mem>>) src(%dma_wait3A_223 : memref<16x80xi32, #tpu.memory_space<hbm>>) dst(%arg9 : memref<16x80xi32, #tpu.memory_space<vmem>>)
        tpu.yield
      }) : () -> ()
      "tpu.region"() ({
        %run_scoped3A = tpu.sem_alloc : memref<!tpu.dma_semaphore, #tpu.memory_space<semaphore_mem>>
        %dma_start3A_212 = arith.constant 0 : i32
        %dma_start3A_213 = tpu.memref_slice %arg5[%add3A, %mul3A_76, %dma_start3A_212] : memref<32x128x80xi32, #tpu.memory_space<hbm>> -> memref<1x16x80xi32, #tpu.memory_space<hbm>>
        %dma_start3A_214 = tpu.memref_squeeze %dma_start3A_213 : memref<1x16x80xi32, #tpu.memory_space<hbm>> -> memref<16x80xi32, #tpu.memory_space<hbm>>
        %dma_start3A_215 = arith.constant 0 : i32
        %dma_start3A_216 = tpu.memref_slice %arg5[%add3A, %mul3A_76, %dma_start3A_215] : memref<32x128x80xi32, #tpu.memory_space<hbm>> -> memref<1x16x80xi32, #tpu.memory_space<hbm>>
        %dma_start3A_217 = tpu.memref_squeeze %dma_start3A_216 : memref<1x16x80xi32, #tpu.memory_space<hbm>> -> memref<16x80xi32, #tpu.memory_space<hbm>>
        tpu.enqueue_dma source(%dma_start3A_217 : memref<16x80xi32, #tpu.memory_space<hbm>>) target(%arg10 : memref<16x80xi32, #tpu.memory_space<vmem>>) target_semaphore(%run_scoped3A : memref<!tpu.dma_semaphore, #tpu.memory_space<semaphore_mem>>)
        %dma_wait3A_218 = arith.constant 0 : i32
        %dma_wait3A_219 = tpu.memref_slice %arg5[%add3A, %mul3A_76, %dma_wait3A_218] : memref<32x128x80xi32, #tpu.memory_space<hbm>> -> memref<1x16x80xi32, #tpu.memory_space<hbm>>
        %dma_wait3A_220 = tpu.memref_squeeze %dma_wait3A_219 : memref<1x16x80xi32, #tpu.memory_space<hbm>> -> memref<16x80xi32, #tpu.memory_space<hbm>>
        %dma_wait3A_221 = arith.constant 0 : i32
        %dma_wait3A_222 = tpu.memref_slice %arg5[%add3A, %mul3A_76, %dma_wait3A_221] : memref<32x128x80xi32, #tpu.memory_space<hbm>> -> memref<1x16x80xi32, #tpu.memory_space<hbm>>
        %dma_wait3A_223 = tpu.memref_squeeze %dma_wait3A_222 : memref<1x16x80xi32, #tpu.memory_space<hbm>> -> memref<16x80xi32, #tpu.memory_space<hbm>>
        tpu.wait_dma2 semaphore(%run_scoped3A : memref<!tpu.dma_semaphore, #tpu.memory_space<semaphore_mem>>) src(%dma_wait3A_223 : memref<16x80xi32, #tpu.memory_space<hbm>>) dst(%arg10 : memref<16x80xi32, #tpu.memory_space<vmem>>)
        tpu.yield
      }) : () -> ()
      "tpu.region"() ({
        %run_scoped3A = tpu.sem_alloc : memref<!tpu.dma_semaphore, #tpu.memory_space<semaphore_mem>>
        %dma_start3A_212 = arith.constant 0 : i32
        %dma_start3A_213 = tpu.memref_slice %arg6[%add3A, %mul3A_76, %dma_start3A_212] : memref<32x128x80xf32, #tpu.memory_space<hbm>> -> memref<1x16x80xf32, #tpu.memory_space<hbm>>
        %dma_start3A_214 = tpu.memref_squeeze %dma_start3A_213 : memref<1x16x80xf32, #tpu.memory_space<hbm>> -> memref<16x80xf32, #tpu.memory_space<hbm>>
        %dma_start3A_215 = arith.constant 0 : i32
        %dma_start3A_216 = tpu.memref_slice %arg6[%add3A, %mul3A_76, %dma_start3A_215] : memref<32x128x80xf32, #tpu.memory_space<hbm>> -> memref<1x16x80xf32, #tpu.memory_space<hbm>>
        %dma_start3A_217 = tpu.memref_squeeze %dma_start3A_216 : memref<1x16x80xf32, #tpu.memory_space<hbm>> -> memref<16x80xf32, #tpu.memory_space<hbm>>
        tpu.enqueue_dma source(%dma_start3A_217 : memref<16x80xf32, #tpu.memory_space<hbm>>) target(%arg11 : memref<16x80xf32, #tpu.memory_space<vmem>>) target_semaphore(%run_scoped3A : memref<!tpu.dma_semaphore, #tpu.memory_space<semaphore_mem>>)
        %dma_wait3A_218 = arith.constant 0 : i32
        %dma_wait3A_219 = tpu.memref_slice %arg6[%add3A, %mul3A_76, %dma_wait3A_218] : memref<32x128x80xf32, #tpu.memory_space<hbm>> -> memref<1x16x80xf32, #tpu.memory_space<hbm>>
        %dma_wait3A_220 = tpu.memref_squeeze %dma_wait3A_219 : memref<1x16x80xf32, #tpu.memory_space<hbm>> -> memref<16x80xf32, #tpu.memory_space<hbm>>
        %dma_wait3A_221 = arith.constant 0 : i32
        %dma_wait3A_222 = tpu.memref_slice %arg6[%add3A, %mul3A_76, %dma_wait3A_221] : memref<32x128x80xf32, #tpu.memory_space<hbm>> -> memref<1x16x80xf32, #tpu.memory_space<hbm>>
        %dma_wait3A_223 = tpu.memref_squeeze %dma_wait3A_222 : memref<1x16x80xf32, #tpu.memory_space<hbm>> -> memref<16x80xf32, #tpu.memory_space<hbm>>
        tpu.wait_dma2 semaphore(%run_scoped3A : memref<!tpu.dma_semaphore, #tpu.memory_space<semaphore_mem>>) src(%dma_wait3A_223 : memref<16x80xf32, #tpu.memory_space<hbm>>) dst(%arg11 : memref<16x80xf32, #tpu.memory_space<vmem>>)
        tpu.yield
      }) : () -> ()
      %parallel_loop3A_77 = arith.constant 0 : i32
      %parallel_loop3A_78 = arith.constant 16 : i32
      %parallel_loop3A_79 = arith.constant 1 : i32
      scf.for %parallel_loop3A_212 = %parallel_loop3A_77 to %parallel_loop3A_78 step %parallel_loop3A_79  : i32 {
        %parallel_loop3A_213 = arith.index_cast %parallel_loop3A_212 : i32 to index
        %parallel_loop3A_214 = arith.constant 0 : index
        %parallel_loop3A_215 = tpu.vector_load %arg9[%parallel_loop3A_213, %parallel_loop3A_214] {strides = array<i32>} : memref<16x80xi32, #tpu.memory_space<vmem>>, vector<1x16xi32>,
        %parallel_loop3A_216 = vector.shape_cast %parallel_loop3A_215 : vector<1x16xi32> to vector<16xi32>
        %parallel_loop3A_217 = arith.constant 10000 : i32
        %parallel_loop3A_218 = vector.broadcast %parallel_loop3A_217 : i32 to vector<16xi32>
        %parallel_loop3A_219 = arith.muli %parallel_loop3A_216, %parallel_loop3A_218 : vector<16xi32>
        %parallel_loop3A_220 = arith.index_cast %parallel_loop3A_212 : i32 to index
        %parallel_loop3A_221 = arith.constant 0 : index
        %parallel_loop3A_222 = tpu.vector_load %arg8[%parallel_loop3A_220, %parallel_loop3A_221] {strides = array<i32>} : memref<16x80xi32, #tpu.memory_space<vmem>>, vector<1x16xi32>,
        %parallel_loop3A_223 = vector.shape_cast %parallel_loop3A_222 : vector<1x16xi32> to vector<16xi32>
        %parallel_loop3A_224 = arith.addi %parallel_loop3A_219, %parallel_loop3A_223 : vector<16xi32>
        %parallel_loop3A_225 = arith.index_cast %parallel_loop3A_212 : i32 to index
        %parallel_loop3A_226 = arith.constant 0 : index
        %parallel_loop3A_227 = tpu.vector_load %arg8[%parallel_loop3A_225, %parallel_loop3A_226] {strides = array<i32>} : memref<16x80xi32, #tpu.memory_space<vmem>>, vector<1x16xi32>,
        %parallel_loop3A_228 = vector.shape_cast %parallel_loop3A_227 : vector<1x16xi32> to vector<16xi32>
        %parallel_loop3A_229 = vector.shape_cast %parallel_loop3A_224 : vector<16xi32> to vector<1x16xi32>
        tpu.vector_store %arg8[%parallel_loop3A_225, %parallel_loop3A_226], %parallel_loop3A_229 {strides = array<i32>} : memref<16x80xi32, #tpu.memory_space<vmem>>, vector<1x16xi32>,
        %parallel_loop3A_230 = arith.index_cast %parallel_loop3A_212 : i32 to index
        %parallel_loop3A_231 = arith.constant 16 : index
        %parallel_loop3A_232 = tpu.vector_load %arg9[%parallel_loop3A_230, %parallel_loop3A_231] {strides = array<i32>} : memref<16x80xi32, #tpu.memory_space<vmem>>, vector<1x16xi32>,
        %parallel_loop3A_233 = vector.shape_cast %parallel_loop3A_232 : vector<1x16xi32> to vector<16xi32>
        %parallel_loop3A_234 = arith.constant 10000 : i32
        %parallel_loop3A_235 = vector.broadcast %parallel_loop3A_234 : i32 to vector<16xi32>
        %parallel_loop3A_236 = arith.muli %parallel_loop3A_233, %parallel_loop3A_235 : vector<16xi32>
        %parallel_loop3A_237 = arith.index_cast %parallel_loop3A_212 : i32 to index
        %parallel_loop3A_238 = arith.constant 16 : index
        %parallel_loop3A_239 = tpu.vector_load %arg8[%parallel_loop3A_237, %parallel_loop3A_238] {strides = array<i32>} : memref<16x80xi32, #tpu.memory_space<vmem>>, vector<1x16xi32>,
        %parallel_loop3A_240 = vector.shape_cast %parallel_loop3A_239 : vector<1x16xi32> to vector<16xi32>
        %parallel_loop3A_241 = arith.addi %parallel_loop3A_236, %parallel_loop3A_240 : vector<16xi32>
        %parallel_loop3A_242 = arith.index_cast %parallel_loop3A_212 : i32 to index
        %parallel_loop3A_243 = arith.constant 16 : index
        %parallel_loop3A_244 = tpu.vector_load %arg8[%parallel_loop3A_242, %parallel_loop3A_243] {strides = array<i32>} : memref<16x80xi32, #tpu.memory_space<vmem>>, vector<1x16xi32>,
        %parallel_loop3A_245 = vector.shape_cast %parallel_loop3A_244 : vector<1x16xi32> to vector<16xi32>
        %parallel_loop3A_246 = vector.shape_cast %parallel_loop3A_241 : vector<16xi32> to vector<1x16xi32>
        tpu.vector_store %arg8[%parallel_loop3A_242, %parallel_loop3A_243], %parallel_loop3A_246 {strides = array<i32>} : memref<16x80xi32, #tpu.memory_space<vmem>>, vector<1x16xi32>,
        %parallel_loop3A_247 = arith.index_cast %parallel_loop3A_212 : i32 to index
        %parallel_loop3A_248 = arith.constant 32 : index
        %parallel_loop3A_249 = tpu.vector_load %arg9[%parallel_loop3A_247, %parallel_loop3A_248] {strides = array<i32>} : memref<16x80xi32, #tpu.memory_space<vmem>>, vector<1x16xi32>,
        %parallel_loop3A_250 = vector.shape_cast %parallel_loop3A_249 : vector<1x16xi32> to vector<16xi32>
        %parallel_loop3A_251 = arith.constant 10000 : i32
        %parallel_loop3A_252 = vector.broadcast %parallel_loop3A_251 : i32 to vector<16xi32>
        %parallel_loop3A_253 = arith.muli %parallel_loop3A_250, %parallel_loop3A_252 : vector<16xi32>
        %parallel_loop3A_254 = arith.index_cast %parallel_loop3A_212 : i32 to index
        %parallel_loop3A_255 = arith.constant 32 : index
        %parallel_loop3A_256 = tpu.vector_load %arg8[%parallel_loop3A_254, %parallel_loop3A_255] {strides = array<i32>} : memref<16x80xi32, #tpu.memory_space<vmem>>, vector<1x16xi32>,
        %parallel_loop3A_257 = vector.shape_cast %parallel_loop3A_256 : vector<1x16xi32> to vector<16xi32>
        %parallel_loop3A_258 = arith.addi %parallel_loop3A_253, %parallel_loop3A_257 : vector<16xi32>
        %parallel_loop3A_259 = arith.index_cast %parallel_loop3A_212 : i32 to index
        %parallel_loop3A_260 = arith.constant 32 : index
        %parallel_loop3A_261 = tpu.vector_load %arg8[%parallel_loop3A_259, %parallel_loop3A_260] {strides = array<i32>} : memref<16x80xi32, #tpu.memory_space<vmem>>, vector<1x16xi32>,
        %parallel_loop3A_262 = vector.shape_cast %parallel_loop3A_261 : vector<1x16xi32> to vector<16xi32>
        %parallel_loop3A_263 = vector.shape_cast %parallel_loop3A_258 : vector<16xi32> to vector<1x16xi32>
        tpu.vector_store %arg8[%parallel_loop3A_259, %parallel_loop3A_260], %parallel_loop3A_263 {strides = array<i32>} : memref<16x80xi32, #tpu.memory_space<vmem>>, vector<1x16xi32>,
        %parallel_loop3A_264 = arith.index_cast %parallel_loop3A_212 : i32 to index
        %parallel_loop3A_265 = arith.constant 48 : index
        %parallel_loop3A_266 = tpu.vector_load %arg9[%parallel_loop3A_264, %parallel_loop3A_265] {strides = array<i32>} : memref<16x80xi32, #tpu.memory_space<vmem>>, vector<1x16xi32>,
        %parallel_loop3A_267 = vector.shape_cast %parallel_loop3A_266 : vector<1x16xi32> to vector<16xi32>
        %parallel_loop3A_268 = arith.constant 10000 : i32
        %parallel_loop3A_269 = vector.broadcast %parallel_loop3A_268 : i32 to vector<16xi32>
        %parallel_loop3A_270 = arith.muli %parallel_loop3A_267, %parallel_loop3A_269 : vector<16xi32>
        %parallel_loop3A_271 = arith.index_cast %parallel_loop3A_212 : i32 to index
        %parallel_loop3A_272 = arith.constant 48 : index
        %parallel_loop3A_273 = tpu.vector_load %arg8[%parallel_loop3A_271, %parallel_loop3A_272] {strides = array<i32>} : memref<16x80xi32, #tpu.memory_space<vmem>>, vector<1x16xi32>,
        %parallel_loop3A_274 = vector.shape_cast %parallel_loop3A_273 : vector<1x16xi32> to vector<16xi32>
        %parallel_loop3A_275 = arith.addi %parallel_loop3A_270, %parallel_loop3A_274 : vector<16xi32>
        %parallel_loop3A_276 = arith.index_cast %parallel_loop3A_212 : i32 to index
        %parallel_loop3A_277 = arith.constant 48 : index
        %parallel_loop3A_278 = tpu.vector_load %arg8[%parallel_loop3A_276, %parallel_loop3A_277] {strides = array<i32>} : memref<16x80xi32, #tpu.memory_space<vmem>>, vector<1x16xi32>,
        %parallel_loop3A_279 = vector.shape_cast %parallel_loop3A_278 : vector<1x16xi32> to vector<16xi32>
        %parallel_loop3A_280 = vector.shape_cast %parallel_loop3A_275 : vector<16xi32> to vector<1x16xi32>
        tpu.vector_store %arg8[%parallel_loop3A_276, %parallel_loop3A_277], %parallel_loop3A_280 {strides = array<i32>} : memref<16x80xi32, #tpu.memory_space<vmem>>, vector<1x16xi32>,
        %parallel_loop3A_281 = arith.index_cast %parallel_loop3A_212 : i32 to index
        %parallel_loop3A_282 = arith.constant 64 : index
        %parallel_loop3A_283 = tpu.vector_load %arg9[%parallel_loop3A_281, %parallel_loop3A_282] {strides = array<i32>} : memref<16x80xi32, #tpu.memory_space<vmem>>, vector<1x16xi32>,
        %parallel_loop3A_284 = vector.shape_cast %parallel_loop3A_283 : vector<1x16xi32> to vector<16xi32>
        %parallel_loop3A_285 = arith.constant 10000 : i32
        %parallel_loop3A_286 = vector.broadcast %parallel_loop3A_285 : i32 to vector<16xi32>
        %parallel_loop3A_287 = arith.muli %parallel_loop3A_284, %parallel_loop3A_286 : vector<16xi32>
        %parallel_loop3A_288 = arith.index_cast %parallel_loop3A_212 : i32 to index
        %parallel_loop3A_289 = arith.constant 64 : index
        %parallel_loop3A_290 = tpu.vector_load %arg8[%parallel_loop3A_288, %parallel_loop3A_289] {strides = array<i32>} : memref<16x80xi32, #tpu.memory_space<vmem>>, vector<1x16xi32>,
        %parallel_loop3A_291 = vector.shape_cast %parallel_loop3A_290 : vector<1x16xi32> to vector<16xi32>
        %parallel_loop3A_292 = arith.addi %parallel_loop3A_287, %parallel_loop3A_291 : vector<16xi32>
        %parallel_loop3A_293 = arith.index_cast %parallel_loop3A_212 : i32 to index
        %parallel_loop3A_294 = arith.constant 64 : index
        %parallel_loop3A_295 = tpu.vector_load %arg8[%parallel_loop3A_293, %parallel_loop3A_294] {strides = array<i32>} : memref<16x80xi32, #tpu.memory_space<vmem>>, vector<1x16xi32>,
        %parallel_loop3A_296 = vector.shape_cast %parallel_loop3A_295 : vector<1x16xi32> to vector<16xi32>
        %parallel_loop3A_297 = vector.shape_cast %parallel_loop3A_292 : vector<16xi32> to vector<1x16xi32>
        tpu.vector_store %arg8[%parallel_loop3A_293, %parallel_loop3A_294], %parallel_loop3A_297 {strides = array<i32>} : memref<16x80xi32, #tpu.memory_space<vmem>>, vector<1x16xi32>,
      } {sc.loop_unroll_factor = 1 : i64, sc.parallel_access}
      %dma_start3A = arith.constant 0 : i32
      %dma_start3A_80 = arith.constant 0 : i32
      %dma_start3A_81 = tpu.memref_slice %arg8[%dma_start3A, %dma_start3A_80] : memref<16x80xi32, #tpu.memory_space<vmem>> -> memref<1x80xi32, #tpu.memory_space<vmem>>
      %dma_start3A_82 = tpu.memref_squeeze %dma_start3A_81 : memref<1x80xi32, #tpu.memory_space<vmem>> -> memref<80xi32, #tpu.memory_space<vmem>>
      %dma_start3A_83 = arith.constant 0 : i32
      %dma_start3A_84 = arith.constant 0 : i32
      %dma_start3A_85 = tpu.memref_slice %arg2[%dma_start3A_83, %dma_start3A_84] : memref<160000x128xf32, #tpu.memory_space<hbm>> -> memref<160000x128xf32, #tpu.memory_space<hbm>>
      tpu.enqueue_indirect_dma source(%dma_start3A_85 : memref<160000x128xf32, #tpu.memory_space<hbm>>) target(%arg12 : memref<80x128xf32, #tpu.memory_space<vmem>>) offsets(%dma_start3A_82 : memref<80xi32, #tpu.memory_space<vmem>>) semaphore(%arg17 : memref<!tpu.dma_semaphore, #tpu.memory_space<semaphore_mem>>)
      %dma_start3A_86 = arith.constant 1 : i32
      %dma_start3A_87 = arith.constant 0 : i32
      %dma_start3A_88 = tpu.memref_slice %arg8[%dma_start3A_86, %dma_start3A_87] : memref<16x80xi32, #tpu.memory_space<vmem>> -> memref<1x80xi32, #tpu.memory_space<vmem>>
      %dma_start3A_89 = tpu.memref_squeeze %dma_start3A_88 : memref<1x80xi32, #tpu.memory_space<vmem>> -> memref<80xi32, #tpu.memory_space<vmem>>
      %dma_start3A_90 = arith.constant 0 : i32
      %dma_start3A_91 = arith.constant 0 : i32
      %dma_start3A_92 = tpu.memref_slice %arg2[%dma_start3A_90, %dma_start3A_91] : memref<160000x128xf32, #tpu.memory_space<hbm>> -> memref<160000x128xf32, #tpu.memory_space<hbm>>
      tpu.enqueue_indirect_dma source(%dma_start3A_92 : memref<160000x128xf32, #tpu.memory_space<hbm>>) target(%arg13 : memref<80x128xf32, #tpu.memory_space<vmem>>) offsets(%dma_start3A_89 : memref<80xi32, #tpu.memory_space<vmem>>) semaphore(%arg18 : memref<!tpu.dma_semaphore, #tpu.memory_space<semaphore_mem>>)
      %dma_wait3A = arith.constant 0 : i32
      %dma_wait3A_93 = arith.constant 0 : i32
      %dma_wait3A_94 = tpu.memref_slice %arg2[%dma_wait3A, %dma_wait3A_93] : memref<160000x128xf32, #tpu.memory_space<hbm>> -> memref<80x128xf32, #tpu.memory_space<hbm>>
      %dma_wait3A_95 = arith.constant 0 : i32
      %dma_wait3A_96 = arith.constant 0 : i32
      %dma_wait3A_97 = tpu.memref_slice %arg2[%dma_wait3A_95, %dma_wait3A_96] : memref<160000x128xf32, #tpu.memory_space<hbm>> -> memref<80x128xf32, #tpu.memory_space<hbm>>
      tpu.wait_dma2 semaphore(%arg17 : memref<!tpu.dma_semaphore, #tpu.memory_space<semaphore_mem>>) src(%dma_wait3A_97 : memref<80x128xf32, #tpu.memory_space<hbm>>) dst(%arg12 : memref<80x128xf32, #tpu.memory_space<vmem>>)
      %parallel_loop3A_98 = arith.constant 0 : i32
      %parallel_loop3A_99 = arith.constant 80 : i32
      %parallel_loop3A_100 = arith.constant 1 : i32
      scf.for %parallel_loop3A_212 = %parallel_loop3A_98 to %parallel_loop3A_99 step %parallel_loop3A_100  : i32 {
        %parallel_loop3A_213 = arith.constant -16 : i32
        %parallel_loop3A_214 = arith.andi %parallel_loop3A_212, %parallel_loop3A_213 : i32
        %parallel_loop3A_215 = arith.constant 0 : i32
        %parallel_loop3A_216 = arith.index_cast %parallel_loop3A_215 : i32 to index
        %parallel_loop3A_217 = arith.index_cast %parallel_loop3A_214 : i32 to index
        %parallel_loop3A_218 = tpu.vector_load %arg11[%parallel_loop3A_216, %parallel_loop3A_217] {strides = array<i32>} : memref<16x80xf32, #tpu.memory_space<vmem>>, vector<1x16xf32>,
        %parallel_loop3A_219 = vector.shape_cast %parallel_loop3A_218 : vector<1x16xf32> to vector<16xf32>
        %parallel_loop3A_220 = arith.constant 15 : i32
        %parallel_loop3A_221 = arith.andi %parallel_loop3A_212, %parallel_loop3A_220 : i32
        %parallel_loop3A_222 = vector.broadcast %parallel_loop3A_221 : i32 to vector<16x1xi32>
        %parallel_loop3A_223 = vector.shape_cast %parallel_loop3A_222 : vector<16x1xi32> to vector<16xi32>
        %parallel_loop3A_224 = tpu.dynamic_gather %parallel_loop3A_219[%parallel_loop3A_223] in [0] : vector<16xf32>, vector<16xi32> -> vector<16xf32>
        %parallel_loop3A_225 = arith.index_cast %parallel_loop3A_212 : i32 to index
        %parallel_loop3A_226 = arith.constant 0 : index
        %parallel_loop3A_227 = tpu.vector_load %arg12[%parallel_loop3A_225, %parallel_loop3A_226] {strides = array<i32>} : memref<80x128xf32, #tpu.memory_space<vmem>>, vector<1x16xf32>,
        %parallel_loop3A_228 = vector.shape_cast %parallel_loop3A_227 : vector<1x16xf32> to vector<16xf32>
        %parallel_loop3A_229 = arith.index_cast %parallel_loop3A_212 : i32 to index
        %parallel_loop3A_230 = arith.constant 16 : index
        %parallel_loop3A_231 = tpu.vector_load %arg12[%parallel_loop3A_229, %parallel_loop3A_230] {strides = array<i32>} : memref<80x128xf32, #tpu.memory_space<vmem>>, vector<1x16xf32>,
        %parallel_loop3A_232 = vector.shape_cast %parallel_loop3A_231 : vector<1x16xf32> to vector<16xf32>
        %parallel_loop3A_233 = arith.index_cast %parallel_loop3A_212 : i32 to index
        %parallel_loop3A_234 = arith.constant 32 : index
        %parallel_loop3A_235 = tpu.vector_load %arg12[%parallel_loop3A_233, %parallel_loop3A_234] {strides = array<i32>} : memref<80x128xf32, #tpu.memory_space<vmem>>, vector<1x16xf32>,
        %parallel_loop3A_236 = vector.shape_cast %parallel_loop3A_235 : vector<1x16xf32> to vector<16xf32>
        %parallel_loop3A_237 = arith.index_cast %parallel_loop3A_212 : i32 to index
        %parallel_loop3A_238 = arith.constant 48 : index
        %parallel_loop3A_239 = tpu.vector_load %arg12[%parallel_loop3A_237, %parallel_loop3A_238] {strides = array<i32>} : memref<80x128xf32, #tpu.memory_space<vmem>>, vector<1x16xf32>,
        %parallel_loop3A_240 = vector.shape_cast %parallel_loop3A_239 : vector<1x16xf32> to vector<16xf32>
        %parallel_loop3A_241 = arith.index_cast %parallel_loop3A_212 : i32 to index
        %parallel_loop3A_242 = arith.constant 64 : index
        %parallel_loop3A_243 = tpu.vector_load %arg12[%parallel_loop3A_241, %parallel_loop3A_242] {strides = array<i32>} : memref<80x128xf32, #tpu.memory_space<vmem>>, vector<1x16xf32>,
        %parallel_loop3A_244 = vector.shape_cast %parallel_loop3A_243 : vector<1x16xf32> to vector<16xf32>
        %parallel_loop3A_245 = arith.index_cast %parallel_loop3A_212 : i32 to index
        %parallel_loop3A_246 = arith.constant 80 : index
        %parallel_loop3A_247 = tpu.vector_load %arg12[%parallel_loop3A_245, %parallel_loop3A_246] {strides = array<i32>} : memref<80x128xf32, #tpu.memory_space<vmem>>, vector<1x16xf32>,
        %parallel_loop3A_248 = vector.shape_cast %parallel_loop3A_247 : vector<1x16xf32> to vector<16xf32>
        %parallel_loop3A_249 = arith.index_cast %parallel_loop3A_212 : i32 to index
        %parallel_loop3A_250 = arith.constant 96 : index
        %parallel_loop3A_251 = tpu.vector_load %arg12[%parallel_loop3A_249, %parallel_loop3A_250] {strides = array<i32>} : memref<80x128xf32, #tpu.memory_space<vmem>>, vector<1x16xf32>,
        %parallel_loop3A_252 = vector.shape_cast %parallel_loop3A_251 : vector<1x16xf32> to vector<16xf32>
        %parallel_loop3A_253 = arith.index_cast %parallel_loop3A_212 : i32 to index
        %parallel_loop3A_254 = arith.constant 112 : index
        %parallel_loop3A_255 = tpu.vector_load %arg12[%parallel_loop3A_253, %parallel_loop3A_254] {strides = array<i32>} : memref<80x128xf32, #tpu.memory_space<vmem>>, vector<1x16xf32>,
        %parallel_loop3A_256 = vector.shape_cast %parallel_loop3A_255 : vector<1x16xf32> to vector<16xf32>
        %parallel_loop3A_257 = arith.mulf %parallel_loop3A_228, %parallel_loop3A_224 : vector<16xf32>
        %parallel_loop3A_258 = arith.index_cast %parallel_loop3A_212 : i32 to index
        %parallel_loop3A_259 = arith.constant 0 : index
        %parallel_loop3A_260 = tpu.vector_load %arg14[%parallel_loop3A_258, %parallel_loop3A_259] {strides = array<i32>} : memref<80x128xf32, #tpu.memory_space<vmem>>, vector<1x16xf32>,
        %parallel_loop3A_261 = vector.shape_cast %parallel_loop3A_260 : vector<1x16xf32> to vector<16xf32>
        %parallel_loop3A_262 = vector.shape_cast %parallel_loop3A_257 : vector<16xf32> to vector<1x16xf32>
        tpu.vector_store %arg14[%parallel_loop3A_258, %parallel_loop3A_259], %parallel_loop3A_262 {strides = array<i32>} : memref<80x128xf32, #tpu.memory_space<vmem>>, vector<1x16xf32>,
        %parallel_loop3A_263 = arith.mulf %parallel_loop3A_232, %parallel_loop3A_224 : vector<16xf32>
        %parallel_loop3A_264 = arith.index_cast %parallel_loop3A_212 : i32 to index
        %parallel_loop3A_265 = arith.constant 16 : index
        %parallel_loop3A_266 = tpu.vector_load %arg14[%parallel_loop3A_264, %parallel_loop3A_265] {strides = array<i32>} : memref<80x128xf32, #tpu.memory_space<vmem>>, vector<1x16xf32>,
        %parallel_loop3A_267 = vector.shape_cast %parallel_loop3A_266 : vector<1x16xf32> to vector<16xf32>
        %parallel_loop3A_268 = vector.shape_cast %parallel_loop3A_263 : vector<16xf32> to vector<1x16xf32>
        tpu.vector_store %arg14[%parallel_loop3A_264, %parallel_loop3A_265], %parallel_loop3A_268 {strides = array<i32>} : memref<80x128xf32, #tpu.memory_space<vmem>>, vector<1x16xf32>,
        %parallel_loop3A_269 = arith.mulf %parallel_loop3A_236, %parallel_loop3A_224 : vector<16xf32>
        %parallel_loop3A_270 = arith.index_cast %parallel_loop3A_212 : i32 to index
        %parallel_loop3A_271 = arith.constant 32 : index
        %parallel_loop3A_272 = tpu.vector_load %arg14[%parallel_loop3A_270, %parallel_loop3A_271] {strides = array<i32>} : memref<80x128xf32, #tpu.memory_space<vmem>>, vector<1x16xf32>,
        %parallel_loop3A_273 = vector.shape_cast %parallel_loop3A_272 : vector<1x16xf32> to vector<16xf32>
        %parallel_loop3A_274 = vector.shape_cast %parallel_loop3A_269 : vector<16xf32> to vector<1x16xf32>
        tpu.vector_store %arg14[%parallel_loop3A_270, %parallel_loop3A_271], %parallel_loop3A_274 {strides = array<i32>} : memref<80x128xf32, #tpu.memory_space<vmem>>, vector<1x16xf32>,
        %parallel_loop3A_275 = arith.mulf %parallel_loop3A_240, %parallel_loop3A_224 : vector<16xf32>
        %parallel_loop3A_276 = arith.index_cast %parallel_loop3A_212 : i32 to index
        %parallel_loop3A_277 = arith.constant 48 : index
        %parallel_loop3A_278 = tpu.vector_load %arg14[%parallel_loop3A_276, %parallel_loop3A_277] {strides = array<i32>} : memref<80x128xf32, #tpu.memory_space<vmem>>, vector<1x16xf32>,
        %parallel_loop3A_279 = vector.shape_cast %parallel_loop3A_278 : vector<1x16xf32> to vector<16xf32>
        %parallel_loop3A_280 = vector.shape_cast %parallel_loop3A_275 : vector<16xf32> to vector<1x16xf32>
        tpu.vector_store %arg14[%parallel_loop3A_276, %parallel_loop3A_277], %parallel_loop3A_280 {strides = array<i32>} : memref<80x128xf32, #tpu.memory_space<vmem>>, vector<1x16xf32>,
        %parallel_loop3A_281 = arith.mulf %parallel_loop3A_244, %parallel_loop3A_224 : vector<16xf32>
        %parallel_loop3A_282 = arith.index_cast %parallel_loop3A_212 : i32 to index
        %parallel_loop3A_283 = arith.constant 64 : index
        %parallel_loop3A_284 = tpu.vector_load %arg14[%parallel_loop3A_282, %parallel_loop3A_283] {strides = array<i32>} : memref<80x128xf32, #tpu.memory_space<vmem>>, vector<1x16xf32>,
        %parallel_loop3A_285 = vector.shape_cast %parallel_loop3A_284 : vector<1x16xf32> to vector<16xf32>
        %parallel_loop3A_286 = vector.shape_cast %parallel_loop3A_281 : vector<16xf32> to vector<1x16xf32>
        tpu.vector_store %arg14[%parallel_loop3A_282, %parallel_loop3A_283], %parallel_loop3A_286 {strides = array<i32>} : memref<80x128xf32, #tpu.memory_space<vmem>>, vector<1x16xf32>,
        %parallel_loop3A_287 = arith.mulf %parallel_loop3A_248, %parallel_loop3A_224 : vector<16xf32>
        %parallel_loop3A_288 = arith.index_cast %parallel_loop3A_212 : i32 to index
        %parallel_loop3A_289 = arith.constant 80 : index
        %parallel_loop3A_290 = tpu.vector_load %arg14[%parallel_loop3A_288, %parallel_loop3A_289] {strides = array<i32>} : memref<80x128xf32, #tpu.memory_space<vmem>>, vector<1x16xf32>,
        %parallel_loop3A_291 = vector.shape_cast %parallel_loop3A_290 : vector<1x16xf32> to vector<16xf32>
        %parallel_loop3A_292 = vector.shape_cast %parallel_loop3A_287 : vector<16xf32> to vector<1x16xf32>
        tpu.vector_store %arg14[%parallel_loop3A_288, %parallel_loop3A_289], %parallel_loop3A_292 {strides = array<i32>} : memref<80x128xf32, #tpu.memory_space<vmem>>, vector<1x16xf32>,
        %parallel_loop3A_293 = arith.mulf %parallel_loop3A_252, %parallel_loop3A_224 : vector<16xf32>
        %parallel_loop3A_294 = arith.index_cast %parallel_loop3A_212 : i32 to index
        %parallel_loop3A_295 = arith.constant 96 : index
        %parallel_loop3A_296 = tpu.vector_load %arg14[%parallel_loop3A_294, %parallel_loop3A_295] {strides = array<i32>} : memref<80x128xf32, #tpu.memory_space<vmem>>, vector<1x16xf32>,
        %parallel_loop3A_297 = vector.shape_cast %parallel_loop3A_296 : vector<1x16xf32> to vector<16xf32>
        %parallel_loop3A_298 = vector.shape_cast %parallel_loop3A_293 : vector<16xf32> to vector<1x16xf32>
        tpu.vector_store %arg14[%parallel_loop3A_294, %parallel_loop3A_295], %parallel_loop3A_298 {strides = array<i32>} : memref<80x128xf32, #tpu.memory_space<vmem>>, vector<1x16xf32>,
        %parallel_loop3A_299 = arith.mulf %parallel_loop3A_256, %parallel_loop3A_224 : vector<16xf32>
        %parallel_loop3A_300 = arith.index_cast %parallel_loop3A_212 : i32 to index
        %parallel_loop3A_301 = arith.constant 112 : index
        %parallel_loop3A_302 = tpu.vector_load %arg14[%parallel_loop3A_300, %parallel_loop3A_301] {strides = array<i32>} : memref<80x128xf32, #tpu.memory_space<vmem>>, vector<1x16xf32>,
        %parallel_loop3A_303 = vector.shape_cast %parallel_loop3A_302 : vector<1x16xf32> to vector<16xf32>
        %parallel_loop3A_304 = vector.shape_cast %parallel_loop3A_299 : vector<16xf32> to vector<1x16xf32>
        tpu.vector_store %arg14[%parallel_loop3A_300, %parallel_loop3A_301], %parallel_loop3A_304 {strides = array<i32>} : memref<80x128xf32, #tpu.memory_space<vmem>>, vector<1x16xf32>,
      } {sc.loop_unroll_factor = 8 : i64, sc.parallel_access}
      %dma_start3A_101 = arith.constant 2 : i32
      %dma_start3A_102 = arith.constant 0 : i32
      %dma_start3A_103 = tpu.memref_slice %arg8[%dma_start3A_101, %dma_start3A_102] : memref<16x80xi32, #tpu.memory_space<vmem>> -> memref<1x80xi32, #tpu.memory_space<vmem>>
      %dma_start3A_104 = tpu.memref_squeeze %dma_start3A_103 : memref<1x80xi32, #tpu.memory_space<vmem>> -> memref<80xi32, #tpu.memory_space<vmem>>
      %dma_start3A_105 = arith.constant 0 : i32
      %dma_start3A_106 = arith.constant 0 : i32
      %dma_start3A_107 = tpu.memref_slice %arg2[%dma_start3A_105, %dma_start3A_106] : memref<160000x128xf32, #tpu.memory_space<hbm>> -> memref<160000x128xf32, #tpu.memory_space<hbm>>
      tpu.enqueue_indirect_dma source(%dma_start3A_107 : memref<160000x128xf32, #tpu.memory_space<hbm>>) target(%arg12 : memref<80x128xf32, #tpu.memory_space<vmem>>) offsets(%dma_start3A_104 : memref<80xi32, #tpu.memory_space<vmem>>) semaphore(%arg17 : memref<!tpu.dma_semaphore, #tpu.memory_space<semaphore_mem>>)
      %dma_start3A_108 = arith.constant 0 : i32
      %dma_start3A_109 = arith.constant 0 : i32
      %dma_start3A_110 = tpu.memref_slice %arg10[%dma_start3A_108, %dma_start3A_109] : memref<16x80xi32, #tpu.memory_space<vmem>> -> memref<1x80xi32, #tpu.memory_space<vmem>>
      %dma_start3A_111 = tpu.memref_squeeze %dma_start3A_110 : memref<1x80xi32, #tpu.memory_space<vmem>> -> memref<80xi32, #tpu.memory_space<vmem>>
      %dma_start3A_112 = arith.constant 0 : i32
      %dma_start3A_113 = arith.constant 0 : i32
      %dma_start3A_114 = tpu.memref_slice %arg16[%dma_start3A_112, %dma_start3A_113] : memref<10240x128xf32, #tpu.memory_space<vmem_shared>> -> memref<10240x128xf32, #tpu.memory_space<vmem_shared>>
      tpu.enqueue_indirect_dma source(%arg14 : memref<80x128xf32, #tpu.memory_space<vmem>>) target(%dma_start3A_114 : memref<10240x128xf32, #tpu.memory_space<vmem_shared>>) offsets(%dma_start3A_111 : memref<80xi32, #tpu.memory_space<vmem>>) semaphore(%arg19 : memref<!tpu.dma_semaphore, #tpu.memory_space<semaphore_mem>>) {add = true}
      %dma_wait3A_115 = arith.constant 0 : i32
      %dma_wait3A_116 = arith.constant 0 : i32
      %dma_wait3A_117 = tpu.memref_slice %arg2[%dma_wait3A_115, %dma_wait3A_116] : memref<160000x128xf32, #tpu.memory_space<hbm>> -> memref<80x128xf32, #tpu.memory_space<hbm>>
      %dma_wait3A_118 = arith.constant 0 : i32
      %dma_wait3A_119 = arith.constant 0 : i32
      %dma_wait3A_120 = tpu.memref_slice %arg2[%dma_wait3A_118, %dma_wait3A_119] : memref<160000x128xf32, #tpu.memory_space<hbm>> -> memref<80x128xf32, #tpu.memory_space<hbm>>
      tpu.wait_dma2 semaphore(%arg18 : memref<!tpu.dma_semaphore, #tpu.memory_space<semaphore_mem>>) src(%dma_wait3A_120 : memref<80x128xf32, #tpu.memory_space<hbm>>) dst(%arg13 : memref<80x128xf32, #tpu.memory_space<vmem>>)
      %parallel_loop3A_121 = arith.constant 0 : i32
      %parallel_loop3A_122 = arith.constant 80 : i32
      %parallel_loop3A_123 = arith.constant 1 : i32
      scf.for %parallel_loop3A_212 = %parallel_loop3A_121 to %parallel_loop3A_122 step %parallel_loop3A_123  : i32 {
        %parallel_loop3A_213 = arith.constant -16 : i32
        %parallel_loop3A_214 = arith.andi %parallel_loop3A_212, %parallel_loop3A_213 : i32
        %parallel_loop3A_215 = arith.constant 1 : i32
        %parallel_loop3A_216 = arith.index_cast %parallel_loop3A_215 : i32 to index
        %parallel_loop3A_217 = arith.index_cast %parallel_loop3A_214 : i32 to index
        %parallel_loop3A_218 = tpu.vector_load %arg11[%parallel_loop3A_216, %parallel_loop3A_217] {strides = array<i32>} : memref<16x80xf32, #tpu.memory_space<vmem>>, vector<1x16xf32>,
        %parallel_loop3A_219 = vector.shape_cast %parallel_loop3A_218 : vector<1x16xf32> to vector<16xf32>
        %parallel_loop3A_220 = arith.constant 15 : i32
        %parallel_loop3A_221 = arith.andi %parallel_loop3A_212, %parallel_loop3A_220 : i32
        %parallel_loop3A_222 = vector.broadcast %parallel_loop3A_221 : i32 to vector<16x1xi32>
        %parallel_loop3A_223 = vector.shape_cast %parallel_loop3A_222 : vector<16x1xi32> to vector<16xi32>
        %parallel_loop3A_224 = tpu.dynamic_gather %parallel_loop3A_219[%parallel_loop3A_223] in [0] : vector<16xf32>, vector<16xi32> -> vector<16xf32>
        %parallel_loop3A_225 = arith.index_cast %parallel_loop3A_212 : i32 to index
        %parallel_loop3A_226 = arith.constant 0 : index
        %parallel_loop3A_227 = tpu.vector_load %arg13[%parallel_loop3A_225, %parallel_loop3A_226] {strides = array<i32>} : memref<80x128xf32, #tpu.memory_space<vmem>>, vector<1x16xf32>,
        %parallel_loop3A_228 = vector.shape_cast %parallel_loop3A_227 : vector<1x16xf32> to vector<16xf32>
        %parallel_loop3A_229 = arith.index_cast %parallel_loop3A_212 : i32 to index
        %parallel_loop3A_230 = arith.constant 16 : index
        %parallel_loop3A_231 = tpu.vector_load %arg13[%parallel_loop3A_229, %parallel_loop3A_230] {strides = array<i32>} : memref<80x128xf32, #tpu.memory_space<vmem>>, vector<1x16xf32>,
        %parallel_loop3A_232 = vector.shape_cast %parallel_loop3A_231 : vector<1x16xf32> to vector<16xf32>
        %parallel_loop3A_233 = arith.index_cast %parallel_loop3A_212 : i32 to index
        %parallel_loop3A_234 = arith.constant 32 : index
        %parallel_loop3A_235 = tpu.vector_load %arg13[%parallel_loop3A_233, %parallel_loop3A_234] {strides = array<i32>} : memref<80x128xf32, #tpu.memory_space<vmem>>, vector<1x16xf32>,
        %parallel_loop3A_236 = vector.shape_cast %parallel_loop3A_235 : vector<1x16xf32> to vector<16xf32>
        %parallel_loop3A_237 = arith.index_cast %parallel_loop3A_212 : i32 to index
        %parallel_loop3A_238 = arith.constant 48 : index
        %parallel_loop3A_239 = tpu.vector_load %arg13[%parallel_loop3A_237, %parallel_loop3A_238] {strides = array<i32>} : memref<80x128xf32, #tpu.memory_space<vmem>>, vector<1x16xf32>,
        %parallel_loop3A_240 = vector.shape_cast %parallel_loop3A_239 : vector<1x16xf32> to vector<16xf32>
        %parallel_loop3A_241 = arith.index_cast %parallel_loop3A_212 : i32 to index
        %parallel_loop3A_242 = arith.constant 64 : index
        %parallel_loop3A_243 = tpu.vector_load %arg13[%parallel_loop3A_241, %parallel_loop3A_242] {strides = array<i32>} : memref<80x128xf32, #tpu.memory_space<vmem>>, vector<1x16xf32>,
        %parallel_loop3A_244 = vector.shape_cast %parallel_loop3A_243 : vector<1x16xf32> to vector<16xf32>
        %parallel_loop3A_245 = arith.index_cast %parallel_loop3A_212 : i32 to index
        %parallel_loop3A_246 = arith.constant 80 : index
        %parallel_loop3A_247 = tpu.vector_load %arg13[%parallel_loop3A_245, %parallel_loop3A_246] {strides = array<i32>} : memref<80x128xf32, #tpu.memory_space<vmem>>, vector<1x16xf32>,
        %parallel_loop3A_248 = vector.shape_cast %parallel_loop3A_247 : vector<1x16xf32> to vector<16xf32>
        %parallel_loop3A_249 = arith.index_cast %parallel_loop3A_212 : i32 to index
        %parallel_loop3A_250 = arith.constant 96 : index
        %parallel_loop3A_251 = tpu.vector_load %arg13[%parallel_loop3A_249, %parallel_loop3A_250] {strides = array<i32>} : memref<80x128xf32, #tpu.memory_space<vmem>>, vector<1x16xf32>,
        %parallel_loop3A_252 = vector.shape_cast %parallel_loop3A_251 : vector<1x16xf32> to vector<16xf32>
        %parallel_loop3A_253 = arith.index_cast %parallel_loop3A_212 : i32 to index
        %parallel_loop3A_254 = arith.constant 112 : index
        %parallel_loop3A_255 = tpu.vector_load %arg13[%parallel_loop3A_253, %parallel_loop3A_254] {strides = array<i32>} : memref<80x128xf32, #tpu.memory_space<vmem>>, vector<1x16xf32>,
        %parallel_loop3A_256 = vector.shape_cast %parallel_loop3A_255 : vector<1x16xf32> to vector<16xf32>
        %parallel_loop3A_257 = arith.mulf %parallel_loop3A_228, %parallel_loop3A_224 : vector<16xf32>
        %parallel_loop3A_258 = arith.index_cast %parallel_loop3A_212 : i32 to index
        %parallel_loop3A_259 = arith.constant 0 : index
        %parallel_loop3A_260 = tpu.vector_load %arg15[%parallel_loop3A_258, %parallel_loop3A_259] {strides = array<i32>} : memref<80x128xf32, #tpu.memory_space<vmem>>, vector<1x16xf32>,
        %parallel_loop3A_261 = vector.shape_cast %parallel_loop3A_260 : vector<1x16xf32> to vector<16xf32>
        %parallel_loop3A_262 = vector.shape_cast %parallel_loop3A_257 : vector<16xf32> to vector<1x16xf32>
        tpu.vector_store %arg15[%parallel_loop3A_258, %parallel_loop3A_259], %parallel_loop3A_262 {strides = array<i32>} : memref<80x128xf32, #tpu.memory_space<vmem>>, vector<1x16xf32>,
        %parallel_loop3A_263 = arith.mulf %parallel_loop3A_232, %parallel_loop3A_224 : vector<16xf32>
        %parallel_loop3A_264 = arith.index_cast %parallel_loop3A_212 : i32 to index
        %parallel_loop3A_265 = arith.constant 16 : index
        %parallel_loop3A_266 = tpu.vector_load %arg15[%parallel_loop3A_264, %parallel_loop3A_265] {strides = array<i32>} : memref<80x128xf32, #tpu.memory_space<vmem>>, vector<1x16xf32>,
        %parallel_loop3A_267 = vector.shape_cast %parallel_loop3A_266 : vector<1x16xf32> to vector<16xf32>
        %parallel_loop3A_268 = vector.shape_cast %parallel_loop3A_263 : vector<16xf32> to vector<1x16xf32>
        tpu.vector_store %arg15[%parallel_loop3A_264, %parallel_loop3A_265], %parallel_loop3A_268 {strides = array<i32>} : memref<80x128xf32, #tpu.memory_space<vmem>>, vector<1x16xf32>,
        %parallel_loop3A_269 = arith.mulf %parallel_loop3A_236, %parallel_loop3A_224 : vector<16xf32>
        %parallel_loop3A_270 = arith.index_cast %parallel_loop3A_212 : i32 to index
        %parallel_loop3A_271 = arith.constant 32 : index
        %parallel_loop3A_272 = tpu.vector_load %arg15[%parallel_loop3A_270, %parallel_loop3A_271] {strides = array<i32>} : memref<80x128xf32, #tpu.memory_space<vmem>>, vector<1x16xf32>,
        %parallel_loop3A_273 = vector.shape_cast %parallel_loop3A_272 : vector<1x16xf32> to vector<16xf32>
        %parallel_loop3A_274 = vector.shape_cast %parallel_loop3A_269 : vector<16xf32> to vector<1x16xf32>
        tpu.vector_store %arg15[%parallel_loop3A_270, %parallel_loop3A_271], %parallel_loop3A_274 {strides = array<i32>} : memref<80x128xf32, #tpu.memory_space<vmem>>, vector<1x16xf32>,
        %parallel_loop3A_275 = arith.mulf %parallel_loop3A_240, %parallel_loop3A_224 : vector<16xf32>
        %parallel_loop3A_276 = arith.index_cast %parallel_loop3A_212 : i32 to index
        %parallel_loop3A_277 = arith.constant 48 : index
        %parallel_loop3A_278 = tpu.vector_load %arg15[%parallel_loop3A_276, %parallel_loop3A_277] {strides = array<i32>} : memref<80x128xf32, #tpu.memory_space<vmem>>, vector<1x16xf32>,
        %parallel_loop3A_279 = vector.shape_cast %parallel_loop3A_278 : vector<1x16xf32> to vector<16xf32>
        %parallel_loop3A_280 = vector.shape_cast %parallel_loop3A_275 : vector<16xf32> to vector<1x16xf32>
        tpu.vector_store %arg15[%parallel_loop3A_276, %parallel_loop3A_277], %parallel_loop3A_280 {strides = array<i32>} : memref<80x128xf32, #tpu.memory_space<vmem>>, vector<1x16xf32>,
        %parallel_loop3A_281 = arith.mulf %parallel_loop3A_244, %parallel_loop3A_224 : vector<16xf32>
        %parallel_loop3A_282 = arith.index_cast %parallel_loop3A_212 : i32 to index
        %parallel_loop3A_283 = arith.constant 64 : index
        %parallel_loop3A_284 = tpu.vector_load %arg15[%parallel_loop3A_282, %parallel_loop3A_283] {strides = array<i32>} : memref<80x128xf32, #tpu.memory_space<vmem>>, vector<1x16xf32>,
        %parallel_loop3A_285 = vector.shape_cast %parallel_loop3A_284 : vector<1x16xf32> to vector<16xf32>
        %parallel_loop3A_286 = vector.shape_cast %parallel_loop3A_281 : vector<16xf32> to vector<1x16xf32>
        tpu.vector_store %arg15[%parallel_loop3A_282, %parallel_loop3A_283], %parallel_loop3A_286 {strides = array<i32>} : memref<80x128xf32, #tpu.memory_space<vmem>>, vector<1x16xf32>,
        %parallel_loop3A_287 = arith.mulf %parallel_loop3A_248, %parallel_loop3A_224 : vector<16xf32>
        %parallel_loop3A_288 = arith.index_cast %parallel_loop3A_212 : i32 to index
        %parallel_loop3A_289 = arith.constant 80 : index
        %parallel_loop3A_290 = tpu.vector_load %arg15[%parallel_loop3A_288, %parallel_loop3A_289] {strides = array<i32>} : memref<80x128xf32, #tpu.memory_space<vmem>>, vector<1x16xf32>,
        %parallel_loop3A_291 = vector.shape_cast %parallel_loop3A_290 : vector<1x16xf32> to vector<16xf32>
        %parallel_loop3A_292 = vector.shape_cast %parallel_loop3A_287 : vector<16xf32> to vector<1x16xf32>
        tpu.vector_store %arg15[%parallel_loop3A_288, %parallel_loop3A_289], %parallel_loop3A_292 {strides = array<i32>} : memref<80x128xf32, #tpu.memory_space<vmem>>, vector<1x16xf32>,
        %parallel_loop3A_293 = arith.mulf %parallel_loop3A_252, %parallel_loop3A_224 : vector<16xf32>
        %parallel_loop3A_294 = arith.index_cast %parallel_loop3A_212 : i32 to index
        %parallel_loop3A_295 = arith.constant 96 : index
        %parallel_loop3A_296 = tpu.vector_load %arg15[%parallel_loop3A_294, %parallel_loop3A_295] {strides = array<i32>} : memref<80x128xf32, #tpu.memory_space<vmem>>, vector<1x16xf32>,
        %parallel_loop3A_297 = vector.shape_cast %parallel_loop3A_296 : vector<1x16xf32> to vector<16xf32>
        %parallel_loop3A_298 = vector.shape_cast %parallel_loop3A_293 : vector<16xf32> to vector<1x16xf32>
        tpu.vector_store %arg15[%parallel_loop3A_294, %parallel_loop3A_295], %parallel_loop3A_298 {strides = array<i32>} : memref<80x128xf32, #tpu.memory_space<vmem>>, vector<1x16xf32>,
        %parallel_loop3A_299 = arith.mulf %parallel_loop3A_256, %parallel_loop3A_224 : vector<16xf32>
        %parallel_loop3A_300 = arith.index_cast %parallel_loop3A_212 : i32 to index
        %parallel_loop3A_301 = arith.constant 112 : index
        %parallel_loop3A_302 = tpu.vector_load %arg15[%parallel_loop3A_300, %parallel_loop3A_301] {strides = array<i32>} : memref<80x128xf32, #tpu.memory_space<vmem>>, vector<1x16xf32>,
        %parallel_loop3A_303 = vector.shape_cast %parallel_loop3A_302 : vector<1x16xf32> to vector<16xf32>
        %parallel_loop3A_304 = vector.shape_cast %parallel_loop3A_299 : vector<16xf32> to vector<1x16xf32>
        tpu.vector_store %arg15[%parallel_loop3A_300, %parallel_loop3A_301], %parallel_loop3A_304 {strides = array<i32>} : memref<80x128xf32, #tpu.memory_space<vmem>>, vector<1x16xf32>,
      } {sc.loop_unroll_factor = 8 : i64, sc.parallel_access}
      %dma_start3A_124 = arith.constant 3 : i32
      %dma_start3A_125 = arith.constant 0 : i32
      %dma_start3A_126 = tpu.memref_slice %arg8[%dma_start3A_124, %dma_start3A_125] : memref<16x80xi32, #tpu.memory_space<vmem>> -> memref<1x80xi32, #tpu.memory_space<vmem>>
      %dma_start3A_127 = tpu.memref_squeeze %dma_start3A_126 : memref<1x80xi32, #tpu.memory_space<vmem>> -> memref<80xi32, #tpu.memory_space<vmem>>
      %dma_start3A_128 = arith.constant 0 : i32
      %dma_start3A_129 = arith.constant 0 : i32
      %dma_start3A_130 = tpu.memref_slice %arg2[%dma_start3A_128, %dma_start3A_129] : memref<160000x128xf32, #tpu.memory_space<hbm>> -> memref<160000x128xf32, #tpu.memory_space<hbm>>
      tpu.enqueue_indirect_dma source(%dma_start3A_130 : memref<160000x128xf32, #tpu.memory_space<hbm>>) target(%arg13 : memref<80x128xf32, #tpu.memory_space<vmem>>) offsets(%dma_start3A_127 : memref<80xi32, #tpu.memory_space<vmem>>) semaphore(%arg18 : memref<!tpu.dma_semaphore, #tpu.memory_space<semaphore_mem>>)
      %dma_start3A_131 = arith.constant 1 : i32
      %dma_start3A_132 = arith.constant 0 : i32
      %dma_start3A_133 = tpu.memref_slice %arg10[%dma_start3A_131, %dma_start3A_132] : memref<16x80xi32, #tpu.memory_space<vmem>> -> memref<1x80xi32, #tpu.memory_space<vmem>>
      %dma_start3A_134 = tpu.memref_squeeze %dma_start3A_133 : memref<1x80xi32, #tpu.memory_space<vmem>> -> memref<80xi32, #tpu.memory_space<vmem>>
      %dma_start3A_135 = arith.constant 0 : i32
      %dma_start3A_136 = arith.constant 0 : i32
      %dma_start3A_137 = tpu.memref_slice %arg16[%dma_start3A_135, %dma_start3A_136] : memref<10240x128xf32, #tpu.memory_space<vmem_shared>> -> memref<10240x128xf32, #tpu.memory_space<vmem_shared>>
      tpu.enqueue_indirect_dma source(%arg15 : memref<80x128xf32, #tpu.memory_space<vmem>>) target(%dma_start3A_137 : memref<10240x128xf32, #tpu.memory_space<vmem_shared>>) offsets(%dma_start3A_134 : memref<80xi32, #tpu.memory_space<vmem>>) semaphore(%arg20 : memref<!tpu.dma_semaphore, #tpu.memory_space<semaphore_mem>>) {add = true}
      %scan3A_138 = arith.constant 0 : i32
      %scan3A_139 = arith.constant 1 : i32
      %scan3A_140 = arith.constant 6 : i32
      %scan3A_141 = arith.addi %scan3A_139, %scan3A_140 : i32
      %scan3A_142 = arith.constant 1 : i32
      scf.for %scan3A_212 = %scan3A_139 to %scan3A_141 step %scan3A_142  : i32 {
        %mul3A_213 = arith.constant 2 : i32
        %mul3A_214 = arith.muli %mul3A_213, %scan3A_212 : i32
        %add3A_215 = arith.constant 0 : i32
        %add3A_216 = arith.addi %mul3A_214, %add3A_215 : i32
        %dma_wait3A_217 = arith.constant 0 : i32
        %dma_wait3A_218 = arith.constant 0 : i32
        %dma_wait3A_219 = tpu.memref_slice %arg2[%dma_wait3A_217, %dma_wait3A_218] : memref<160000x128xf32, #tpu.memory_space<hbm>> -> memref<80x128xf32, #tpu.memory_space<hbm>>
        %dma_wait3A_220 = arith.constant 0 : i32
        %dma_wait3A_221 = arith.constant 0 : i32
        %dma_wait3A_222 = tpu.memref_slice %arg2[%dma_wait3A_220, %dma_wait3A_221] : memref<160000x128xf32, #tpu.memory_space<hbm>> -> memref<80x128xf32, #tpu.memory_space<hbm>>
        tpu.wait_dma2 semaphore(%arg17 : memref<!tpu.dma_semaphore, #tpu.memory_space<semaphore_mem>>) src(%dma_wait3A_222 : memref<80x128xf32, #tpu.memory_space<hbm>>) dst(%arg12 : memref<80x128xf32, #tpu.memory_space<vmem>>)
        %dma_wait3A_223 = arith.constant 0 : i32
        %dma_wait3A_224 = arith.constant 0 : i32
        %dma_wait3A_225 = arith.constant 0 : i32
        %dma_wait3A_226 = tpu.memref_slice %arg7[%dma_wait3A_223, %dma_wait3A_224, %dma_wait3A_225] : memref<2x10240x128xf32, #tpu.memory_space<hbm>> -> memref<1x80x128xf32, #tpu.memory_space<hbm>>
        %dma_wait3A_227 = tpu.memref_squeeze %dma_wait3A_226 : memref<1x80x128xf32, #tpu.memory_space<hbm>> -> memref<80x128xf32, #tpu.memory_space<hbm>>
        %dma_wait3A_228 = arith.constant 0 : i32
        %dma_wait3A_229 = arith.constant 0 : i32
        %dma_wait3A_230 = tpu.memref_slice %arg7[%dma_wait3A_223, %dma_wait3A_228, %dma_wait3A_229] : memref<2x10240x128xf32, #tpu.memory_space<hbm>> -> memref<1x80x128xf32, #tpu.memory_space<hbm>>
        %dma_wait3A_231 = tpu.memref_squeeze %dma_wait3A_230 : memref<1x80x128xf32, #tpu.memory_space<hbm>> -> memref<80x128xf32, #tpu.memory_space<hbm>>
        tpu.wait_dma2 semaphore(%arg19 : memref<!tpu.dma_semaphore, #tpu.memory_space<semaphore_mem>>) src(%dma_wait3A_231 : memref<80x128xf32, #tpu.memory_space<hbm>>) dst(%arg14 : memref<80x128xf32, #tpu.memory_space<vmem>>)
        %parallel_loop3A_232 = arith.constant 0 : i32
        %parallel_loop3A_233 = arith.constant 80 : i32
        %parallel_loop3A_234 = arith.constant 1 : i32
        scf.for %parallel_loop3A_285 = %parallel_loop3A_232 to %parallel_loop3A_233 step %parallel_loop3A_234  : i32 {
          %parallel_loop3A_286 = arith.constant -16 : i32
          %parallel_loop3A_287 = arith.andi %parallel_loop3A_285, %parallel_loop3A_286 : i32
          %parallel_loop3A_288 = arith.index_cast %add3A_216 : i32 to index
          %parallel_loop3A_289 = arith.index_cast %parallel_loop3A_287 : i32 to index
          %parallel_loop3A_290 = tpu.vector_load %arg11[%parallel_loop3A_288, %parallel_loop3A_289] {strides = array<i32>} : memref<16x80xf32, #tpu.memory_space<vmem>>, vector<1x16xf32>,
          %parallel_loop3A_291 = vector.shape_cast %parallel_loop3A_290 : vector<1x16xf32> to vector<16xf32>
          %parallel_loop3A_292 = arith.constant 15 : i32
          %parallel_loop3A_293 = arith.andi %parallel_loop3A_285, %parallel_loop3A_292 : i32
          %parallel_loop3A_294 = vector.broadcast %parallel_loop3A_293 : i32 to vector<16x1xi32>
          %parallel_loop3A_295 = vector.shape_cast %parallel_loop3A_294 : vector<16x1xi32> to vector<16xi32>
          %parallel_loop3A_296 = tpu.dynamic_gather %parallel_loop3A_291[%parallel_loop3A_295] in [0] : vector<16xf32>, vector<16xi32> -> vector<16xf32>
          %parallel_loop3A_297 = arith.index_cast %parallel_loop3A_285 : i32 to index
          %parallel_loop3A_298 = arith.constant 0 : index
          %parallel_loop3A_299 = tpu.vector_load %arg12[%parallel_loop3A_297, %parallel_loop3A_298] {strides = array<i32>} : memref<80x128xf32, #tpu.memory_space<vmem>>, vector<1x16xf32>,
          %parallel_loop3A_300 = vector.shape_cast %parallel_loop3A_299 : vector<1x16xf32> to vector<16xf32>
          %parallel_loop3A_301 = arith.index_cast %parallel_loop3A_285 : i32 to index
          %parallel_loop3A_302 = arith.constant 16 : index
          %parallel_loop3A_303 = tpu.vector_load %arg12[%parallel_loop3A_301, %parallel_loop3A_302] {strides = array<i32>} : memref<80x128xf32, #tpu.memory_space<vmem>>, vector<1x16xf32>,
          %parallel_loop3A_304 = vector.shape_cast %parallel_loop3A_303 : vector<1x16xf32> to vector<16xf32>
          %parallel_loop3A_305 = arith.index_cast %parallel_loop3A_285 : i32 to index
          %parallel_loop3A_306 = arith.constant 32 : index
          %parallel_loop3A_307 = tpu.vector_load %arg12[%parallel_loop3A_305, %parallel_loop3A_306] {strides = array<i32>} : memref<80x128xf32, #tpu.memory_space<vmem>>, vector<1x16xf32>,
          %parallel_loop3A_308 = vector.shape_cast %parallel_loop3A_307 : vector<1x16xf32> to vector<16xf32>
          %parallel_loop3A_309 = arith.index_cast %parallel_loop3A_285 : i32 to index
          %parallel_loop3A_310 = arith.constant 48 : index
          %parallel_loop3A_311 = tpu.vector_load %arg12[%parallel_loop3A_309, %parallel_loop3A_310] {strides = array<i32>} : memref<80x128xf32, #tpu.memory_space<vmem>>, vector<1x16xf32>,
          %parallel_loop3A_312 = vector.shape_cast %parallel_loop3A_311 : vector<1x16xf32> to vector<16xf32>
          %parallel_loop3A_313 = arith.index_cast %parallel_loop3A_285 : i32 to index
          %parallel_loop3A_314 = arith.constant 64 : index
          %parallel_loop3A_315 = tpu.vector_load %arg12[%parallel_loop3A_313, %parallel_loop3A_314] {strides = array<i32>} : memref<80x128xf32, #tpu.memory_space<vmem>>, vector<1x16xf32>,
          %parallel_loop3A_316 = vector.shape_cast %parallel_loop3A_315 : vector<1x16xf32> to vector<16xf32>
          %parallel_loop3A_317 = arith.index_cast %parallel_loop3A_285 : i32 to index
          %parallel_loop3A_318 = arith.constant 80 : index
          %parallel_loop3A_319 = tpu.vector_load %arg12[%parallel_loop3A_317, %parallel_loop3A_318] {strides = array<i32>} : memref<80x128xf32, #tpu.memory_space<vmem>>, vector<1x16xf32>,
          %parallel_loop3A_320 = vector.shape_cast %parallel_loop3A_319 : vector<1x16xf32> to vector<16xf32>
          %parallel_loop3A_321 = arith.index_cast %parallel_loop3A_285 : i32 to index
          %parallel_loop3A_322 = arith.constant 96 : index
          %parallel_loop3A_323 = tpu.vector_load %arg12[%parallel_loop3A_321, %parallel_loop3A_322] {strides = array<i32>} : memref<80x128xf32, #tpu.memory_space<vmem>>, vector<1x16xf32>,
          %parallel_loop3A_324 = vector.shape_cast %parallel_loop3A_323 : vector<1x16xf32> to vector<16xf32>
          %parallel_loop3A_325 = arith.index_cast %parallel_loop3A_285 : i32 to index
          %parallel_loop3A_326 = arith.constant 112 : index
          %parallel_loop3A_327 = tpu.vector_load %arg12[%parallel_loop3A_325, %parallel_loop3A_326] {strides = array<i32>} : memref<80x128xf32, #tpu.memory_space<vmem>>, vector<1x16xf32>,
          %parallel_loop3A_328 = vector.shape_cast %parallel_loop3A_327 : vector<1x16xf32> to vector<16xf32>
          %parallel_loop3A_329 = arith.mulf %parallel_loop3A_300, %parallel_loop3A_296 : vector<16xf32>
          %parallel_loop3A_330 = arith.index_cast %parallel_loop3A_285 : i32 to index
          %parallel_loop3A_331 = arith.constant 0 : index
          %parallel_loop3A_332 = tpu.vector_load %arg14[%parallel_loop3A_330, %parallel_loop3A_331] {strides = array<i32>} : memref<80x128xf32, #tpu.memory_space<vmem>>, vector<1x16xf32>,
          %parallel_loop3A_333 = vector.shape_cast %parallel_loop3A_332 : vector<1x16xf32> to vector<16xf32>
          %parallel_loop3A_334 = vector.shape_cast %parallel_loop3A_329 : vector<16xf32> to vector<1x16xf32>
          tpu.vector_store %arg14[%parallel_loop3A_330, %parallel_loop3A_331], %parallel_loop3A_334 {strides = array<i32>} : memref<80x128xf32, #tpu.memory_space<vmem>>, vector<1x16xf32>,
          %parallel_loop3A_335 = arith.mulf %parallel_loop3A_304, %parallel_loop3A_296 : vector<16xf32>
          %parallel_loop3A_336 = arith.index_cast %parallel_loop3A_285 : i32 to index
          %parallel_loop3A_337 = arith.constant 16 : index
          %parallel_loop3A_338 = tpu.vector_load %arg14[%parallel_loop3A_336, %parallel_loop3A_337] {strides = array<i32>} : memref<80x128xf32, #tpu.memory_space<vmem>>, vector<1x16xf32>,
          %parallel_loop3A_339 = vector.shape_cast %parallel_loop3A_338 : vector<1x16xf32> to vector<16xf32>
          %parallel_loop3A_340 = vector.shape_cast %parallel_loop3A_335 : vector<16xf32> to vector<1x16xf32>
          tpu.vector_store %arg14[%parallel_loop3A_336, %parallel_loop3A_337], %parallel_loop3A_340 {strides = array<i32>} : memref<80x128xf32, #tpu.memory_space<vmem>>, vector<1x16xf32>,
          %parallel_loop3A_341 = arith.mulf %parallel_loop3A_308, %parallel_loop3A_296 : vector<16xf32>
          %parallel_loop3A_342 = arith.index_cast %parallel_loop3A_285 : i32 to index
          %parallel_loop3A_343 = arith.constant 32 : index
          %parallel_loop3A_344 = tpu.vector_load %arg14[%parallel_loop3A_342, %parallel_loop3A_343] {strides = array<i32>} : memref<80x128xf32, #tpu.memory_space<vmem>>, vector<1x16xf32>,
          %parallel_loop3A_345 = vector.shape_cast %parallel_loop3A_344 : vector<1x16xf32> to vector<16xf32>
          %parallel_loop3A_346 = vector.shape_cast %parallel_loop3A_341 : vector<16xf32> to vector<1x16xf32>
          tpu.vector_store %arg14[%parallel_loop3A_342, %parallel_loop3A_343], %parallel_loop3A_346 {strides = array<i32>} : memref<80x128xf32, #tpu.memory_space<vmem>>, vector<1x16xf32>,
          %parallel_loop3A_347 = arith.mulf %parallel_loop3A_312, %parallel_loop3A_296 : vector<16xf32>
          %parallel_loop3A_348 = arith.index_cast %parallel_loop3A_285 : i32 to index
          %parallel_loop3A_349 = arith.constant 48 : index
          %parallel_loop3A_350 = tpu.vector_load %arg14[%parallel_loop3A_348, %parallel_loop3A_349] {strides = array<i32>} : memref<80x128xf32, #tpu.memory_space<vmem>>, vector<1x16xf32>,
          %parallel_loop3A_351 = vector.shape_cast %parallel_loop3A_350 : vector<1x16xf32> to vector<16xf32>
          %parallel_loop3A_352 = vector.shape_cast %parallel_loop3A_347 : vector<16xf32> to vector<1x16xf32>
          tpu.vector_store %arg14[%parallel_loop3A_348, %parallel_loop3A_349], %parallel_loop3A_352 {strides = array<i32>} : memref<80x128xf32, #tpu.memory_space<vmem>>, vector<1x16xf32>,
          %parallel_loop3A_353 = arith.mulf %parallel_loop3A_316, %parallel_loop3A_296 : vector<16xf32>
          %parallel_loop3A_354 = arith.index_cast %parallel_loop3A_285 : i32 to index
          %parallel_loop3A_355 = arith.constant 64 : index
          %parallel_loop3A_356 = tpu.vector_load %arg14[%parallel_loop3A_354, %parallel_loop3A_355] {strides = array<i32>} : memref<80x128xf32, #tpu.memory_space<vmem>>, vector<1x16xf32>,
          %parallel_loop3A_357 = vector.shape_cast %parallel_loop3A_356 : vector<1x16xf32> to vector<16xf32>
          %parallel_loop3A_358 = vector.shape_cast %parallel_loop3A_353 : vector<16xf32> to vector<1x16xf32>
          tpu.vector_store %arg14[%parallel_loop3A_354, %parallel_loop3A_355], %parallel_loop3A_358 {strides = array<i32>} : memref<80x128xf32, #tpu.memory_space<vmem>>, vector<1x16xf32>,
          %parallel_loop3A_359 = arith.mulf %parallel_loop3A_320, %parallel_loop3A_296 : vector<16xf32>
          %parallel_loop3A_360 = arith.index_cast %parallel_loop3A_285 : i32 to index
          %parallel_loop3A_361 = arith.constant 80 : index
          %parallel_loop3A_362 = tpu.vector_load %arg14[%parallel_loop3A_360, %parallel_loop3A_361] {strides = array<i32>} : memref<80x128xf32, #tpu.memory_space<vmem>>, vector<1x16xf32>,
          %parallel_loop3A_363 = vector.shape_cast %parallel_loop3A_362 : vector<1x16xf32> to vector<16xf32>
          %parallel_loop3A_364 = vector.shape_cast %parallel_loop3A_359 : vector<16xf32> to vector<1x16xf32>
          tpu.vector_store %arg14[%parallel_loop3A_360, %parallel_loop3A_361], %parallel_loop3A_364 {strides = array<i32>} : memref<80x128xf32, #tpu.memory_space<vmem>>, vector<1x16xf32>,
          %parallel_loop3A_365 = arith.mulf %parallel_loop3A_324, %parallel_loop3A_296 : vector<16xf32>
          %parallel_loop3A_366 = arith.index_cast %parallel_loop3A_285 : i32 to index
          %parallel_loop3A_367 = arith.constant 96 : index
          %parallel_loop3A_368 = tpu.vector_load %arg14[%parallel_loop3A_366, %parallel_loop3A_367] {strides = array<i32>} : memref<80x128xf32, #tpu.memory_space<vmem>>, vector<1x16xf32>,
          %parallel_loop3A_369 = vector.shape_cast %parallel_loop3A_368 : vector<1x16xf32> to vector<16xf32>
          %parallel_loop3A_370 = vector.shape_cast %parallel_loop3A_365 : vector<16xf32> to vector<1x16xf32>
          tpu.vector_store %arg14[%parallel_loop3A_366, %parallel_loop3A_367], %parallel_loop3A_370 {strides = array<i32>} : memref<80x128xf32, #tpu.memory_space<vmem>>, vector<1x16xf32>,
          %parallel_loop3A_371 = arith.mulf %parallel_loop3A_328, %parallel_loop3A_296 : vector<16xf32>
          %parallel_loop3A_372 = arith.index_cast %parallel_loop3A_285 : i32 to index
          %parallel_loop3A_373 = arith.constant 112 : index
          %parallel_loop3A_374 = tpu.vector_load %arg14[%parallel_loop3A_372, %parallel_loop3A_373] {strides = array<i32>} : memref<80x128xf32, #tpu.memory_space<vmem>>, vector<1x16xf32>,
          %parallel_loop3A_375 = vector.shape_cast %parallel_loop3A_374 : vector<1x16xf32> to vector<16xf32>
          %parallel_loop3A_376 = vector.shape_cast %parallel_loop3A_371 : vector<16xf32> to vector<1x16xf32>
          tpu.vector_store %arg14[%parallel_loop3A_372, %parallel_loop3A_373], %parallel_loop3A_376 {strides = array<i32>} : memref<80x128xf32, #tpu.memory_space<vmem>>, vector<1x16xf32>,
        } {sc.loop_unroll_factor = 8 : i64, sc.parallel_access}
        %add3A_235 = arith.constant 2 : i32
        %add3A_236 = arith.addi %add3A_216, %add3A_235 : i32
        %dma_start3A_237 = arith.constant 0 : i32
        %dma_start3A_238 = tpu.memref_slice %arg8[%add3A_236, %dma_start3A_237] : memref<16x80xi32, #tpu.memory_space<vmem>> -> memref<1x80xi32, #tpu.memory_space<vmem>>
        %dma_start3A_239 = tpu.memref_squeeze %dma_start3A_238 : memref<1x80xi32, #tpu.memory_space<vmem>> -> memref<80xi32, #tpu.memory_space<vmem>>
        %dma_start3A_240 = arith.constant 0 : i32
        %dma_start3A_241 = arith.constant 0 : i32
        %dma_start3A_242 = tpu.memref_slice %arg2[%dma_start3A_240, %dma_start3A_241] : memref<160000x128xf32, #tpu.memory_space<hbm>> -> memref<160000x128xf32, #tpu.memory_space<hbm>>
        tpu.enqueue_indirect_dma source(%dma_start3A_242 : memref<160000x128xf32, #tpu.memory_space<hbm>>) target(%arg12 : memref<80x128xf32, #tpu.memory_space<vmem>>) offsets(%dma_start3A_239 : memref<80xi32, #tpu.memory_space<vmem>>) semaphore(%arg17 : memref<!tpu.dma_semaphore, #tpu.memory_space<semaphore_mem>>)
        %dma_start3A_243 = arith.constant 0 : i32
        %dma_start3A_244 = tpu.memref_slice %arg10[%add3A_216, %dma_start3A_243] : memref<16x80xi32, #tpu.memory_space<vmem>> -> memref<1x80xi32, #tpu.memory_space<vmem>>
        %dma_start3A_245 = tpu.memref_squeeze %dma_start3A_244 : memref<1x80xi32, #tpu.memory_space<vmem>> -> memref<80xi32, #tpu.memory_space<vmem>>
        %dma_start3A_246 = arith.constant 0 : i32
        %dma_start3A_247 = arith.constant 0 : i32
        %dma_start3A_248 = tpu.memref_slice %arg16[%dma_start3A_246, %dma_start3A_247] : memref<10240x128xf32, #tpu.memory_space<vmem_shared>> -> memref<10240x128xf32, #tpu.memory_space<vmem_shared>>
        tpu.enqueue_indirect_dma source(%arg14 : memref<80x128xf32, #tpu.memory_space<vmem>>) target(%dma_start3A_248 : memref<10240x128xf32, #tpu.memory_space<vmem_shared>>) offsets(%dma_start3A_245 : memref<80xi32, #tpu.memory_space<vmem>>) semaphore(%arg19 : memref<!tpu.dma_semaphore, #tpu.memory_space<semaphore_mem>>) {add = true}
        %mul3A_249 = arith.constant 2 : i32
        %mul3A_250 = arith.muli %mul3A_249, %scan3A_212 : i32
        %add3A_251 = arith.constant 1 : i32
        %add3A_252 = arith.addi %mul3A_250, %add3A_251 : i32
        %dma_wait3A_253 = arith.constant 0 : i32
        %dma_wait3A_254 = arith.constant 0 : i32
        %dma_wait3A_255 = tpu.memref_slice %arg2[%dma_wait3A_253, %dma_wait3A_254] : memref<160000x128xf32, #tpu.memory_space<hbm>> -> memref<80x128xf32, #tpu.memory_space<hbm>>
        %dma_wait3A_256 = arith.constant 0 : i32
        %dma_wait3A_257 = arith.constant 0 : i32
        %dma_wait3A_258 = tpu.memref_slice %arg2[%dma_wait3A_256, %dma_wait3A_257] : memref<160000x128xf32, #tpu.memory_space<hbm>> -> memref<80x128xf32, #tpu.memory_space<hbm>>
        tpu.wait_dma2 semaphore(%arg18 : memref<!tpu.dma_semaphore, #tpu.memory_space<semaphore_mem>>) src(%dma_wait3A_258 : memref<80x128xf32, #tpu.memory_space<hbm>>) dst(%arg13 : memref<80x128xf32, #tpu.memory_space<vmem>>)
        %dma_wait3A_259 = arith.constant 0 : i32
        %dma_wait3A_260 = arith.constant 0 : i32
        %dma_wait3A_261 = arith.constant 0 : i32
        %dma_wait3A_262 = tpu.memref_slice %arg7[%dma_wait3A_259, %dma_wait3A_260, %dma_wait3A_261] : memref<2x10240x128xf32, #tpu.memory_space<hbm>> -> memref<1x80x128xf32, #tpu.memory_space<hbm>>
        %dma_wait3A_263 = tpu.memref_squeeze %dma_wait3A_262 : memref<1x80x128xf32, #tpu.memory_space<hbm>> -> memref<80x128xf32, #tpu.memory_space<hbm>>
        %dma_wait3A_264 = arith.constant 0 : i32
        %dma_wait3A_265 = arith.constant 0 : i32
        %dma_wait3A_266 = tpu.memref_slice %arg7[%dma_wait3A_259, %dma_wait3A_264, %dma_wait3A_265] : memref<2x10240x128xf32, #tpu.memory_space<hbm>> -> memref<1x80x128xf32, #tpu.memory_space<hbm>>
        %dma_wait3A_267 = tpu.memref_squeeze %dma_wait3A_266 : memref<1x80x128xf32, #tpu.memory_space<hbm>> -> memref<80x128xf32, #tpu.memory_space<hbm>>
        tpu.wait_dma2 semaphore(%arg20 : memref<!tpu.dma_semaphore, #tpu.memory_space<semaphore_mem>>) src(%dma_wait3A_267 : memref<80x128xf32, #tpu.memory_space<hbm>>) dst(%arg15 : memref<80x128xf32, #tpu.memory_space<vmem>>)
        %parallel_loop3A_268 = arith.constant 0 : i32
        %parallel_loop3A_269 = arith.constant 80 : i32
        %parallel_loop3A_270 = arith.constant 1 : i32
        scf.for %parallel_loop3A_285 = %parallel_loop3A_268 to %parallel_loop3A_269 step %parallel_loop3A_270  : i32 {
          %parallel_loop3A_286 = arith.constant -16 : i32
          %parallel_loop3A_287 = arith.andi %parallel_loop3A_285, %parallel_loop3A_286 : i32
          %parallel_loop3A_288 = arith.index_cast %add3A_252 : i32 to index
          %parallel_loop3A_289 = arith.index_cast %parallel_loop3A_287 : i32 to index
          %parallel_loop3A_290 = tpu.vector_load %arg11[%parallel_loop3A_288, %parallel_loop3A_289] {strides = array<i32>} : memref<16x80xf32, #tpu.memory_space<vmem>>, vector<1x16xf32>,
          %parallel_loop3A_291 = vector.shape_cast %parallel_loop3A_290 : vector<1x16xf32> to vector<16xf32>
          %parallel_loop3A_292 = arith.constant 15 : i32
          %parallel_loop3A_293 = arith.andi %parallel_loop3A_285, %parallel_loop3A_292 : i32
          %parallel_loop3A_294 = vector.broadcast %parallel_loop3A_293 : i32 to vector<16x1xi32>
          %parallel_loop3A_295 = vector.shape_cast %parallel_loop3A_294 : vector<16x1xi32> to vector<16xi32>
          %parallel_loop3A_296 = tpu.dynamic_gather %parallel_loop3A_291[%parallel_loop3A_295] in [0] : vector<16xf32>, vector<16xi32> -> vector<16xf32>
          %parallel_loop3A_297 = arith.index_cast %parallel_loop3A_285 : i32 to index
          %parallel_loop3A_298 = arith.constant 0 : index
          %parallel_loop3A_299 = tpu.vector_load %arg13[%parallel_loop3A_297, %parallel_loop3A_298] {strides = array<i32>} : memref<80x128xf32, #tpu.memory_space<vmem>>, vector<1x16xf32>,
          %parallel_loop3A_300 = vector.shape_cast %parallel_loop3A_299 : vector<1x16xf32> to vector<16xf32>
          %parallel_loop3A_301 = arith.index_cast %parallel_loop3A_285 : i32 to index
          %parallel_loop3A_302 = arith.constant 16 : index
          %parallel_loop3A_303 = tpu.vector_load %arg13[%parallel_loop3A_301, %parallel_loop3A_302] {strides = array<i32>} : memref<80x128xf32, #tpu.memory_space<vmem>>, vector<1x16xf32>,
          %parallel_loop3A_304 = vector.shape_cast %parallel_loop3A_303 : vector<1x16xf32> to vector<16xf32>
          %parallel_loop3A_305 = arith.index_cast %parallel_loop3A_285 : i32 to index
          %parallel_loop3A_306 = arith.constant 32 : index
          %parallel_loop3A_307 = tpu.vector_load %arg13[%parallel_loop3A_305, %parallel_loop3A_306] {strides = array<i32>} : memref<80x128xf32, #tpu.memory_space<vmem>>, vector<1x16xf32>,
          %parallel_loop3A_308 = vector.shape_cast %parallel_loop3A_307 : vector<1x16xf32> to vector<16xf32>
          %parallel_loop3A_309 = arith.index_cast %parallel_loop3A_285 : i32 to index
          %parallel_loop3A_310 = arith.constant 48 : index
          %parallel_loop3A_311 = tpu.vector_load %arg13[%parallel_loop3A_309, %parallel_loop3A_310] {strides = array<i32>} : memref<80x128xf32, #tpu.memory_space<vmem>>, vector<1x16xf32>,
          %parallel_loop3A_312 = vector.shape_cast %parallel_loop3A_311 : vector<1x16xf32> to vector<16xf32>
          %parallel_loop3A_313 = arith.index_cast %parallel_loop3A_285 : i32 to index
          %parallel_loop3A_314 = arith.constant 64 : index
          %parallel_loop3A_315 = tpu.vector_load %arg13[%parallel_loop3A_313, %parallel_loop3A_314] {strides = array<i32>} : memref<80x128xf32, #tpu.memory_space<vmem>>, vector<1x16xf32>,
          %parallel_loop3A_316 = vector.shape_cast %parallel_loop3A_315 : vector<1x16xf32> to vector<16xf32>
          %parallel_loop3A_317 = arith.index_cast %parallel_loop3A_285 : i32 to index
          %parallel_loop3A_318 = arith.constant 80 : index
          %parallel_loop3A_319 = tpu.vector_load %arg13[%parallel_loop3A_317, %parallel_loop3A_318] {strides = array<i32>} : memref<80x128xf32, #tpu.memory_space<vmem>>, vector<1x16xf32>,
          %parallel_loop3A_320 = vector.shape_cast %parallel_loop3A_319 : vector<1x16xf32> to vector<16xf32>
          %parallel_loop3A_321 = arith.index_cast %parallel_loop3A_285 : i32 to index
          %parallel_loop3A_322 = arith.constant 96 : index
          %parallel_loop3A_323 = tpu.vector_load %arg13[%parallel_loop3A_321, %parallel_loop3A_322] {strides = array<i32>} : memref<80x128xf32, #tpu.memory_space<vmem>>, vector<1x16xf32>,
          %parallel_loop3A_324 = vector.shape_cast %parallel_loop3A_323 : vector<1x16xf32> to vector<16xf32>
          %parallel_loop3A_325 = arith.index_cast %parallel_loop3A_285 : i32 to index
          %parallel_loop3A_326 = arith.constant 112 : index
          %parallel_loop3A_327 = tpu.vector_load %arg13[%parallel_loop3A_325, %parallel_loop3A_326] {strides = array<i32>} : memref<80x128xf32, #tpu.memory_space<vmem>>, vector<1x16xf32>,
          %parallel_loop3A_328 = vector.shape_cast %parallel_loop3A_327 : vector<1x16xf32> to vector<16xf32>
          %parallel_loop3A_329 = arith.mulf %parallel_loop3A_300, %parallel_loop3A_296 : vector<16xf32>
          %parallel_loop3A_330 = arith.index_cast %parallel_loop3A_285 : i32 to index
          %parallel_loop3A_331 = arith.constant 0 : index
          %parallel_loop3A_332 = tpu.vector_load %arg15[%parallel_loop3A_330, %parallel_loop3A_331] {strides = array<i32>} : memref<80x128xf32, #tpu.memory_space<vmem>>, vector<1x16xf32>,
          %parallel_loop3A_333 = vector.shape_cast %parallel_loop3A_332 : vector<1x16xf32> to vector<16xf32>
          %parallel_loop3A_334 = vector.shape_cast %parallel_loop3A_329 : vector<16xf32> to vector<1x16xf32>
          tpu.vector_store %arg15[%parallel_loop3A_330, %parallel_loop3A_331], %parallel_loop3A_334 {strides = array<i32>} : memref<80x128xf32, #tpu.memory_space<vmem>>, vector<1x16xf32>,
          %parallel_loop3A_335 = arith.mulf %parallel_loop3A_304, %parallel_loop3A_296 : vector<16xf32>
          %parallel_loop3A_336 = arith.index_cast %parallel_loop3A_285 : i32 to index
          %parallel_loop3A_337 = arith.constant 16 : index
          %parallel_loop3A_338 = tpu.vector_load %arg15[%parallel_loop3A_336, %parallel_loop3A_337] {strides = array<i32>} : memref<80x128xf32, #tpu.memory_space<vmem>>, vector<1x16xf32>,
          %parallel_loop3A_339 = vector.shape_cast %parallel_loop3A_338 : vector<1x16xf32> to vector<16xf32>
          %parallel_loop3A_340 = vector.shape_cast %parallel_loop3A_335 : vector<16xf32> to vector<1x16xf32>
          tpu.vector_store %arg15[%parallel_loop3A_336, %parallel_loop3A_337], %parallel_loop3A_340 {strides = array<i32>} : memref<80x128xf32, #tpu.memory_space<vmem>>, vector<1x16xf32>,
          %parallel_loop3A_341 = arith.mulf %parallel_loop3A_308, %parallel_loop3A_296 : vector<16xf32>
          %parallel_loop3A_342 = arith.index_cast %parallel_loop3A_285 : i32 to index
          %parallel_loop3A_343 = arith.constant 32 : index
          %parallel_loop3A_344 = tpu.vector_load %arg15[%parallel_loop3A_342, %parallel_loop3A_343] {strides = array<i32>} : memref<80x128xf32, #tpu.memory_space<vmem>>, vector<1x16xf32>,
          %parallel_loop3A_345 = vector.shape_cast %parallel_loop3A_344 : vector<1x16xf32> to vector<16xf32>
          %parallel_loop3A_346 = vector.shape_cast %parallel_loop3A_341 : vector<16xf32> to vector<1x16xf32>
          tpu.vector_store %arg15[%parallel_loop3A_342, %parallel_loop3A_343], %parallel_loop3A_346 {strides = array<i32>} : memref<80x128xf32, #tpu.memory_space<vmem>>, vector<1x16xf32>,
          %parallel_loop3A_347 = arith.mulf %parallel_loop3A_312, %parallel_loop3A_296 : vector<16xf32>
          %parallel_loop3A_348 = arith.index_cast %parallel_loop3A_285 : i32 to index
          %parallel_loop3A_349 = arith.constant 48 : index
          %parallel_loop3A_350 = tpu.vector_load %arg15[%parallel_loop3A_348, %parallel_loop3A_349] {strides = array<i32>} : memref<80x128xf32, #tpu.memory_space<vmem>>, vector<1x16xf32>,
          %parallel_loop3A_351 = vector.shape_cast %parallel_loop3A_350 : vector<1x16xf32> to vector<16xf32>
          %parallel_loop3A_352 = vector.shape_cast %parallel_loop3A_347 : vector<16xf32> to vector<1x16xf32>
          tpu.vector_store %arg15[%parallel_loop3A_348, %parallel_loop3A_349], %parallel_loop3A_352 {strides = array<i32>} : memref<80x128xf32, #tpu.memory_space<vmem>>, vector<1x16xf32>,
          %parallel_loop3A_353 = arith.mulf %parallel_loop3A_316, %parallel_loop3A_296 : vector<16xf32>
          %parallel_loop3A_354 = arith.index_cast %parallel_loop3A_285 : i32 to index
          %parallel_loop3A_355 = arith.constant 64 : index
          %parallel_loop3A_356 = tpu.vector_load %arg15[%parallel_loop3A_354, %parallel_loop3A_355] {strides = array<i32>} : memref<80x128xf32, #tpu.memory_space<vmem>>, vector<1x16xf32>,
          %parallel_loop3A_357 = vector.shape_cast %parallel_loop3A_356 : vector<1x16xf32> to vector<16xf32>
          %parallel_loop3A_358 = vector.shape_cast %parallel_loop3A_353 : vector<16xf32> to vector<1x16xf32>
          tpu.vector_store %arg15[%parallel_loop3A_354, %parallel_loop3A_355], %parallel_loop3A_358 {strides = array<i32>} : memref<80x128xf32, #tpu.memory_space<vmem>>, vector<1x16xf32>,
          %parallel_loop3A_359 = arith.mulf %parallel_loop3A_320, %parallel_loop3A_296 : vector<16xf32>
          %parallel_loop3A_360 = arith.index_cast %parallel_loop3A_285 : i32 to index
          %parallel_loop3A_361 = arith.constant 80 : index
          %parallel_loop3A_362 = tpu.vector_load %arg15[%parallel_loop3A_360, %parallel_loop3A_361] {strides = array<i32>} : memref<80x128xf32, #tpu.memory_space<vmem>>, vector<1x16xf32>,
          %parallel_loop3A_363 = vector.shape_cast %parallel_loop3A_362 : vector<1x16xf32> to vector<16xf32>
          %parallel_loop3A_364 = vector.shape_cast %parallel_loop3A_359 : vector<16xf32> to vector<1x16xf32>
          tpu.vector_store %arg15[%parallel_loop3A_360, %parallel_loop3A_361], %parallel_loop3A_364 {strides = array<i32>} : memref<80x128xf32, #tpu.memory_space<vmem>>, vector<1x16xf32>,
          %parallel_loop3A_365 = arith.mulf %parallel_loop3A_324, %parallel_loop3A_296 : vector<16xf32>
          %parallel_loop3A_366 = arith.index_cast %parallel_loop3A_285 : i32 to index
          %parallel_loop3A_367 = arith.constant 96 : index
          %parallel_loop3A_368 = tpu.vector_load %arg15[%parallel_loop3A_366, %parallel_loop3A_367] {strides = array<i32>} : memref<80x128xf32, #tpu.memory_space<vmem>>, vector<1x16xf32>,
          %parallel_loop3A_369 = vector.shape_cast %parallel_loop3A_368 : vector<1x16xf32> to vector<16xf32>
          %parallel_loop3A_370 = vector.shape_cast %parallel_loop3A_365 : vector<16xf32> to vector<1x16xf32>
          tpu.vector_store %arg15[%parallel_loop3A_366, %parallel_loop3A_367], %parallel_loop3A_370 {strides = array<i32>} : memref<80x128xf32, #tpu.memory_space<vmem>>, vector<1x16xf32>,
          %parallel_loop3A_371 = arith.mulf %parallel_loop3A_328, %parallel_loop3A_296 : vector<16xf32>
          %parallel_loop3A_372 = arith.index_cast %parallel_loop3A_285 : i32 to index
          %parallel_loop3A_373 = arith.constant 112 : index
          %parallel_loop3A_374 = tpu.vector_load %arg15[%parallel_loop3A_372, %parallel_loop3A_373] {strides = array<i32>} : memref<80x128xf32, #tpu.memory_space<vmem>>, vector<1x16xf32>,
          %parallel_loop3A_375 = vector.shape_cast %parallel_loop3A_374 : vector<1x16xf32> to vector<16xf32>
          %parallel_loop3A_376 = vector.shape_cast %parallel_loop3A_371 : vector<16xf32> to vector<1x16xf32>
          tpu.vector_store %arg15[%parallel_loop3A_372, %parallel_loop3A_373], %parallel_loop3A_376 {strides = array<i32>} : memref<80x128xf32, #tpu.memory_space<vmem>>, vector<1x16xf32>,
        } {sc.loop_unroll_factor = 8 : i64, sc.parallel_access}
        %add3A_271 = arith.constant 2 : i32
        %add3A_272 = arith.addi %add3A_252, %add3A_271 : i32
        %dma_start3A_273 = arith.constant 0 : i32
        %dma_start3A_274 = tpu.memref_slice %arg8[%add3A_272, %dma_start3A_273] : memref<16x80xi32, #tpu.memory_space<vmem>> -> memref<1x80xi32, #tpu.memory_space<vmem>>
        %dma_start3A_275 = tpu.memref_squeeze %dma_start3A_274 : memref<1x80xi32, #tpu.memory_space<vmem>> -> memref<80xi32, #tpu.memory_space<vmem>>
        %dma_start3A_276 = arith.constant 0 : i32
        %dma_start3A_277 = arith.constant 0 : i32
        %dma_start3A_278 = tpu.memref_slice %arg2[%dma_start3A_276, %dma_start3A_277] : memref<160000x128xf32, #tpu.memory_space<hbm>> -> memref<160000x128xf32, #tpu.memory_space<hbm>>
        tpu.enqueue_indirect_dma source(%dma_start3A_278 : memref<160000x128xf32, #tpu.memory_space<hbm>>) target(%arg13 : memref<80x128xf32, #tpu.memory_space<vmem>>) offsets(%dma_start3A_275 : memref<80xi32, #tpu.memory_space<vmem>>) semaphore(%arg18 : memref<!tpu.dma_semaphore, #tpu.memory_space<semaphore_mem>>)
        %dma_start3A_279 = arith.constant 0 : i32
        %dma_start3A_280 = tpu.memref_slice %arg10[%add3A_252, %dma_start3A_279] : memref<16x80xi32, #tpu.memory_space<vmem>> -> memref<1x80xi32, #tpu.memory_space<vmem>>
        %dma_start3A_281 = tpu.memref_squeeze %dma_start3A_280 : memref<1x80xi32, #tpu.memory_space<vmem>> -> memref<80xi32, #tpu.memory_space<vmem>>
        %dma_start3A_282 = arith.constant 0 : i32
        %dma_start3A_283 = arith.constant 0 : i32
        %dma_start3A_284 = tpu.memref_slice %arg16[%dma_start3A_282, %dma_start3A_283] : memref<10240x128xf32, #tpu.memory_space<vmem_shared>> -> memref<10240x128xf32, #tpu.memory_space<vmem_shared>>
        tpu.enqueue_indirect_dma source(%arg15 : memref<80x128xf32, #tpu.memory_space<vmem>>) target(%dma_start3A_284 : memref<10240x128xf32, #tpu.memory_space<vmem_shared>>) offsets(%dma_start3A_281 : memref<80xi32, #tpu.memory_space<vmem>>) semaphore(%arg20 : memref<!tpu.dma_semaphore, #tpu.memory_space<semaphore_mem>>) {add = true}
      }
      %scan3A_143 = arith.constant 6 : i32
      %dma_wait3A_144 = arith.constant 0 : i32
      %dma_wait3A_145 = arith.constant 0 : i32
      %dma_wait3A_146 = tpu.memref_slice %arg2[%dma_wait3A_144, %dma_wait3A_145] : memref<160000x128xf32, #tpu.memory_space<hbm>> -> memref<80x128xf32, #tpu.memory_space<hbm>>
      %dma_wait3A_147 = arith.constant 0 : i32
      %dma_wait3A_148 = arith.constant 0 : i32
      %dma_wait3A_149 = tpu.memref_slice %arg2[%dma_wait3A_147, %dma_wait3A_148] : memref<160000x128xf32, #tpu.memory_space<hbm>> -> memref<80x128xf32, #tpu.memory_space<hbm>>
      tpu.wait_dma2 semaphore(%arg17 : memref<!tpu.dma_semaphore, #tpu.memory_space<semaphore_mem>>) src(%dma_wait3A_149 : memref<80x128xf32, #tpu.memory_space<hbm>>) dst(%arg12 : memref<80x128xf32, #tpu.memory_space<vmem>>)
      %dma_wait3A_150 = arith.constant 0 : i32
      %dma_wait3A_151 = arith.constant 0 : i32
      %dma_wait3A_152 = arith.constant 0 : i32
      %dma_wait3A_153 = tpu.memref_slice %arg7[%dma_wait3A_150, %dma_wait3A_151, %dma_wait3A_152] : memref<2x10240x128xf32, #tpu.memory_space<hbm>> -> memref<1x80x128xf32, #tpu.memory_space<hbm>>
      %dma_wait3A_154 = tpu.memref_squeeze %dma_wait3A_153 : memref<1x80x128xf32, #tpu.memory_space<hbm>> -> memref<80x128xf32, #tpu.memory_space<hbm>>
      %dma_wait3A_155 = arith.constant 0 : i32
      %dma_wait3A_156 = arith.constant 0 : i32
      %dma_wait3A_157 = tpu.memref_slice %arg7[%dma_wait3A_150, %dma_wait3A_155, %dma_wait3A_156] : memref<2x10240x128xf32, #tpu.memory_space<hbm>> -> memref<1x80x128xf32, #tpu.memory_space<hbm>>
      %dma_wait3A_158 = tpu.memref_squeeze %dma_wait3A_157 : memref<1x80x128xf32, #tpu.memory_space<hbm>> -> memref<80x128xf32, #tpu.memory_space<hbm>>
      tpu.wait_dma2 semaphore(%arg19 : memref<!tpu.dma_semaphore, #tpu.memory_space<semaphore_mem>>) src(%dma_wait3A_158 : memref<80x128xf32, #tpu.memory_space<hbm>>) dst(%arg14 : memref<80x128xf32, #tpu.memory_space<vmem>>)
      %parallel_loop3A_159 = arith.constant 0 : i32
      %parallel_loop3A_160 = arith.constant 80 : i32
      %parallel_loop3A_161 = arith.constant 1 : i32
      scf.for %parallel_loop3A_212 = %parallel_loop3A_159 to %parallel_loop3A_160 step %parallel_loop3A_161  : i32 {
        %parallel_loop3A_213 = arith.constant -16 : i32
        %parallel_loop3A_214 = arith.andi %parallel_loop3A_212, %parallel_loop3A_213 : i32
        %parallel_loop3A_215 = arith.constant 14 : i32
        %parallel_loop3A_216 = arith.index_cast %parallel_loop3A_215 : i32 to index
        %parallel_loop3A_217 = arith.index_cast %parallel_loop3A_214 : i32 to index
        %parallel_loop3A_218 = tpu.vector_load %arg11[%parallel_loop3A_216, %parallel_loop3A_217] {strides = array<i32>} : memref<16x80xf32, #tpu.memory_space<vmem>>, vector<1x16xf32>,
        %parallel_loop3A_219 = vector.shape_cast %parallel_loop3A_218 : vector<1x16xf32> to vector<16xf32>
        %parallel_loop3A_220 = arith.constant 15 : i32
        %parallel_loop3A_221 = arith.andi %parallel_loop3A_212, %parallel_loop3A_220 : i32
        %parallel_loop3A_222 = vector.broadcast %parallel_loop3A_221 : i32 to vector<16x1xi32>
        %parallel_loop3A_223 = vector.shape_cast %parallel_loop3A_222 : vector<16x1xi32> to vector<16xi32>
        %parallel_loop3A_224 = tpu.dynamic_gather %parallel_loop3A_219[%parallel_loop3A_223] in [0] : vector<16xf32>, vector<16xi32> -> vector<16xf32>
        %parallel_loop3A_225 = arith.index_cast %parallel_loop3A_212 : i32 to index
        %parallel_loop3A_226 = arith.constant 0 : index
        %parallel_loop3A_227 = tpu.vector_load %arg12[%parallel_loop3A_225, %parallel_loop3A_226] {strides = array<i32>} : memref<80x128xf32, #tpu.memory_space<vmem>>, vector<1x16xf32>,
        %parallel_loop3A_228 = vector.shape_cast %parallel_loop3A_227 : vector<1x16xf32> to vector<16xf32>
        %parallel_loop3A_229 = arith.index_cast %parallel_loop3A_212 : i32 to index
        %parallel_loop3A_230 = arith.constant 16 : index
        %parallel_loop3A_231 = tpu.vector_load %arg12[%parallel_loop3A_229, %parallel_loop3A_230] {strides = array<i32>} : memref<80x128xf32, #tpu.memory_space<vmem>>, vector<1x16xf32>,
        %parallel_loop3A_232 = vector.shape_cast %parallel_loop3A_231 : vector<1x16xf32> to vector<16xf32>
        %parallel_loop3A_233 = arith.index_cast %parallel_loop3A_212 : i32 to index
        %parallel_loop3A_234 = arith.constant 32 : index
        %parallel_loop3A_235 = tpu.vector_load %arg12[%parallel_loop3A_233, %parallel_loop3A_234] {strides = array<i32>} : memref<80x128xf32, #tpu.memory_space<vmem>>, vector<1x16xf32>,
        %parallel_loop3A_236 = vector.shape_cast %parallel_loop3A_235 : vector<1x16xf32> to vector<16xf32>
        %parallel_loop3A_237 = arith.index_cast %parallel_loop3A_212 : i32 to index
        %parallel_loop3A_238 = arith.constant 48 : index
        %parallel_loop3A_239 = tpu.vector_load %arg12[%parallel_loop3A_237, %parallel_loop3A_238] {strides = array<i32>} : memref<80x128xf32, #tpu.memory_space<vmem>>, vector<1x16xf32>,
        %parallel_loop3A_240 = vector.shape_cast %parallel_loop3A_239 : vector<1x16xf32> to vector<16xf32>
        %parallel_loop3A_241 = arith.index_cast %parallel_loop3A_212 : i32 to index
        %parallel_loop3A_242 = arith.constant 64 : index
        %parallel_loop3A_243 = tpu.vector_load %arg12[%parallel_loop3A_241, %parallel_loop3A_242] {strides = array<i32>} : memref<80x128xf32, #tpu.memory_space<vmem>>, vector<1x16xf32>,
        %parallel_loop3A_244 = vector.shape_cast %parallel_loop3A_243 : vector<1x16xf32> to vector<16xf32>
        %parallel_loop3A_245 = arith.index_cast %parallel_loop3A_212 : i32 to index
        %parallel_loop3A_246 = arith.constant 80 : index
        %parallel_loop3A_247 = tpu.vector_load %arg12[%parallel_loop3A_245, %parallel_loop3A_246] {strides = array<i32>} : memref<80x128xf32, #tpu.memory_space<vmem>>, vector<1x16xf32>,
        %parallel_loop3A_248 = vector.shape_cast %parallel_loop3A_247 : vector<1x16xf32> to vector<16xf32>
        %parallel_loop3A_249 = arith.index_cast %parallel_loop3A_212 : i32 to index
        %parallel_loop3A_250 = arith.constant 96 : index
        %parallel_loop3A_251 = tpu.vector_load %arg12[%parallel_loop3A_249, %parallel_loop3A_250] {strides = array<i32>} : memref<80x128xf32, #tpu.memory_space<vmem>>, vector<1x16xf32>,
        %parallel_loop3A_252 = vector.shape_cast %parallel_loop3A_251 : vector<1x16xf32> to vector<16xf32>
        %parallel_loop3A_253 = arith.index_cast %parallel_loop3A_212 : i32 to index
        %parallel_loop3A_254 = arith.constant 112 : index
        %parallel_loop3A_255 = tpu.vector_load %arg12[%parallel_loop3A_253, %parallel_loop3A_254] {strides = array<i32>} : memref<80x128xf32, #tpu.memory_space<vmem>>, vector<1x16xf32>,
        %parallel_loop3A_256 = vector.shape_cast %parallel_loop3A_255 : vector<1x16xf32> to vector<16xf32>
        %parallel_loop3A_257 = arith.mulf %parallel_loop3A_228, %parallel_loop3A_224 : vector<16xf32>
        %parallel_loop3A_258 = arith.index_cast %parallel_loop3A_212 : i32 to index
        %parallel_loop3A_259 = arith.constant 0 : index
        %parallel_loop3A_260 = tpu.vector_load %arg14[%parallel_loop3A_258, %parallel_loop3A_259] {strides = array<i32>} : memref<80x128xf32, #tpu.memory_space<vmem>>, vector<1x16xf32>,
        %parallel_loop3A_261 = vector.shape_cast %parallel_loop3A_260 : vector<1x16xf32> to vector<16xf32>
        %parallel_loop3A_262 = vector.shape_cast %parallel_loop3A_257 : vector<16xf32> to vector<1x16xf32>
        tpu.vector_store %arg14[%parallel_loop3A_258, %parallel_loop3A_259], %parallel_loop3A_262 {strides = array<i32>} : memref<80x128xf32, #tpu.memory_space<vmem>>, vector<1x16xf32>,
        %parallel_loop3A_263 = arith.mulf %parallel_loop3A_232, %parallel_loop3A_224 : vector<16xf32>
        %parallel_loop3A_264 = arith.index_cast %parallel_loop3A_212 : i32 to index
        %parallel_loop3A_265 = arith.constant 16 : index
        %parallel_loop3A_266 = tpu.vector_load %arg14[%parallel_loop3A_264, %parallel_loop3A_265] {strides = array<i32>} : memref<80x128xf32, #tpu.memory_space<vmem>>, vector<1x16xf32>,
        %parallel_loop3A_267 = vector.shape_cast %parallel_loop3A_266 : vector<1x16xf32> to vector<16xf32>
        %parallel_loop3A_268 = vector.shape_cast %parallel_loop3A_263 : vector<16xf32> to vector<1x16xf32>
        tpu.vector_store %arg14[%parallel_loop3A_264, %parallel_loop3A_265], %parallel_loop3A_268 {strides = array<i32>} : memref<80x128xf32, #tpu.memory_space<vmem>>, vector<1x16xf32>,
        %parallel_loop3A_269 = arith.mulf %parallel_loop3A_236, %parallel_loop3A_224 : vector<16xf32>
        %parallel_loop3A_270 = arith.index_cast %parallel_loop3A_212 : i32 to index
        %parallel_loop3A_271 = arith.constant 32 : index
        %parallel_loop3A_272 = tpu.vector_load %arg14[%parallel_loop3A_270, %parallel_loop3A_271] {strides = array<i32>} : memref<80x128xf32, #tpu.memory_space<vmem>>, vector<1x16xf32>,
        %parallel_loop3A_273 = vector.shape_cast %parallel_loop3A_272 : vector<1x16xf32> to vector<16xf32>
        %parallel_loop3A_274 = vector.shape_cast %parallel_loop3A_269 : vector<16xf32> to vector<1x16xf32>
        tpu.vector_store %arg14[%parallel_loop3A_270, %parallel_loop3A_271], %parallel_loop3A_274 {strides = array<i32>} : memref<80x128xf32, #tpu.memory_space<vmem>>, vector<1x16xf32>,
        %parallel_loop3A_275 = arith.mulf %parallel_loop3A_240, %parallel_loop3A_224 : vector<16xf32>
        %parallel_loop3A_276 = arith.index_cast %parallel_loop3A_212 : i32 to index
        %parallel_loop3A_277 = arith.constant 48 : index
        %parallel_loop3A_278 = tpu.vector_load %arg14[%parallel_loop3A_276, %parallel_loop3A_277] {strides = array<i32>} : memref<80x128xf32, #tpu.memory_space<vmem>>, vector<1x16xf32>,
        %parallel_loop3A_279 = vector.shape_cast %parallel_loop3A_278 : vector<1x16xf32> to vector<16xf32>
        %parallel_loop3A_280 = vector.shape_cast %parallel_loop3A_275 : vector<16xf32> to vector<1x16xf32>
        tpu.vector_store %arg14[%parallel_loop3A_276, %parallel_loop3A_277], %parallel_loop3A_280 {strides = array<i32>} : memref<80x128xf32, #tpu.memory_space<vmem>>, vector<1x16xf32>,
        %parallel_loop3A_281 = arith.mulf %parallel_loop3A_244, %parallel_loop3A_224 : vector<16xf32>
        %parallel_loop3A_282 = arith.index_cast %parallel_loop3A_212 : i32 to index
        %parallel_loop3A_283 = arith.constant 64 : index
        %parallel_loop3A_284 = tpu.vector_load %arg14[%parallel_loop3A_282, %parallel_loop3A_283] {strides = array<i32>} : memref<80x128xf32, #tpu.memory_space<vmem>>, vector<1x16xf32>,
        %parallel_loop3A_285 = vector.shape_cast %parallel_loop3A_284 : vector<1x16xf32> to vector<16xf32>
        %parallel_loop3A_286 = vector.shape_cast %parallel_loop3A_281 : vector<16xf32> to vector<1x16xf32>
        tpu.vector_store %arg14[%parallel_loop3A_282, %parallel_loop3A_283], %parallel_loop3A_286 {strides = array<i32>} : memref<80x128xf32, #tpu.memory_space<vmem>>, vector<1x16xf32>,
        %parallel_loop3A_287 = arith.mulf %parallel_loop3A_248, %parallel_loop3A_224 : vector<16xf32>
        %parallel_loop3A_288 = arith.index_cast %parallel_loop3A_212 : i32 to index
        %parallel_loop3A_289 = arith.constant 80 : index
        %parallel_loop3A_290 = tpu.vector_load %arg14[%parallel_loop3A_288, %parallel_loop3A_289] {strides = array<i32>} : memref<80x128xf32, #tpu.memory_space<vmem>>, vector<1x16xf32>,
        %parallel_loop3A_291 = vector.shape_cast %parallel_loop3A_290 : vector<1x16xf32> to vector<16xf32>
        %parallel_loop3A_292 = vector.shape_cast %parallel_loop3A_287 : vector<16xf32> to vector<1x16xf32>
        tpu.vector_store %arg14[%parallel_loop3A_288, %parallel_loop3A_289], %parallel_loop3A_292 {strides = array<i32>} : memref<80x128xf32, #tpu.memory_space<vmem>>, vector<1x16xf32>,
        %parallel_loop3A_293 = arith.mulf %parallel_loop3A_252, %parallel_loop3A_224 : vector<16xf32>
        %parallel_loop3A_294 = arith.index_cast %parallel_loop3A_212 : i32 to index
        %parallel_loop3A_295 = arith.constant 96 : index
        %parallel_loop3A_296 = tpu.vector_load %arg14[%parallel_loop3A_294, %parallel_loop3A_295] {strides = array<i32>} : memref<80x128xf32, #tpu.memory_space<vmem>>, vector<1x16xf32>,
        %parallel_loop3A_297 = vector.shape_cast %parallel_loop3A_296 : vector<1x16xf32> to vector<16xf32>
        %parallel_loop3A_298 = vector.shape_cast %parallel_loop3A_293 : vector<16xf32> to vector<1x16xf32>
        tpu.vector_store %arg14[%parallel_loop3A_294, %parallel_loop3A_295], %parallel_loop3A_298 {strides = array<i32>} : memref<80x128xf32, #tpu.memory_space<vmem>>, vector<1x16xf32>,
        %parallel_loop3A_299 = arith.mulf %parallel_loop3A_256, %parallel_loop3A_224 : vector<16xf32>
        %parallel_loop3A_300 = arith.index_cast %parallel_loop3A_212 : i32 to index
        %parallel_loop3A_301 = arith.constant 112 : index
        %parallel_loop3A_302 = tpu.vector_load %arg14[%parallel_loop3A_300, %parallel_loop3A_301] {strides = array<i32>} : memref<80x128xf32, #tpu.memory_space<vmem>>, vector<1x16xf32>,
        %parallel_loop3A_303 = vector.shape_cast %parallel_loop3A_302 : vector<1x16xf32> to vector<16xf32>
        %parallel_loop3A_304 = vector.shape_cast %parallel_loop3A_299 : vector<16xf32> to vector<1x16xf32>
        tpu.vector_store %arg14[%parallel_loop3A_300, %parallel_loop3A_301], %parallel_loop3A_304 {strides = array<i32>} : memref<80x128xf32, #tpu.memory_space<vmem>>, vector<1x16xf32>,
      } {sc.loop_unroll_factor = 8 : i64, sc.parallel_access}
      %dma_start3A_162 = arith.constant 14 : i32
      %dma_start3A_163 = arith.constant 0 : i32
      %dma_start3A_164 = tpu.memref_slice %arg10[%dma_start3A_162, %dma_start3A_163] : memref<16x80xi32, #tpu.memory_space<vmem>> -> memref<1x80xi32, #tpu.memory_space<vmem>>
      %dma_start3A_165 = tpu.memref_squeeze %dma_start3A_164 : memref<1x80xi32, #tpu.memory_space<vmem>> -> memref<80xi32, #tpu.memory_space<vmem>>
      %dma_start3A_166 = arith.constant 0 : i32
      %dma_start3A_167 = arith.constant 0 : i32
      %dma_start3A_168 = tpu.memref_slice %arg16[%dma_start3A_166, %dma_start3A_167] : memref<10240x128xf32, #tpu.memory_space<vmem_shared>> -> memref<10240x128xf32, #tpu.memory_space<vmem_shared>>
      tpu.enqueue_indirect_dma source(%arg14 : memref<80x128xf32, #tpu.memory_space<vmem>>) target(%dma_start3A_168 : memref<10240x128xf32, #tpu.memory_space<vmem_shared>>) offsets(%dma_start3A_165 : memref<80xi32, #tpu.memory_space<vmem>>) semaphore(%arg19 : memref<!tpu.dma_semaphore, #tpu.memory_space<semaphore_mem>>) {add = true}
      %dma_wait3A_169 = arith.constant 0 : i32
      %dma_wait3A_170 = arith.constant 0 : i32
      %dma_wait3A_171 = tpu.memref_slice %arg2[%dma_wait3A_169, %dma_wait3A_170] : memref<160000x128xf32, #tpu.memory_space<hbm>> -> memref<80x128xf32, #tpu.memory_space<hbm>>
      %dma_wait3A_172 = arith.constant 0 : i32
      %dma_wait3A_173 = arith.constant 0 : i32
      %dma_wait3A_174 = tpu.memref_slice %arg2[%dma_wait3A_172, %dma_wait3A_173] : memref<160000x128xf32, #tpu.memory_space<hbm>> -> memref<80x128xf32, #tpu.memory_space<hbm>>
      tpu.wait_dma2 semaphore(%arg18 : memref<!tpu.dma_semaphore, #tpu.memory_space<semaphore_mem>>) src(%dma_wait3A_174 : memref<80x128xf32, #tpu.memory_space<hbm>>) dst(%arg13 : memref<80x128xf32, #tpu.memory_space<vmem>>)
      %dma_wait3A_175 = arith.constant 0 : i32
      %dma_wait3A_176 = arith.constant 0 : i32
      %dma_wait3A_177 = arith.constant 0 : i32
      %dma_wait3A_178 = tpu.memref_slice %arg7[%dma_wait3A_175, %dma_wait3A_176, %dma_wait3A_177] : memref<2x10240x128xf32, #tpu.memory_space<hbm>> -> memref<1x80x128xf32, #tpu.memory_space<hbm>>
      %dma_wait3A_179 = tpu.memref_squeeze %dma_wait3A_178 : memref<1x80x128xf32, #tpu.memory_space<hbm>> -> memref<80x128xf32, #tpu.memory_space<hbm>>
      %dma_wait3A_180 = arith.constant 0 : i32
      %dma_wait3A_181 = arith.constant 0 : i32
      %dma_wait3A_182 = tpu.memref_slice %arg7[%dma_wait3A_175, %dma_wait3A_180, %dma_wait3A_181] : memref<2x10240x128xf32, #tpu.memory_space<hbm>> -> memref<1x80x128xf32, #tpu.memory_space<hbm>>
      %dma_wait3A_183 = tpu.memref_squeeze %dma_wait3A_182 : memref<1x80x128xf32, #tpu.memory_space<hbm>> -> memref<80x128xf32, #tpu.memory_space<hbm>>
      tpu.wait_dma2 semaphore(%arg20 : memref<!tpu.dma_semaphore, #tpu.memory_space<semaphore_mem>>) src(%dma_wait3A_183 : memref<80x128xf32, #tpu.memory_space<hbm>>) dst(%arg15 : memref<80x128xf32, #tpu.memory_space<vmem>>)
      %parallel_loop3A_184 = arith.constant 0 : i32
      %parallel_loop3A_185 = arith.constant 80 : i32
      %parallel_loop3A_186 = arith.constant 1 : i32
      scf.for %parallel_loop3A_212 = %parallel_loop3A_184 to %parallel_loop3A_185 step %parallel_loop3A_186  : i32 {
        %parallel_loop3A_213 = arith.constant -16 : i32
        %parallel_loop3A_214 = arith.andi %parallel_loop3A_212, %parallel_loop3A_213 : i32
        %parallel_loop3A_215 = arith.constant 15 : i32
        %parallel_loop3A_216 = arith.index_cast %parallel_loop3A_215 : i32 to index
        %parallel_loop3A_217 = arith.index_cast %parallel_loop3A_214 : i32 to index
        %parallel_loop3A_218 = tpu.vector_load %arg11[%parallel_loop3A_216, %parallel_loop3A_217] {strides = array<i32>} : memref<16x80xf32, #tpu.memory_space<vmem>>, vector<1x16xf32>,
        %parallel_loop3A_219 = vector.shape_cast %parallel_loop3A_218 : vector<1x16xf32> to vector<16xf32>
        %parallel_loop3A_220 = arith.constant 15 : i32
        %parallel_loop3A_221 = arith.andi %parallel_loop3A_212, %parallel_loop3A_220 : i32
        %parallel_loop3A_222 = vector.broadcast %parallel_loop3A_221 : i32 to vector<16x1xi32>
        %parallel_loop3A_223 = vector.shape_cast %parallel_loop3A_222 : vector<16x1xi32> to vector<16xi32>
        %parallel_loop3A_224 = tpu.dynamic_gather %parallel_loop3A_219[%parallel_loop3A_223] in [0] : vector<16xf32>, vector<16xi32> -> vector<16xf32>
        %parallel_loop3A_225 = arith.index_cast %parallel_loop3A_212 : i32 to index
        %parallel_loop3A_226 = arith.constant 0 : index
        %parallel_loop3A_227 = tpu.vector_load %arg13[%parallel_loop3A_225, %parallel_loop3A_226] {strides = array<i32>} : memref<80x128xf32, #tpu.memory_space<vmem>>, vector<1x16xf32>,
        %parallel_loop3A_228 = vector.shape_cast %parallel_loop3A_227 : vector<1x16xf32> to vector<16xf32>
        %parallel_loop3A_229 = arith.index_cast %parallel_loop3A_212 : i32 to index
        %parallel_loop3A_230 = arith.constant 16 : index
        %parallel_loop3A_231 = tpu.vector_load %arg13[%parallel_loop3A_229, %parallel_loop3A_230] {strides = array<i32>} : memref<80x128xf32, #tpu.memory_space<vmem>>, vector<1x16xf32>,
        %parallel_loop3A_232 = vector.shape_cast %parallel_loop3A_231 : vector<1x16xf32> to vector<16xf32>
        %parallel_loop3A_233 = arith.index_cast %parallel_loop3A_212 : i32 to index
        %parallel_loop3A_234 = arith.constant 32 : index
        %parallel_loop3A_235 = tpu.vector_load %arg13[%parallel_loop3A_233, %parallel_loop3A_234] {strides = array<i32>} : memref<80x128xf32, #tpu.memory_space<vmem>>, vector<1x16xf32>,
        %parallel_loop3A_236 = vector.shape_cast %parallel_loop3A_235 : vector<1x16xf32> to vector<16xf32>
        %parallel_loop3A_237 = arith.index_cast %parallel_loop3A_212 : i32 to index
        %parallel_loop3A_238 = arith.constant 48 : index
        %parallel_loop3A_239 = tpu.vector_load %arg13[%parallel_loop3A_237, %parallel_loop3A_238] {strides = array<i32>} : memref<80x128xf32, #tpu.memory_space<vmem>>, vector<1x16xf32>,
        %parallel_loop3A_240 = vector.shape_cast %parallel_loop3A_239 : vector<1x16xf32> to vector<16xf32>
        %parallel_loop3A_241 = arith.index_cast %parallel_loop3A_212 : i32 to index
        %parallel_loop3A_242 = arith.constant 64 : index
        %parallel_loop3A_243 = tpu.vector_load %arg13[%parallel_loop3A_241, %parallel_loop3A_242] {strides = array<i32>} : memref<80x128xf32, #tpu.memory_space<vmem>>, vector<1x16xf32>,
        %parallel_loop3A_244 = vector.shape_cast %parallel_loop3A_243 : vector<1x16xf32> to vector<16xf32>
        %parallel_loop3A_245 = arith.index_cast %parallel_loop3A_212 : i32 to index
        %parallel_loop3A_246 = arith.constant 80 : index
        %parallel_loop3A_247 = tpu.vector_load %arg13[%parallel_loop3A_245, %parallel_loop3A_246] {strides = array<i32>} : memref<80x128xf32, #tpu.memory_space<vmem>>, vector<1x16xf32>,
        %parallel_loop3A_248 = vector.shape_cast %parallel_loop3A_247 : vector<1x16xf32> to vector<16xf32>
        %parallel_loop3A_249 = arith.index_cast %parallel_loop3A_212 : i32 to index
        %parallel_loop3A_250 = arith.constant 96 : index
        %parallel_loop3A_251 = tpu.vector_load %arg13[%parallel_loop3A_249, %parallel_loop3A_250] {strides = array<i32>} : memref<80x128xf32, #tpu.memory_space<vmem>>, vector<1x16xf32>,
        %parallel_loop3A_252 = vector.shape_cast %parallel_loop3A_251 : vector<1x16xf32> to vector<16xf32>
        %parallel_loop3A_253 = arith.index_cast %parallel_loop3A_212 : i32 to index
        %parallel_loop3A_254 = arith.constant 112 : index
        %parallel_loop3A_255 = tpu.vector_load %arg13[%parallel_loop3A_253, %parallel_loop3A_254] {strides = array<i32>} : memref<80x128xf32, #tpu.memory_space<vmem>>, vector<1x16xf32>,
        %parallel_loop3A_256 = vector.shape_cast %parallel_loop3A_255 : vector<1x16xf32> to vector<16xf32>
        %parallel_loop3A_257 = arith.mulf %parallel_loop3A_228, %parallel_loop3A_224 : vector<16xf32>
        %parallel_loop3A_258 = arith.index_cast %parallel_loop3A_212 : i32 to index
        %parallel_loop3A_259 = arith.constant 0 : index
        %parallel_loop3A_260 = tpu.vector_load %arg15[%parallel_loop3A_258, %parallel_loop3A_259] {strides = array<i32>} : memref<80x128xf32, #tpu.memory_space<vmem>>, vector<1x16xf32>,
        %parallel_loop3A_261 = vector.shape_cast %parallel_loop3A_260 : vector<1x16xf32> to vector<16xf32>
        %parallel_loop3A_262 = vector.shape_cast %parallel_loop3A_257 : vector<16xf32> to vector<1x16xf32>
        tpu.vector_store %arg15[%parallel_loop3A_258, %parallel_loop3A_259], %parallel_loop3A_262 {strides = array<i32>} : memref<80x128xf32, #tpu.memory_space<vmem>>, vector<1x16xf32>,
        %parallel_loop3A_263 = arith.mulf %parallel_loop3A_232, %parallel_loop3A_224 : vector<16xf32>
        %parallel_loop3A_264 = arith.index_cast %parallel_loop3A_212 : i32 to index
        %parallel_loop3A_265 = arith.constant 16 : index
        %parallel_loop3A_266 = tpu.vector_load %arg15[%parallel_loop3A_264, %parallel_loop3A_265] {strides = array<i32>} : memref<80x128xf32, #tpu.memory_space<vmem>>, vector<1x16xf32>,
        %parallel_loop3A_267 = vector.shape_cast %parallel_loop3A_266 : vector<1x16xf32> to vector<16xf32>
        %parallel_loop3A_268 = vector.shape_cast %parallel_loop3A_263 : vector<16xf32> to vector<1x16xf32>
        tpu.vector_store %arg15[%parallel_loop3A_264, %parallel_loop3A_265], %parallel_loop3A_268 {strides = array<i32>} : memref<80x128xf32, #tpu.memory_space<vmem>>, vector<1x16xf32>,
        %parallel_loop3A_269 = arith.mulf %parallel_loop3A_236, %parallel_loop3A_224 : vector<16xf32>
        %parallel_loop3A_270 = arith.index_cast %parallel_loop3A_212 : i32 to index
        %parallel_loop3A_271 = arith.constant 32 : index
        %parallel_loop3A_272 = tpu.vector_load %arg15[%parallel_loop3A_270, %parallel_loop3A_271] {strides = array<i32>} : memref<80x128xf32, #tpu.memory_space<vmem>>, vector<1x16xf32>,
        %parallel_loop3A_273 = vector.shape_cast %parallel_loop3A_272 : vector<1x16xf32> to vector<16xf32>
        %parallel_loop3A_274 = vector.shape_cast %parallel_loop3A_269 : vector<16xf32> to vector<1x16xf32>
        tpu.vector_store %arg15[%parallel_loop3A_270, %parallel_loop3A_271], %parallel_loop3A_274 {strides = array<i32>} : memref<80x128xf32, #tpu.memory_space<vmem>>, vector<1x16xf32>,
        %parallel_loop3A_275 = arith.mulf %parallel_loop3A_240, %parallel_loop3A_224 : vector<16xf32>
        %parallel_loop3A_276 = arith.index_cast %parallel_loop3A_212 : i32 to index
        %parallel_loop3A_277 = arith.constant 48 : index
        %parallel_loop3A_278 = tpu.vector_load %arg15[%parallel_loop3A_276, %parallel_loop3A_277] {strides = array<i32>} : memref<80x128xf32, #tpu.memory_space<vmem>>, vector<1x16xf32>,
        %parallel_loop3A_279 = vector.shape_cast %parallel_loop3A_278 : vector<1x16xf32> to vector<16xf32>
        %parallel_loop3A_280 = vector.shape_cast %parallel_loop3A_275 : vector<16xf32> to vector<1x16xf32>
        tpu.vector_store %arg15[%parallel_loop3A_276, %parallel_loop3A_277], %parallel_loop3A_280 {strides = array<i32>} : memref<80x128xf32, #tpu.memory_space<vmem>>, vector<1x16xf32>,
        %parallel_loop3A_281 = arith.mulf %parallel_loop3A_244, %parallel_loop3A_224 : vector<16xf32>
        %parallel_loop3A_282 = arith.index_cast %parallel_loop3A_212 : i32 to index
        %parallel_loop3A_283 = arith.constant 64 : index
        %parallel_loop3A_284 = tpu.vector_load %arg15[%parallel_loop3A_282, %parallel_loop3A_283] {strides = array<i32>} : memref<80x128xf32, #tpu.memory_space<vmem>>, vector<1x16xf32>,
        %parallel_loop3A_285 = vector.shape_cast %parallel_loop3A_284 : vector<1x16xf32> to vector<16xf32>
        %parallel_loop3A_286 = vector.shape_cast %parallel_loop3A_281 : vector<16xf32> to vector<1x16xf32>
        tpu.vector_store %arg15[%parallel_loop3A_282, %parallel_loop3A_283], %parallel_loop3A_286 {strides = array<i32>} : memref<80x128xf32, #tpu.memory_space<vmem>>, vector<1x16xf32>,
        %parallel_loop3A_287 = arith.mulf %parallel_loop3A_248, %parallel_loop3A_224 : vector<16xf32>
        %parallel_loop3A_288 = arith.index_cast %parallel_loop3A_212 : i32 to index
        %parallel_loop3A_289 = arith.constant 80 : index
        %parallel_loop3A_290 = tpu.vector_load %arg15[%parallel_loop3A_288, %parallel_loop3A_289] {strides = array<i32>} : memref<80x128xf32, #tpu.memory_space<vmem>>, vector<1x16xf32>,
        %parallel_loop3A_291 = vector.shape_cast %parallel_loop3A_290 : vector<1x16xf32> to vector<16xf32>
        %parallel_loop3A_292 = vector.shape_cast %parallel_loop3A_287 : vector<16xf32> to vector<1x16xf32>
        tpu.vector_store %arg15[%parallel_loop3A_288, %parallel_loop3A_289], %parallel_loop3A_292 {strides = array<i32>} : memref<80x128xf32, #tpu.memory_space<vmem>>, vector<1x16xf32>,
        %parallel_loop3A_293 = arith.mulf %parallel_loop3A_252, %parallel_loop3A_224 : vector<16xf32>
        %parallel_loop3A_294 = arith.index_cast %parallel_loop3A_212 : i32 to index
        %parallel_loop3A_295 = arith.constant 96 : index
        %parallel_loop3A_296 = tpu.vector_load %arg15[%parallel_loop3A_294, %parallel_loop3A_295] {strides = array<i32>} : memref<80x128xf32, #tpu.memory_space<vmem>>, vector<1x16xf32>,
        %parallel_loop3A_297 = vector.shape_cast %parallel_loop3A_296 : vector<1x16xf32> to vector<16xf32>
        %parallel_loop3A_298 = vector.shape_cast %parallel_loop3A_293 : vector<16xf32> to vector<1x16xf32>
        tpu.vector_store %arg15[%parallel_loop3A_294, %parallel_loop3A_295], %parallel_loop3A_298 {strides = array<i32>} : memref<80x128xf32, #tpu.memory_space<vmem>>, vector<1x16xf32>,
        %parallel_loop3A_299 = arith.mulf %parallel_loop3A_256, %parallel_loop3A_224 : vector<16xf32>
        %parallel_loop3A_300 = arith.index_cast %parallel_loop3A_212 : i32 to index
        %parallel_loop3A_301 = arith.constant 112 : index
        %parallel_loop3A_302 = tpu.vector_load %arg15[%parallel_loop3A_300, %parallel_loop3A_301] {strides = array<i32>} : memref<80x128xf32, #tpu.memory_space<vmem>>, vector<1x16xf32>,
        %parallel_loop3A_303 = vector.shape_cast %parallel_loop3A_302 : vector<1x16xf32> to vector<16xf32>
        %parallel_loop3A_304 = vector.shape_cast %parallel_loop3A_299 : vector<16xf32> to vector<1x16xf32>
        tpu.vector_store %arg15[%parallel_loop3A_300, %parallel_loop3A_301], %parallel_loop3A_304 {strides = array<i32>} : memref<80x128xf32, #tpu.memory_space<vmem>>, vector<1x16xf32>,
      } {sc.loop_unroll_factor = 8 : i64, sc.parallel_access}
      %dma_start3A_187 = arith.constant 15 : i32
      %dma_start3A_188 = arith.constant 0 : i32
      %dma_start3A_189 = tpu.memref_slice %arg10[%dma_start3A_187, %dma_start3A_188] : memref<16x80xi32, #tpu.memory_space<vmem>> -> memref<1x80xi32, #tpu.memory_space<vmem>>
      %dma_start3A_190 = tpu.memref_squeeze %dma_start3A_189 : memref<1x80xi32, #tpu.memory_space<vmem>> -> memref<80xi32, #tpu.memory_space<vmem>>
      %dma_start3A_191 = arith.constant 0 : i32
      %dma_start3A_192 = arith.constant 0 : i32
      %dma_start3A_193 = tpu.memref_slice %arg16[%dma_start3A_191, %dma_start3A_192] : memref<10240x128xf32, #tpu.memory_space<vmem_shared>> -> memref<10240x128xf32, #tpu.memory_space<vmem_shared>>
      tpu.enqueue_indirect_dma source(%arg15 : memref<80x128xf32, #tpu.memory_space<vmem>>) target(%dma_start3A_193 : memref<10240x128xf32, #tpu.memory_space<vmem_shared>>) offsets(%dma_start3A_190 : memref<80xi32, #tpu.memory_space<vmem>>) semaphore(%arg20 : memref<!tpu.dma_semaphore, #tpu.memory_space<semaphore_mem>>) {add = true}
      %dma_wait3A_194 = arith.constant 0 : i32
      %dma_wait3A_195 = arith.constant 0 : i32
      %dma_wait3A_196 = arith.constant 0 : i32
      %dma_wait3A_197 = tpu.memref_slice %arg7[%dma_wait3A_194, %dma_wait3A_195, %dma_wait3A_196] : memref<2x10240x128xf32, #tpu.memory_space<hbm>> -> memref<1x80x128xf32, #tpu.memory_space<hbm>>
      %dma_wait3A_198 = tpu.memref_squeeze %dma_wait3A_197 : memref<1x80x128xf32, #tpu.memory_space<hbm>> -> memref<80x128xf32, #tpu.memory_space<hbm>>
      %dma_wait3A_199 = arith.constant 0 : i32
      %dma_wait3A_200 = arith.constant 0 : i32
      %dma_wait3A_201 = tpu.memref_slice %arg7[%dma_wait3A_194, %dma_wait3A_199, %dma_wait3A_200] : memref<2x10240x128xf32, #tpu.memory_space<hbm>> -> memref<1x80x128xf32, #tpu.memory_space<hbm>>
      %dma_wait3A_202 = tpu.memref_squeeze %dma_wait3A_201 : memref<1x80x128xf32, #tpu.memory_space<hbm>> -> memref<80x128xf32, #tpu.memory_space<hbm>>
      tpu.wait_dma2 semaphore(%arg19 : memref<!tpu.dma_semaphore, #tpu.memory_space<semaphore_mem>>) src(%dma_wait3A_202 : memref<80x128xf32, #tpu.memory_space<hbm>>) dst(%arg14 : memref<80x128xf32, #tpu.memory_space<vmem>>)
      %dma_wait3A_203 = arith.constant 0 : i32
      %dma_wait3A_204 = arith.constant 0 : i32
      %dma_wait3A_205 = arith.constant 0 : i32
      %dma_wait3A_206 = tpu.memref_slice %arg7[%dma_wait3A_203, %dma_wait3A_204, %dma_wait3A_205] : memref<2x10240x128xf32, #tpu.memory_space<hbm>> -> memref<1x80x128xf32, #tpu.memory_space<hbm>>
      %dma_wait3A_207 = tpu.memref_squeeze %dma_wait3A_206 : memref<1x80x128xf32, #tpu.memory_space<hbm>> -> memref<80x128xf32, #tpu.memory_space<hbm>>
      %dma_wait3A_208 = arith.constant 0 : i32
      %dma_wait3A_209 = arith.constant 0 : i32
      %dma_wait3A_210 = tpu.memref_slice %arg7[%dma_wait3A_203, %dma_wait3A_208, %dma_wait3A_209] : memref<2x10240x128xf32, #tpu.memory_space<hbm>> -> memref<1x80x128xf32, #tpu.memory_space<hbm>>
      %dma_wait3A_211 = tpu.memref_squeeze %dma_wait3A_210 : memref<1x80x128xf32, #tpu.memory_space<hbm>> -> memref<80x128xf32, #tpu.memory_space<hbm>>
      tpu.wait_dma2 semaphore(%arg20 : memref<!tpu.dma_semaphore, #tpu.memory_space<semaphore_mem>>) src(%dma_wait3A_211 : memref<80x128xf32, #tpu.memory_space<hbm>>) dst(%arg15 : memref<80x128xf32, #tpu.memory_space<vmem>>)
    }
    %scan3A_40 = arith.constant 8 : i32
    %barrier3A_41 = arith.constant 0 : index
    tpu.barrier barrier_id(%barrier3A_41)
    %mul3A_42 = arith.constant 640 : i32
    %mul3A_43 = arith.muli %arg1, %mul3A_42 : i32
    %add3A_44 = arith.constant 0 : i32
    %add3A_45 = arith.addi %mul3A_43, %add3A_44 : i32
    "tpu.region"() ({
      %run_scoped3A = tpu.sem_alloc : memref<!tpu.dma_semaphore, #tpu.memory_space<semaphore_mem>>
      %dma_start3A = arith.constant 0 : i32
      %dma_start3A_74 = tpu.memref_slice %arg7[%arg0, %add3A_45, %dma_start3A] : memref<2x10240x128xf32, #tpu.memory_space<hbm>> -> memref<1x80x128xf32, #tpu.memory_space<hbm>>
      %dma_start3A_75 = tpu.memref_squeeze %dma_start3A_74 : memref<1x80x128xf32, #tpu.memory_space<hbm>> -> memref<80x128xf32, #tpu.memory_space<hbm>>
      %dma_start3A_76 = arith.constant 0 : i32
      %dma_start3A_77 = tpu.memref_slice %arg16[%add3A_45, %dma_start3A_76] : memref<10240x128xf32, #tpu.memory_space<vmem_shared>> -> memref<80x128xf32, #tpu.memory_space<vmem_shared>>
      tpu.enqueue_dma source(%dma_start3A_77 : memref<80x128xf32, #tpu.memory_space<vmem_shared>>) target(%dma_start3A_75 : memref<80x128xf32, #tpu.memory_space<hbm>>) target_semaphore(%run_scoped3A : memref<!tpu.dma_semaphore, #tpu.memory_space<semaphore_mem>>)
      %dma_wait3A = arith.constant 0 : i32
      %dma_wait3A_78 = tpu.memref_slice %arg7[%arg0, %add3A_45, %dma_wait3A] : memref<2x10240x128xf32, #tpu.memory_space<hbm>> -> memref<1x80x128xf32, #tpu.memory_space<hbm>>
      %dma_wait3A_79 = tpu.memref_squeeze %dma_wait3A_78 : memref<1x80x128xf32, #tpu.memory_space<hbm>> -> memref<80x128xf32, #tpu.memory_space<hbm>>
      %dma_wait3A_80 = arith.constant 0 : i32
      %dma_wait3A_81 = tpu.memref_slice %arg16[%add3A_45, %dma_wait3A_80] : memref<10240x128xf32, #tpu.memory_space<vmem_shared>> -> memref<80x128xf32, #tpu.memory_space<vmem_shared>>
      tpu.wait_dma2 semaphore(%run_scoped3A : memref<!tpu.dma_semaphore, #tpu.memory_space<semaphore_mem>>) src(%dma_wait3A_81 : memref<80x128xf32, #tpu.memory_space<vmem_shared>>) dst(%dma_wait3A_79 : memref<80x128xf32, #tpu.memory_space<hbm>>)
      tpu.yield
    }) : () -> ()
    %mul3A_46 = arith.constant 640 : i32
    %mul3A_47 = arith.muli %arg1, %mul3A_46 : i32
    %add3A_48 = arith.constant 80 : i32
    %add3A_49 = arith.addi %mul3A_47, %add3A_48 : i32
    "tpu.region"() ({
      %run_scoped3A = tpu.sem_alloc : memref<!tpu.dma_semaphore, #tpu.memory_space<semaphore_mem>>
      %dma_start3A = arith.constant 0 : i32
      %dma_start3A_74 = tpu.memref_slice %arg7[%arg0, %add3A_49, %dma_start3A] : memref<2x10240x128xf32, #tpu.memory_space<hbm>> -> memref<1x80x128xf32, #tpu.memory_space<hbm>>
      %dma_start3A_75 = tpu.memref_squeeze %dma_start3A_74 : memref<1x80x128xf32, #tpu.memory_space<hbm>> -> memref<80x128xf32, #tpu.memory_space<hbm>>
      %dma_start3A_76 = arith.constant 0 : i32
      %dma_start3A_77 = tpu.memref_slice %arg16[%add3A_49, %dma_start3A_76] : memref<10240x128xf32, #tpu.memory_space<vmem_shared>> -> memref<80x128xf32, #tpu.memory_space<vmem_shared>>
      tpu.enqueue_dma source(%dma_start3A_77 : memref<80x128xf32, #tpu.memory_space<vmem_shared>>) target(%dma_start3A_75 : memref<80x128xf32, #tpu.memory_space<hbm>>) target_semaphore(%run_scoped3A : memref<!tpu.dma_semaphore, #tpu.memory_space<semaphore_mem>>)
      %dma_wait3A = arith.constant 0 : i32
      %dma_wait3A_78 = tpu.memref_slice %arg7[%arg0, %add3A_49, %dma_wait3A] : memref<2x10240x128xf32, #tpu.memory_space<hbm>> -> memref<1x80x128xf32, #tpu.memory_space<hbm>>
      %dma_wait3A_79 = tpu.memref_squeeze %dma_wait3A_78 : memref<1x80x128xf32, #tpu.memory_space<hbm>> -> memref<80x128xf32, #tpu.memory_space<hbm>>
      %dma_wait3A_80 = arith.constant 0 : i32
      %dma_wait3A_81 = tpu.memref_slice %arg16[%add3A_49, %dma_wait3A_80] : memref<10240x128xf32, #tpu.memory_space<vmem_shared>> -> memref<80x128xf32, #tpu.memory_space<vmem_shared>>
      tpu.wait_dma2 semaphore(%run_scoped3A : memref<!tpu.dma_semaphore, #tpu.memory_space<semaphore_mem>>) src(%dma_wait3A_81 : memref<80x128xf32, #tpu.memory_space<vmem_shared>>) dst(%dma_wait3A_79 : memref<80x128xf32, #tpu.memory_space<hbm>>)
      tpu.yield
    }) : () -> ()
    %mul3A_50 = arith.constant 640 : i32
    %mul3A_51 = arith.muli %arg1, %mul3A_50 : i32
    %add3A_52 = arith.constant 160 : i32
    %add3A_53 = arith.addi %mul3A_51, %add3A_52 : i32
    "tpu.region"() ({
      %run_scoped3A = tpu.sem_alloc : memref<!tpu.dma_semaphore, #tpu.memory_space<semaphore_mem>>
      %dma_start3A = arith.constant 0 : i32
      %dma_start3A_74 = tpu.memref_slice %arg7[%arg0, %add3A_53, %dma_start3A] : memref<2x10240x128xf32, #tpu.memory_space<hbm>> -> memref<1x80x128xf32, #tpu.memory_space<hbm>>
      %dma_start3A_75 = tpu.memref_squeeze %dma_start3A_74 : memref<1x80x128xf32, #tpu.memory_space<hbm>> -> memref<80x128xf32, #tpu.memory_space<hbm>>
      %dma_start3A_76 = arith.constant 0 : i32
      %dma_start3A_77 = tpu.memref_slice %arg16[%add3A_53, %dma_start3A_76] : memref<10240x128xf32, #tpu.memory_space<vmem_shared>> -> memref<80x128xf32, #tpu.memory_space<vmem_shared>>
      tpu.enqueue_dma source(%dma_start3A_77 : memref<80x128xf32, #tpu.memory_space<vmem_shared>>) target(%dma_start3A_75 : memref<80x128xf32, #tpu.memory_space<hbm>>) target_semaphore(%run_scoped3A : memref<!tpu.dma_semaphore, #tpu.memory_space<semaphore_mem>>)
      %dma_wait3A = arith.constant 0 : i32
      %dma_wait3A_78 = tpu.memref_slice %arg7[%arg0, %add3A_53, %dma_wait3A] : memref<2x10240x128xf32, #tpu.memory_space<hbm>> -> memref<1x80x128xf32, #tpu.memory_space<hbm>>
      %dma_wait3A_79 = tpu.memref_squeeze %dma_wait3A_78 : memref<1x80x128xf32, #tpu.memory_space<hbm>> -> memref<80x128xf32, #tpu.memory_space<hbm>>
      %dma_wait3A_80 = arith.constant 0 : i32
      %dma_wait3A_81 = tpu.memref_slice %arg16[%add3A_53, %dma_wait3A_80] : memref<10240x128xf32, #tpu.memory_space<vmem_shared>> -> memref<80x128xf32, #tpu.memory_space<vmem_shared>>
      tpu.wait_dma2 semaphore(%run_scoped3A : memref<!tpu.dma_semaphore, #tpu.memory_space<semaphore_mem>>) src(%dma_wait3A_81 : memref<80x128xf32, #tpu.memory_space<vmem_shared>>) dst(%dma_wait3A_79 : memref<80x128xf32, #tpu.memory_space<hbm>>)
      tpu.yield
    }) : () -> ()
    %mul3A_54 = arith.constant 640 : i32
    %mul3A_55 = arith.muli %arg1, %mul3A_54 : i32
    %add3A_56 = arith.constant 240 : i32
    %add3A_57 = arith.addi %mul3A_55, %add3A_56 : i32
    "tpu.region"() ({
      %run_scoped3A = tpu.sem_alloc : memref<!tpu.dma_semaphore, #tpu.memory_space<semaphore_mem>>
      %dma_start3A = arith.constant 0 : i32
      %dma_start3A_74 = tpu.memref_slice %arg7[%arg0, %add3A_57, %dma_start3A] : memref<2x10240x128xf32, #tpu.memory_space<hbm>> -> memref<1x80x128xf32, #tpu.memory_space<hbm>>
      %dma_start3A_75 = tpu.memref_squeeze %dma_start3A_74 : memref<1x80x128xf32, #tpu.memory_space<hbm>> -> memref<80x128xf32, #tpu.memory_space<hbm>>
      %dma_start3A_76 = arith.constant 0 : i32
      %dma_start3A_77 = tpu.memref_slice %arg16[%add3A_57, %dma_start3A_76] : memref<10240x128xf32, #tpu.memory_space<vmem_shared>> -> memref<80x128xf32, #tpu.memory_space<vmem_shared>>
      tpu.enqueue_dma source(%dma_start3A_77 : memref<80x128xf32, #tpu.memory_space<vmem_shared>>) target(%dma_start3A_75 : memref<80x128xf32, #tpu.memory_space<hbm>>) target_semaphore(%run_scoped3A : memref<!tpu.dma_semaphore, #tpu.memory_space<semaphore_mem>>)
      %dma_wait3A = arith.constant 0 : i32
      %dma_wait3A_78 = tpu.memref_slice %arg7[%arg0, %add3A_57, %dma_wait3A] : memref<2x10240x128xf32, #tpu.memory_space<hbm>> -> memref<1x80x128xf32, #tpu.memory_space<hbm>>
      %dma_wait3A_79 = tpu.memref_squeeze %dma_wait3A_78 : memref<1x80x128xf32, #tpu.memory_space<hbm>> -> memref<80x128xf32, #tpu.memory_space<hbm>>
      %dma_wait3A_80 = arith.constant 0 : i32
      %dma_wait3A_81 = tpu.memref_slice %arg16[%add3A_57, %dma_wait3A_80] : memref<10240x128xf32, #tpu.memory_space<vmem_shared>> -> memref<80x128xf32, #tpu.memory_space<vmem_shared>>
      tpu.wait_dma2 semaphore(%run_scoped3A : memref<!tpu.dma_semaphore, #tpu.memory_space<semaphore_mem>>) src(%dma_wait3A_81 : memref<80x128xf32, #tpu.memory_space<vmem_shared>>) dst(%dma_wait3A_79 : memref<80x128xf32, #tpu.memory_space<hbm>>)
      tpu.yield
    }) : () -> ()
    %mul3A_58 = arith.constant 640 : i32
    %mul3A_59 = arith.muli %arg1, %mul3A_58 : i32
    %add3A_60 = arith.constant 320 : i32
    %add3A_61 = arith.addi %mul3A_59, %add3A_60 : i32
    "tpu.region"() ({
      %run_scoped3A = tpu.sem_alloc : memref<!tpu.dma_semaphore, #tpu.memory_space<semaphore_mem>>
      %dma_start3A = arith.constant 0 : i32
      %dma_start3A_74 = tpu.memref_slice %arg7[%arg0, %add3A_61, %dma_start3A] : memref<2x10240x128xf32, #tpu.memory_space<hbm>> -> memref<1x80x128xf32, #tpu.memory_space<hbm>>
      %dma_start3A_75 = tpu.memref_squeeze %dma_start3A_74 : memref<1x80x128xf32, #tpu.memory_space<hbm>> -> memref<80x128xf32, #tpu.memory_space<hbm>>
      %dma_start3A_76 = arith.constant 0 : i32
      %dma_start3A_77 = tpu.memref_slice %arg16[%add3A_61, %dma_start3A_76] : memref<10240x128xf32, #tpu.memory_space<vmem_shared>> -> memref<80x128xf32, #tpu.memory_space<vmem_shared>>
      tpu.enqueue_dma source(%dma_start3A_77 : memref<80x128xf32, #tpu.memory_space<vmem_shared>>) target(%dma_start3A_75 : memref<80x128xf32, #tpu.memory_space<hbm>>) target_semaphore(%run_scoped3A : memref<!tpu.dma_semaphore, #tpu.memory_space<semaphore_mem>>)
      %dma_wait3A = arith.constant 0 : i32
      %dma_wait3A_78 = tpu.memref_slice %arg7[%arg0, %add3A_61, %dma_wait3A] : memref<2x10240x128xf32, #tpu.memory_space<hbm>> -> memref<1x80x128xf32, #tpu.memory_space<hbm>>
      %dma_wait3A_79 = tpu.memref_squeeze %dma_wait3A_78 : memref<1x80x128xf32, #tpu.memory_space<hbm>> -> memref<80x128xf32, #tpu.memory_space<hbm>>
      %dma_wait3A_80 = arith.constant 0 : i32
      %dma_wait3A_81 = tpu.memref_slice %arg16[%add3A_61, %dma_wait3A_80] : memref<10240x128xf32, #tpu.memory_space<vmem_shared>> -> memref<80x128xf32, #tpu.memory_space<vmem_shared>>
      tpu.wait_dma2 semaphore(%run_scoped3A : memref<!tpu.dma_semaphore, #tpu.memory_space<semaphore_mem>>) src(%dma_wait3A_81 : memref<80x128xf32, #tpu.memory_space<vmem_shared>>) dst(%dma_wait3A_79 : memref<80x128xf32, #tpu.memory_space<hbm>>)
      tpu.yield
    }) : () -> ()
    %mul3A_62 = arith.constant 640 : i32
    %mul3A_63 = arith.muli %arg1, %mul3A_62 : i32
    %add3A_64 = arith.constant 400 : i32
    %add3A_65 = arith.addi %mul3A_63, %add3A_64 : i32
    "tpu.region"() ({
      %run_scoped3A = tpu.sem_alloc : memref<!tpu.dma_semaphore, #tpu.memory_space<semaphore_mem>>
      %dma_start3A = arith.constant 0 : i32
      %dma_start3A_74 = tpu.memref_slice %arg7[%arg0, %add3A_65, %dma_start3A] : memref<2x10240x128xf32, #tpu.memory_space<hbm>> -> memref<1x80x128xf32, #tpu.memory_space<hbm>>
      %dma_start3A_75 = tpu.memref_squeeze %dma_start3A_74 : memref<1x80x128xf32, #tpu.memory_space<hbm>> -> memref<80x128xf32, #tpu.memory_space<hbm>>
      %dma_start3A_76 = arith.constant 0 : i32
      %dma_start3A_77 = tpu.memref_slice %arg16[%add3A_65, %dma_start3A_76] : memref<10240x128xf32, #tpu.memory_space<vmem_shared>> -> memref<80x128xf32, #tpu.memory_space<vmem_shared>>
      tpu.enqueue_dma source(%dma_start3A_77 : memref<80x128xf32, #tpu.memory_space<vmem_shared>>) target(%dma_start3A_75 : memref<80x128xf32, #tpu.memory_space<hbm>>) target_semaphore(%run_scoped3A : memref<!tpu.dma_semaphore, #tpu.memory_space<semaphore_mem>>)
      %dma_wait3A = arith.constant 0 : i32
      %dma_wait3A_78 = tpu.memref_slice %arg7[%arg0, %add3A_65, %dma_wait3A] : memref<2x10240x128xf32, #tpu.memory_space<hbm>> -> memref<1x80x128xf32, #tpu.memory_space<hbm>>
      %dma_wait3A_79 = tpu.memref_squeeze %dma_wait3A_78 : memref<1x80x128xf32, #tpu.memory_space<hbm>> -> memref<80x128xf32, #tpu.memory_space<hbm>>
      %dma_wait3A_80 = arith.constant 0 : i32
      %dma_wait3A_81 = tpu.memref_slice %arg16[%add3A_65, %dma_wait3A_80] : memref<10240x128xf32, #tpu.memory_space<vmem_shared>> -> memref<80x128xf32, #tpu.memory_space<vmem_shared>>
      tpu.wait_dma2 semaphore(%run_scoped3A : memref<!tpu.dma_semaphore, #tpu.memory_space<semaphore_mem>>) src(%dma_wait3A_81 : memref<80x128xf32, #tpu.memory_space<vmem_shared>>) dst(%dma_wait3A_79 : memref<80x128xf32, #tpu.memory_space<hbm>>)
      tpu.yield
    }) : () -> ()
    %mul3A_66 = arith.constant 640 : i32
    %mul3A_67 = arith.muli %arg1, %mul3A_66 : i32
    %add3A_68 = arith.constant 480 : i32
    %add3A_69 = arith.addi %mul3A_67, %add3A_68 : i32
    "tpu.region"() ({
      %run_scoped3A = tpu.sem_alloc : memref<!tpu.dma_semaphore, #tpu.memory_space<semaphore_mem>>
      %dma_start3A = arith.constant 0 : i32
      %dma_start3A_74 = tpu.memref_slice %arg7[%arg0, %add3A_69, %dma_start3A] : memref<2x10240x128xf32, #tpu.memory_space<hbm>> -> memref<1x80x128xf32, #tpu.memory_space<hbm>>
      %dma_start3A_75 = tpu.memref_squeeze %dma_start3A_74 : memref<1x80x128xf32, #tpu.memory_space<hbm>> -> memref<80x128xf32, #tpu.memory_space<hbm>>
      %dma_start3A_76 = arith.constant 0 : i32
      %dma_start3A_77 = tpu.memref_slice %arg16[%add3A_69, %dma_start3A_76] : memref<10240x128xf32, #tpu.memory_space<vmem_shared>> -> memref<80x128xf32, #tpu.memory_space<vmem_shared>>
      tpu.enqueue_dma source(%dma_start3A_77 : memref<80x128xf32, #tpu.memory_space<vmem_shared>>) target(%dma_start3A_75 : memref<80x128xf32, #tpu.memory_space<hbm>>) target_semaphore(%run_scoped3A : memref<!tpu.dma_semaphore, #tpu.memory_space<semaphore_mem>>)
      %dma_wait3A = arith.constant 0 : i32
      %dma_wait3A_78 = tpu.memref_slice %arg7[%arg0, %add3A_69, %dma_wait3A] : memref<2x10240x128xf32, #tpu.memory_space<hbm>> -> memref<1x80x128xf32, #tpu.memory_space<hbm>>
      %dma_wait3A_79 = tpu.memref_squeeze %dma_wait3A_78 : memref<1x80x128xf32, #tpu.memory_space<hbm>> -> memref<80x128xf32, #tpu.memory_space<hbm>>
      %dma_wait3A_80 = arith.constant 0 : i32
      %dma_wait3A_81 = tpu.memref_slice %arg16[%add3A_69, %dma_wait3A_80] : memref<10240x128xf32, #tpu.memory_space<vmem_shared>> -> memref<80x128xf32, #tpu.memory_space<vmem_shared>>
      tpu.wait_dma2 semaphore(%run_scoped3A : memref<!tpu.dma_semaphore, #tpu.memory_space<semaphore_mem>>) src(%dma_wait3A_81 : memref<80x128xf32, #tpu.memory_space<vmem_shared>>) dst(%dma_wait3A_79 : memref<80x128xf32, #tpu.memory_space<hbm>>)
      tpu.yield
    }) : () -> ()
    %mul3A_70 = arith.constant 640 : i32
    %mul3A_71 = arith.muli %arg1, %mul3A_70 : i32
    %add3A_72 = arith.constant 560 : i32
    %add3A_73 = arith.addi %mul3A_71, %add3A_72 : i32
    "tpu.region"() ({
      %run_scoped3A = tpu.sem_alloc : memref<!tpu.dma_semaphore, #tpu.memory_space<semaphore_mem>>
      %dma_start3A = arith.constant 0 : i32
      %dma_start3A_74 = tpu.memref_slice %arg7[%arg0, %add3A_73, %dma_start3A] : memref<2x10240x128xf32, #tpu.memory_space<hbm>> -> memref<1x80x128xf32, #tpu.memory_space<hbm>>
      %dma_start3A_75 = tpu.memref_squeeze %dma_start3A_74 : memref<1x80x128xf32, #tpu.memory_space<hbm>> -> memref<80x128xf32, #tpu.memory_space<hbm>>
      %dma_start3A_76 = arith.constant 0 : i32
      %dma_start3A_77 = tpu.memref_slice %arg16[%add3A_73, %dma_start3A_76] : memref<10240x128xf32, #tpu.memory_space<vmem_shared>> -> memref<80x128xf32, #tpu.memory_space<vmem_shared>>
      tpu.enqueue_dma source(%dma_start3A_77 : memref<80x128xf32, #tpu.memory_space<vmem_shared>>) target(%dma_start3A_75 : memref<80x128xf32, #tpu.memory_space<hbm>>) target_semaphore(%run_scoped3A : memref<!tpu.dma_semaphore, #tpu.memory_space<semaphore_mem>>)
      %dma_wait3A = arith.constant 0 : i32
      %dma_wait3A_78 = tpu.memref_slice %arg7[%arg0, %add3A_73, %dma_wait3A] : memref<2x10240x128xf32, #tpu.memory_space<hbm>> -> memref<1x80x128xf32, #tpu.memory_space<hbm>>
      %dma_wait3A_79 = tpu.memref_squeeze %dma_wait3A_78 : memref<1x80x128xf32, #tpu.memory_space<hbm>> -> memref<80x128xf32, #tpu.memory_space<hbm>>
      %dma_wait3A_80 = arith.constant 0 : i32
      %dma_wait3A_81 = tpu.memref_slice %arg16[%add3A_73, %dma_wait3A_80] : memref<10240x128xf32, #tpu.memory_space<vmem_shared>> -> memref<80x128xf32, #tpu.memory_space<vmem_shared>>
      tpu.wait_dma2 semaphore(%run_scoped3A : memref<!tpu.dma_semaphore, #tpu.memory_space<semaphore_mem>>) src(%dma_wait3A_81 : memref<80x128xf32, #tpu.memory_space<vmem_shared>>) dst(%dma_wait3A_79 : memref<80x128xf32, #tpu.memory_space<hbm>>)
      tpu.yield
    }) : () -> ()
    return
  }
}

module attributes {stable_mosaic.version = 14 : i64} {
  func.func @body(%arg0: i32, %arg1: i32, %arg2: memref<1000x128xf32, #tpu.memory_space<vmem>>, %arg3: memref<1x128x128xf32, #tpu.memory_space<vmem>>, %arg4: memref<1x1000x128xf32, #tpu.memory_space<vmem>>) attributes {dimension_semantics = [#tpu.dimension_semantics<arbitrary>, #tpu.dimension_semantics<arbitrary>], iteration_bounds = array<i64: 10, 16>, scalar_prefetch = 0 : i64, scratch_operands = 0 : i64, tpu.core_type = #tpu.core_type<tc>, window_params = [{transform_indices = @transform_0, window_bounds = array<i64: 1000, 128>}, {transform_indices = @transform_1, window_bounds = array<i64: 1, 128, 128>}, {transform_indices = @transform_2, window_bounds = array<i64: 1, 1000, 128>}]} {
    %get3A = arith.constant 0 : index
    %get3A_0 = arith.constant 0 : index
    %get3A_1 = vector.load %arg2[%get3A, %get3A_0] : memref<1000x128xf32, #tpu.memory_space<vmem>>, vector<1000x128xf32>
    %get3A_2 = arith.constant 0 : index
    %get3A_3 = arith.constant 0 : index
    %get3A_4 = arith.constant 0 : index
    %get3A_5 = vector.load %arg3[%get3A_2, %get3A_3, %get3A_4] : memref<1x128x128xf32, #tpu.memory_space<vmem>>, vector<1x128x128xf32>
    %get3A_6 = vector.shape_cast %get3A_5 : vector<1x128x128xf32> to vector<128x128xf32>
    %dot_general3A = arith.constant dense<0.000000e+00> : vector<1000x128xf32>
    %dot_general3A_7 = tpu.matmul %get3A_1, %get3A_6, %dot_general3A {dimension_numbers = #tpu.dot_dimension_numbers<[1], [0], [0], [1], [0, 0, 1, 1], [], []>, transpose_lhs_hint = false} : vector<1000x128xf32>, vector<128x128xf32>, vector<1000x128xf32> -> vector<1000x128xf32>
    %swap3A = arith.constant 0 : index
    %swap3A_8 = arith.constant 0 : index
    %swap3A_9 = arith.constant 0 : index
    %swap3A_10 = vector.load %arg4[%swap3A, %swap3A_8, %swap3A_9] : memref<1x1000x128xf32, #tpu.memory_space<vmem>>, vector<1x1000x128xf32>
    %swap3A_11 = vector.shape_cast %swap3A_10 : vector<1x1000x128xf32> to vector<1000x128xf32>
    %swap3A_12 = vector.shape_cast %dot_general3A_7 : vector<1000x128xf32> to vector<1x1000x128xf32>
    tpu.vector_store %arg4[%swap3A, %swap3A_8, %swap3A_9], %swap3A_12 {strides = array<i32>} : memref<1x1000x128xf32, #tpu.memory_space<vmem>>, vector<1x1000x128xf32>,
    return
  }
  func.func @transform_0(%arg0: i32, %arg1: i32) -> (i32, i32) {
    %c0_i32 = arith.constant 0 : i32
    %c0_i32_0 = arith.constant 0 : i32
    return %arg0, %c0_i32 : i32, i32
  }
  func.func @transform_1(%arg0: i32, %arg1: i32) -> (i32, i32, i32) {
    %c0_i32 = arith.constant 0 : i32
    %c0_i32_0 = arith.constant 0 : i32
    %c0_i32_1 = arith.constant 0 : i32
    return %arg1, %c0_i32, %c0_i32_0 : i32, i32, i32
  }
  func.func @transform_2(%arg0: i32, %arg1: i32) -> (i32, i32, i32) {
    %c0_i32 = arith.constant 0 : i32
    %c0_i32_0 = arith.constant 0 : i32
    return %arg1, %arg0, %c0_i32 : i32, i32, i32
  }
}

module attributes {stable_mosaic.version = 14 : i64} {
  func.func @body(%arg0: i32, %arg1: memref<2x1024x128xf32, #tpu.memory_space<vmem>>, %arg2: memref<1024x128xf32, #tpu.memory_space<vmem>>) attributes {dimension_semantics = [#tpu.dimension_semantics<arbitrary>], iteration_bounds = array<i64: 10>, scalar_prefetch = 0 : i64, scratch_operands = 0 : i64, tpu.core_type = #tpu.core_type<tc>, window_params = [{transform_indices = @transform_0, window_bounds = array<i64: 2, 1024, 128>}, {transform_indices = @transform_1, window_bounds = array<i64: 1024, 128>}]} {
    %get3A = arith.constant 0 : index
    %get3A_0 = arith.constant 0 : index
    %get3A_1 = arith.constant 0 : index
    %get3A_2 = vector.load %arg1[%get3A, %get3A_0, %get3A_1] : memref<2x1024x128xf32, #tpu.memory_space<vmem>>, vector<1x1024x128xf32>
    %get3A_3 = vector.shape_cast %get3A_2 : vector<1x1024x128xf32> to vector<1024x128xf32>
    %get3A_4 = arith.constant 1 : index
    %get3A_5 = arith.constant 0 : index
    %get3A_6 = arith.constant 0 : index
    %get3A_7 = vector.load %arg1[%get3A_4, %get3A_5, %get3A_6] : memref<2x1024x128xf32, #tpu.memory_space<vmem>>, vector<1x1024x128xf32>
    %get3A_8 = vector.shape_cast %get3A_7 : vector<1x1024x128xf32> to vector<1024x128xf32>
    %add3A = arith.addf %get3A_3, %get3A_8 : vector<1024x128xf32>
    %swap3A = arith.constant 0 : index
    %swap3A_9 = arith.constant 0 : index
    %swap3A_10 = vector.load %arg2[%swap3A, %swap3A_9] : memref<1024x128xf32, #tpu.memory_space<vmem>>, vector<1024x128xf32>
    tpu.vector_store %arg2[%swap3A, %swap3A_9], %add3A {strides = array<i32>} : memref<1024x128xf32, #tpu.memory_space<vmem>>, vector<1024x128xf32>,
    return
  }
  func.func @transform_0(%arg0: i32) -> (i32, i32, i32) {
    %c0_i32 = arith.constant 0 : i32
    %c0_i32_0 = arith.constant 0 : i32
    %c0_i32_1 = arith.constant 0 : i32
    return %c0_i32, %arg0, %c0_i32_0 : i32, i32, i32
  }
  func.func @transform_1(%arg0: i32) -> (i32, i32) {
    %c0_i32 = arith.constant 0 : i32
    %c0_i32_0 = arith.constant 0 : i32
    return %arg0, %c0_i32 : i32, i32
  }
}

</mosaic_0001>

<sc_bundles>
// kernel: kernel.5.cloned.1.call-start
scs
__scs_entry_jumppad:
0x0: {  	(pc) =	sbr.rel $0x88, $3  }
0x1: {  	(tag) =	ssettag $0x0;
	lr =	simm.s32 $0x1  }
0x2: {  	[smem:$0x3F9C] =	sst lr;
	_ =	strace $0xD0000000  }
0x3: {  	_ = 	snop  }
0x4: {  	_ = 	snop  }
0x5: {  	_ = 	snop  }
0x6: {  	_ = 	snop  }
0x7: {  	_ = 	snop  }
__scs_overlays_trampoline_lowered:
0x8: {  	[smem:$0x3FAB] =	sst s0  }
0x9: {  	[smem:$0x3FAC] =	sst s1  }
0xa: {  	[smem:$0x3FAD] =	sst s2  }
0xb: {  	[smem:$0x3FAE] =	sst s3  }
0xc: {  	[smem:$0x3FAF] =	sst s4  }
0xd: {  	[smem:$0x3FB0] =	sst s5  }
0xe: {  	[smem:$0x3FB1] =	sst s6  }
0xf: {  	[smem:$0x3FB2] =	sst s7  }
0x10: {  	[smem:$0x3FB3] =	sst s8  }
0x11: {  	[smem:$0x3FB4] =	sst s9;
	s0 =	simm.s32 @!p0 $0x0  }
0x12: {  	s1 =	sld [smem:$0x3F9A];
	s0 =	simm.s32 @p0 $0x1  }
0x13: {  	[smem:$0x3FB5] =	sst s0;
	s0 =	simm.s32 @!p1 $0x0  }
0x14: {  	s2 =	sld [smem:$0x3F99];
	s0 =	simm.s32 @p1 $0x1  }
0x15: {  	[smem:$0x3FB6] =	sst s0;
	s0 =	simm.s32 @!p2 $0x0  }
0x16: {  	s3 =	sld [smem:$0x3FDB];
	s0 =	simm.s32 @p2 $0x1  }
0x17: {  	s4 =	simm.s32 $0x1BF5;
	[smem:$0x3FB8] =	sst s0  }
0x18: {  	s0 =	sld [smem:$0x3F9B];
	_ =	swait.ge [sflag:s4], $0x0  }
0x19: {  	s7 =	sld [smem:$0x3F9C]  }
0x1a: {  	s8 =	sadd.s32 $0xFFFFE003, lr  }
0x1b: {  	s9 =	sadd.s32 $0xFFFFFEF7, lr;
	s5 =	simm.s32 $0xFFFFFFFF;
	p2 =	slt.u32 s8, $0xFFFFF086  }
0x1c: {  	p1 =	slt.u32 s9, $0xF7A;
	s5 =	simm.s32 @!p2 $0x0  }
0x1d: {  	s5 =	simm.s32 @p1 $0x1;
	p0 =	seq.s32 s7, s2  }
0x1e: {  	s7 =	smul.u32 @!p0 $0xF7A, s2;
	p2 =	seq.s32 @!p0 s5, $0x0  }
0x1f: {  	s9 =	smul.u32 $0xF7A, s1;
	s8 =	simm.s32 @!p0 $0x1BF5;
	p2 =	por !p2, p0  }
0x20: {  	[sflag:s8] =	ssyncset.s32 @!p0 $0xFFFFF086;
	s6 =	sadd.s32 @!p0 s3, s7;
	s7 =	simm.s32 @!p0 $0x108  }
0x21: {  	s3 =	sadd.s32 s3, s9;
	s6 =	sadd.s32 @!p0 $0x88, s6;
	s7 =	simm.s32 @p2 $0x1082  }
0x22: {  	[simem:s7], [sflag:s8] =	dma.local @!p0 [hbm:s6], $0xF7A  }
0x23: {  	s9 =	sor.u32 $0xD0000000, s2;
	s6 =	simm.s32 $0x108;
	_ =	swait.ge @!p0 [sflag:s8], $0x0  }
0x24: {  	s3 =	sadd.s32 $0x88, s3;
	s6 =	simm.s32 @!p1 $0x1082;
	[sflag:s4] =	ssyncset.s32 $0xFFFFF086  }
0x25: {  	[simem:s6], [sflag:s4] =	dma.local [hbm:s3], $0xF7A  }
0x26: {  	[smem:$0x3F9C] =	sst s1;
	(tag) =	ssettag s2;
	_ =	strace s9  }
0x27: {  	s1 =	sld [smem:$0x3FAC]  }
0x28: {  	s2 =	sld [smem:$0x3FAD]  }
0x29: {  	s4 =	sld [smem:$0x3FAF]  }
0x2a: {  	p0 =	seq.s32 s5, $0x0;
	s5 =	sld [smem:$0x3FB0]  }
0x2b: {  	s6 =	sld [smem:$0x3FB1]  }
0x2c: {  	s7 =	sld [smem:$0x3FB2]  }
0x2d: {  	s3 =	simm.s32 $0x108;
	s8 =	sld [smem:$0x3FB3]  }
0x2e: {  	s3 =	simm.s32 @!p0 $0x1082;
	s9 =	sld [smem:$0x3FB4]  }
0x2f: {  	lr =	sadd.s32 s0, s3;
	s0 =	sld [smem:$0x3FAB]  }
0x30: {  	s3 =	sld [smem:$0x3FAE]  }
0x31: {  	[smem:$0x3FB7] =	sst s10  }
0x32: {  	s10 =	sld [smem:$0x3FB5];
	_ =	sdelay $0x3  }
0x33: {  	p0 =	seq.s32 s10, $0x1;
	s10 =	sld [smem:$0x3FB7];
	_ =	sdelay $0x3  }
0x34: {  	[smem:$0x3FB7] =	sst s10  }
0x35: {  	s10 =	sld [smem:$0x3FB6];
	_ =	sdelay $0x3  }
0x36: {  	p1 =	seq.s32 s10, $0x1;
	s10 =	sld [smem:$0x3FB7];
	_ =	sdelay $0x3  }
0x37: {  	[smem:$0x3FB7] =	sst s10  }
0x38: {  	s10 =	sld [smem:$0x3FB8]  }
0x39: {  	_ = 	snop;
	(pc) =	sbr.ind lr, $3  }
0x3a: {  	_ = 	snop  }
0x3b: {  	_ = 	snop  }
0x3c: {  	p2 =	seq.s32 s10, $0x1;
	s10 =	sld [smem:$0x3FB7]  }
0x3d: {  	_ =	shalt  }
0x3e: {  	_ =	shalt  }
0x3f: {  	_ =	shalt  }
0x40: {  	_ =	shalt  }
0x41: {  	_ =	shalt  }
0x42: {  	_ =	shalt  }
0x43: {  	_ =	shalt  }
0x44: {  	_ =	shalt  }
0x45: {  	_ =	shalt  }
0x46: {  	_ =	shalt  }
0x47: {  	_ =	shalt  }
0x48: {  	_ =	shalt  }
0x49: {  	_ =	shalt  }
0x4a: {  	_ =	shalt  }
0x4b: {  	_ =	shalt  }
0x4c: {  	_ =	shalt  }
0x4d: {  	_ =	shalt  }
0x4e: {  	_ =	shalt  }
0x4f: {  	_ =	shalt  }
0x50: {  	_ =	shalt  }
0x51: {  	_ =	shalt  }
0x52: {  	_ =	shalt  }
0x53: {  	_ =	shalt  }
0x54: {  	_ =	shalt  }
0x55: {  	_ =	shalt  }
0x56: {  	_ =	shalt  }
0x57: {  	_ =	shalt  }
0x58: {  	_ =	shalt  }
0x59: {  	_ =	shalt  }
0x5a: {  	_ =	shalt  }
0x5b: {  	_ =	shalt  }
0x5c: {  	_ =	shalt  }
0x5d: {  	_ =	shalt  }
0x5e: {  	_ =	shalt  }
0x5f: {  	_ =	shalt  }
0x60: {  	_ =	shalt  }
0x61: {  	_ =	shalt  }
0x62: {  	_ =	shalt  }
0x63: {  	_ =	shalt  }
0x64: {  	_ =	shalt  }
0x65: {  	_ =	shalt  }
0x66: {  	_ =	shalt  }
0x67: {  	_ =	shalt  }
0x68: {  	_ =	shalt  }
0x69: {  	_ =	shalt  }
0x6a: {  	_ =	shalt  }
0x6b: {  	_ =	shalt  }
0x6c: {  	_ =	shalt  }
0x6d: {  	_ =	shalt  }
0x6e: {  	_ =	shalt  }
0x6f: {  	_ =	shalt  }
0x70: {  	_ =	shalt  }
0x71: {  	_ =	shalt  }
0x72: {  	_ =	shalt  }
0x73: {  	_ =	shalt  }
0x74: {  	_ =	shalt  }
0x75: {  	_ =	shalt  }
0x76: {  	_ =	shalt  }
0x77: {  	_ =	shalt  }
0x78: {  	_ =	shalt  }
0x79: {  	_ =	shalt  }
0x7a: {  	_ =	shalt  }
0x7b: {  	_ =	shalt  }
0x7c: {  	_ =	shalt  }
0x7d: {  	_ =	shalt  }
0x7e: {  	_ =	shalt  }
0x7f: {  	_ =	shalt  }
0x80: {  	_ =	shalt  }
0x81: {  	_ =	shalt  }
0x82: {  	_ =	shalt  }
0x83: {  	_ =	shalt  }
0x84: {  	_ =	shalt  }
0x85: {  	_ =	shalt  }
0x86: {  	_ =	shalt  }
0x87: {  	_ =	shalt  }
.Lfunc_end0:
.L_simem_size_0:
called_computation_lowered:
.L_overlay_start_0:
0x88: {  	s2 =	sld [smem:$0x3FD9]  }
0x89: {  	s3 =	sld [smem:$0x3FFE];
	_ =	sdelay $0x1  }
0x8a: {  	s1 =	srdreg.scid  }
0x8b: {  	s0 =	sand.u32 $0x1, s1  }
0x8c: {  	s17 =	sshll.u32 s0, $0xA;
	s2 =	sadd.s32 s3, s2  }
0x8d: {  	s2 =	sadd.s32 s2, s17  }
0x8e: {  	[smem:$0x3FC3] =	sst s2  }
0x8f: {  	_ = 	snop  }
0x90: {  	s2 =	sld [smem:$0x3FD0];
	(tm) =	ssettm $0x1  }
0x91: {  	s18 =	sld [smem:$0x3FFB];
	_ =	sdelay $0x3  }
0x92: {  	_ =	strace s18  }
0x93: {  	s3 =	sld [smem:$0x3FFC];
	_ =	sdelay $0x3  }
0x94: {  	_ =	strace s3  }
0x95: {  	s3 =	sld [smem:$0x3FFD];
	_ =	sdelay $0x3  }
0x96: {  	_ =	strace s3  }
0x97: {  	_ =	strace $0x8FFFFFFF  }
0x98: {  	s19 =	sld [smem:$0x3FDB];
	_ =	sdelay $0x1  }
0x99: {  	s4 =	simm.s32 $_scs_section_size  }
0x9a: {  	s5 =	simm.s32 $_size__tile_overlayer_lowered;
	s6 =	simm.s32 $_tile_overlayer_lowered  }
0x9b: {  	s22 =	simm.s32 $0x1BFF;
	s21 =	sshll.u32 s6, $0x1;
	s3 =	sadd.s32 s4, s19  }
0x9c: {  	s7 =	simm.s32 $0x0;
	s20 =	sshll.u32 s5, $0x1;
	s5 =	sadd.s32 s21, s3  }
0x9d: {  	[timem:s7], [sflag:s22] =	dma.local [hbm:s5], s20  }
0x9e: {  	_ =	swait.ge [sflag:s22], s20  }
0x9f: {  	s4 =	ssub.s32 $0x0, s20;
	[sflag:s22] =	ssyncset.done $0x0  }
0xa0: {  	[sflag:s22] =	ssyncadd.s32 s4;
	_ =	sdelay $0x1  }
0xa1: {  	s23 =	simm.s32 $0x1B8B  }
0xa2: {  	_ =	swait.ge [sflag:s23], $0x1  }
0xa3: {  	[sflag:s23] =	ssyncset.done $0x0  }
0xa4: {  	s25 =	simm.s32 $0x1B8E;
	s24 =	sld [smem:$0x3FFE];
	[sflag:s23] =	ssyncadd.s32 $0xFFFFFFFF  }
0xa5: {  	s26 =	simm.s32 $execute0_lowered;
	[smem:$0x3FD2] =	sst s25  }
0xa6: {  	s5 =	sshll.u32 s26, $0x1;
	_ =	strace $0x80000046;
	[dreg:$0x1] =	wrdreg $0xFFFFFFFF  }
0xa7: {  	s28 =	simm.s32 $_size_execute0_lowered;
	s3 =	sadd.s32 s3, s5;
	[dreg:$0x0] =	wrdreg $0x0  }
0xa8: {  	s5 =	sshll.u32 s28, $0x1;
	[dreg:$0x2] =	wrdreg s3  }
0xa9: {  	[dreg:$0x3] =	wrdreg s5  }
0xaa: {  	[dreg:$0x4] =	wrdreg $0xC0  }
0xab: {  	_ =	task [dreg:s7], $0x5FFFF  }
0xac: {  	[dreg:$0x1] =	wrdreg $0xFFFFFFFF  }
0xad: {  	[dreg:$0x0] =	wrdreg $0x60  }
0xae: {  	[dreg:$0x2] =	wrdreg s24  }
0xaf: {  	[dreg:$0x3] =	wrdreg s2  }
0xb0: {  	[dreg:$0x4] =	wrdreg $0xC0000  }
0xb1: {  	[dreg:$0x5] =	wrdreg $0x9  }
0xb2: {  	_ =	task.clear_ibuf [dreg:s7], $0x6FFFF;
	_ =	strace $0x90000046  }
0xb3: {  	s29 =	simm.s32 $0x9;
	_ =	strace $0x80000048  }
0xb4: {  	_ =	swait.ge [sflag:s29], $0x1  }
0xb5: {  	[sflag:s29] =	ssyncadd.s32 $0xFFFFFFFF  }
0xb6: {  	_ =	strace $0x90000048  }
0xb7: {  	_ =	sfence  }
0xb8: {  	s30 =	sld [smem:$0x0];
	_ =	sdelay $0x2  }
0xb9: {  	s31 =	sshll.u32 s1, $0xD;
	s1 =	sshrl.u32 s1, $0x2  }
0xba: {  	s3 =	sand.u32 $0x4000, s31;
	s1 =	sadd.s32 s1, s30  }
0xbb: {  	s0 =	sor.u32 s3, s0;
	s1 =	sshll.u32 s1, $0x11  }
0xbc: {  	s0 =	sor.u32 s1, s0  }
0xbd: {  	s0 =	sadd.s32 $0x8F2B, s0  }
0xbe: {  	[sflag:s0] =	ssyncadd.remote.s32 $0x1  }
0xbf: {  	_ =	sfence.sel $0xFFFF  }
0xc0: {  	[dreg:$0x0] =	wrdreg $0xFFFFFFFF;
	(pc) =	sbr.abs _section_cstart, $3  }
0xc1: {  	[dreg:$0x1] =	wrdreg $0xFFFFFFFF  }
0xc2: {  	_ =	task.clear_ibuf [dreg:s7], $0x2FFFF;
	_ =	strace $0x9FFFFFFF  }
0xc3: {  	(tm) =	ssettm $0x7FFFFFFF  }
tec
execute0_lowered:
.L_overlay_start_1:
0x0: {  	(tag) =	ssettag $0x1  }
0x1: {  	s0 =	rddreg [dreg:$0x0]  }
0x2: {  	s2 =	rddreg [dreg:$0x2];
	s1 =	srdreg.scid;
	s3 =	simm.s32 $0x0  }
0x3: {  	s15 =	stileid.u32;
	s28 =	simm.s32 $0x7000;
	s29 =	simm.s32 $0x5  }
0x4: {  	s31 =	simm.s32 $0x1000;
	s1 =	sand.u32 $0x1, s1;
	[smem:$0x7FF] =	sst s3  }
0x5: {  	s6 =	smul.u32 $0x14000, s15;
	s5 =	sadd.s32 $0x30C00, s0;
	s7 =	sadd.s32 $0x2A1C00, s0  }
0x6: {  	s26 =	smul.u32 $0x50000, s15;
	s15 =	sshll.u32 s15, $0xC;
	s25 =	ssub.s32 $0x2, s1  }
0x7: {  	_ =	strace $0x80000047;
	s12 =	smul.u32 $0x140000, s1;
	s1 =	sshll.u32 s1, $0xB  }
0x8: {  	s4 =	sshrl.u32 s25, $0x1;
	s8 =	sor.u32 $0x2800, s6;
	s9 =	sadd.s32 $0x5000, s6  }
0x9: {  	s10 =	sadd.s32 $0x7800, s6;
	s11 =	sadd.s32 $0xA000, s6;
	s13 =	sadd.s32 $0xC800, s6  }
0xa: {  	s14 =	sadd.s32 $0xF000, s6;
	s18 =	sadd.s32 $0x11800, s6;
	s26 =	sshrl.u32 s26, $0x2  }
0xb: {  	s3 =	ssub.s32 s25, s4;
	s6 =	sadd.s32 s6, s12;
	s16 =	sadd.s32 s12, s8  }
0xc: {  	s19 =	sadd.s32 s12, s11;
	s22 =	sadd.s32 s12, s13;
	s8 =	sadd.s32 s8, s2  }
0xd: {  	s23 =	sadd.s32 s12, s14;
	s11 =	sadd.s32 s11, s2;
	[dreg:$0xd] =	wrdreg s8  }
0xe: {  	s13 =	sadd.s32 s13, s2;
	s14 =	sadd.s32 s14, s2;
	[dreg:$0x10] =	wrdreg s11  }
0xf: {  	s17 =	sshrl.u32 s6, $0x3;
	s16 =	sshrl.u32 s16, $0x3;
	[dreg:$0x11] =	wrdreg s13  }
0x10: {  	s6 =	sor.u32 s1, s15;
	[dreg:$0x12] =	wrdreg s14;
	s30 =	sadd.s32 s7, s17  }
0x11: {  	s15 =	sadd.s32 s7, s16;
	s16 =	sadd.s32 s12, s9;
	[dreg:$0x4] =	wrdreg s30  }
0x12: {  	s17 =	sadd.s32 s12, s10;
	s12 =	sadd.s32 s12, s18;
	[dreg:$0x5] =	wrdreg s15  }
0x13: {  	s1 =	sshrl.u32 s16, $0x3;
	s15 =	sshrl.u32 s17, $0x3;
	s16 =	sshrl.u32 s19, $0x3  }
0x14: {  	s12 =	sshrl.u32 s12, $0x3;
	s17 =	sadd.s32 $0x10C00, s0;
	s30 =	smax.u32 s3, $0x1  }
0x15: {  	s3 =	simm.s32 $0x50;
	s19 =	simm.s32 $0x4;
	s1 =	sadd.s32 s7, s1  }
0x16: {  	s20 =	sadd.s32 s7, s15;
	s21 =	sadd.s32 s7, s16;
	[dreg:$0x14] =	wrdreg s30  }
0x17: {  	s15 =	sshrl.u32 s23, $0x3;
	s25 =	sadd.s32 s7, s12;
	[dreg:$0x6] =	wrdreg s1  }
0x18: {  	s16 =	sadd.s32 $0x20C00, s0;
	s23 =	sadd.s32 s9, s2;
	[dreg:$0x7] =	wrdreg s20  }
0x19: {  	s9 =	simm.s32 $0x4800;
	s12 =	simm.s32 $0x2;
	[dreg:$0x8] =	wrdreg s21  }
0x1a: {  	s1 =	sshrl.u32 s22, $0x3;
	s24 =	sadd.s32 s7, s15;
	[dreg:$0xb] =	wrdreg s25  }
0x1b: {  	s15 =	sadd.s32 $0xC00, s0;
	s22 =	sadd.s32 s26, s2;
	[dreg:$0xe] =	wrdreg s23  }
0x1c: {  	s25 =	sadd.s32 s18, s2;
	s26 =	simm.s32 $0x9800;
	[dreg:$0xa] =	wrdreg s24  }
0x1d: {  	s18 =	simm.s32 $0x3;
	s20 =	simm.s32 $0x1700;
	[dreg:$0xc] =	wrdreg s22  }
0x1e: {  	s21 =	simm.s32 $0x1780;
	s1 =	sadd.s32 s7, s1;
	[dreg:$0x13] =	wrdreg s25  }
0x1f: {  	s24 =	sadd.s32 s10, s2;
	s7 =	simm.s32 $0x2000;
	[dreg:$0x9] =	wrdreg s1  }
0x20: {  	v0 =	vimm.f32 $0.0e+00;
	s10 =	simm.s32 $0x1;
	s1 =	simm.s32 $0x0;
	[dreg:$0xf] =	wrdreg s24  }
.LBB2_1:
0x21: {  	[dreg:$0x15] =	wrdreg s1;
	s0 =	simm.s32 $0x0;
	s1 =	simm.s32 $0x200  }
.LBB2_2:
0x22: {  	p0 =	sne.s32 s1, $0x9E00;
	[tilespmem:s0+$0x7070] =	vst v0  }
0x23: {  	[tilespmem:s0+$0x7000] =	vst v0  }
0x24: {  	[tilespmem:s0+$0x7010] =	vst v0  }
.Ltmp0:
0x25: {  	[tilespmem:s0+$0x7020] =	vst v0;
	(pc) =	sbr.rel @p0 .LBB2_2-.Ltmp0, $4  }
0x26: {  	[tilespmem:s0+$0x7030] =	vst v0  }
0x27: {  	[tilespmem:s0+$0x7040] =	vst v0  }
0x28: {  	[tilespmem:s0+$0x7050] =	vst v0  }
0x29: {  	[tilespmem:s0+$0x7060] =	vst v0;
	s0 =	sshra.s32 s1, $0x2;
	s1 =	sadd.s32 $0x200, s1  }
0x2a: {  	[tilespmem:s0+$0x7070] =	vst v0  }
0x2b: {  	[tilespmem:s0+$0x7000] =	vst v0  }
0x2c: {  	[tilespmem:s0+$0x7010] =	vst v0  }
0x2d: {  	[tilespmem:s0+$0x7020] =	vst v0  }
0x2e: {  	[tilespmem:s0+$0x7030] =	vst v0  }
0x2f: {  	[tilespmem:s0+$0x7040] =	vst v0  }
0x30: {  	[tilespmem:s0+$0x7050] =	vst v0  }
0x31: {  	[tilespmem:s0+$0x7060] =	vst v0  }
0x32: {  	[spmem:s22] =	stream.linear.scatter [tilespmem:s28], [sflag:$0x5], $0x2800, $0x38;
	v63 =	vld [tilespmem:$0x0]  }
0x33: {  	_ =	swait.ge [sflag:s29], $0x2800  }
0x34: {  	[sflag:s29] =	ssyncset.done $0x0  }
0x35: {  	[sflag:s29] =	ssyncadd.s32 $0xFFFFD800  }
0x36: {  	[spmem:s8] =	stream.linear.scatter [tilespmem:s28], [sflag:$0x5], $0x2800, $0x38;
	v63 =	vld [tilespmem:$0x0]  }
0x37: {  	_ =	swait.ge [sflag:s29], $0x2800  }
0x38: {  	[sflag:s29] =	ssyncset.done $0x0  }
0x39: {  	[sflag:s29] =	ssyncadd.s32 $0xFFFFD800  }
0x3a: {  	[spmem:s23] =	stream.linear.scatter [tilespmem:s28], [sflag:$0x5], $0x2800, $0x38;
	v63 =	vld [tilespmem:$0x0]  }
0x3b: {  	_ =	swait.ge [sflag:s29], $0x2800  }
0x3c: {  	[sflag:s29] =	ssyncset.done $0x0  }
0x3d: {  	[sflag:s29] =	ssyncadd.s32 $0xFFFFD800  }
0x3e: {  	[spmem:s24] =	stream.linear.scatter [tilespmem:s28], [sflag:$0x5], $0x2800, $0x38;
	v63 =	vld [tilespmem:$0x0]  }
0x3f: {  	_ =	swait.ge [sflag:s29], $0x2800  }
0x40: {  	[sflag:s29] =	ssyncset.done $0x0  }
0x41: {  	[sflag:s29] =	ssyncadd.s32 $0xFFFFD800  }
0x42: {  	[spmem:s11] =	stream.linear.scatter [tilespmem:s28], [sflag:$0x5], $0x2800, $0x38;
	v63 =	vld [tilespmem:$0x0]  }
0x43: {  	_ =	swait.ge [sflag:s29], $0x2800  }
0x44: {  	[sflag:s29] =	ssyncset.done $0x0  }
0x45: {  	[sflag:s29] =	ssyncadd.s32 $0xFFFFD800  }
0x46: {  	[spmem:s13] =	stream.linear.scatter [tilespmem:s28], [sflag:$0x5], $0x2800, $0x38;
	v63 =	vld [tilespmem:$0x0]  }
0x47: {  	_ =	swait.ge [sflag:s29], $0x2800  }
0x48: {  	[sflag:s29] =	ssyncset.done $0x0  }
0x49: {  	[sflag:s29] =	ssyncadd.s32 $0xFFFFD800  }
0x4a: {  	[spmem:s14] =	stream.linear.scatter [tilespmem:s28], [sflag:$0x5], $0x2800, $0x38;
	v63 =	vld [tilespmem:$0x0]  }
0x4b: {  	_ =	swait.ge [sflag:s29], $0x2800  }
0x4c: {  	[sflag:s29] =	ssyncset.done $0x0  }
0x4d: {  	[sflag:s29] =	ssyncadd.s32 $0xFFFFD800  }
0x4e: {  	[spmem:s25] =	stream.linear.scatter [tilespmem:s28], [sflag:$0x5], $0x2800, $0x38;
	v63 =	vld [tilespmem:$0x0]  }
0x4f: {  	_ =	swait.ge [sflag:s29], $0x2800  }
0x50: {  	[sflag:s29] =	ssyncset.done $0x0  }
0x51: {  	[sflag:s29] =	ssyncadd.s32 $0xFFFFD800  }
0x52: {  	s23 =	simm.s32 $0x0;
	s24 =	simm.s32 $0x0;
	[bflag:$0x0] =	sbarrier.arrive $0xFFFF  }
.LBB2_4:
0x53: {  	s0 =	sshll.u32 s24, $0x8  }
0x54: {  	s1 =	rddreg [dreg:$0x1];
	s0 =	sadd.s32 s6, s0  }
0x55: {  	s1 =	sadd.s32 s1, s0  }
0x56: {  	[tilespmem:s23], [sflag:$0x5] =	stream.linear.gather [hbm4b:s1+s23], $0x800, $0x38;
	v63 =	vld [tilespmem:$0x0]  }
0x57: {  	_ =	swait.ge [sflag:s29], $0x800  }
0x58: {  	[sflag:s29] =	ssyncset.done $0x0  }
0x59: {  	s4 =	simm.s32 $0x800;
	s22 =	sadd.s32 s15, s0;
	[sflag:s29] =	ssyncadd.s32 $0xFFFFF800  }
0x5a: {  	[tilespmem:s4], [sflag:$0x5] =	stream.linear.gather [hbm4b:s22+s23], $0x800, $0x38;
	v63 =	vld [tilespmem:$0x0]  }
0x5b: {  	_ =	swait.ge [sflag:s29], $0x800  }
0x5c: {  	[sflag:s29] =	ssyncset.done $0x0  }
0x5d: {  	s25 =	sadd.s32 s16, s0;
	[sflag:s29] =	ssyncadd.s32 $0xFFFFF800  }
0x5e: {  	[tilespmem:s31], [sflag:$0x5] =	stream.linear.gather [hbm4b:s25+s23], $0x800, $0x38;
	v63 =	vld [tilespmem:$0x0]  }
0x5f: {  	_ =	swait.ge [sflag:s29], $0x800  }
0x60: {  	[sflag:s29] =	ssyncset.done $0x0  }
0x61: {  	s30 =	simm.s32 $0x1800;
	s0 =	sadd.s32 s17, s0;
	[sflag:s29] =	ssyncadd.s32 $0xFFFFF800  }
0x62: {  	[tilespmem:s30], [sflag:$0x5] =	stream.linear.gather [hbm4b:s0+s23], $0x800, $0x38;
	v63 =	vld [tilespmem:$0x0]  }
0x63: {  	_ =	swait.ge [sflag:s29], $0x800  }
0x64: {  	[sflag:s29] =	ssyncset.done $0x0  }
0x65: {  	s0 =	simm.s32 $0x0;
	[sflag:s29] =	ssyncadd.s32 $0xFFFFF800  }
0x66: {  	v2 =	vld [tilespmem:s0+$0x840]  }
0x67: {  	v4 =	vld [tilespmem:s0+$0x800]  }
0x68: {  	v6 =	vld [tilespmem:s0+$0x40]  }
0x69: {  	v7 =	vld [tilespmem:s0+$0x810]  }
0x6a: {  	v9 =	vld [tilespmem:s0+$0x820]  }
0x6b: {  	v1 =	vld [tilespmem:s0+$0x830]  }
0x6c: {  	v5 =	vld [tilespmem:s0+$0x0];
	v2 =	vmul.u32 $0x2710, v2  }
0x6d: {  	v3 =	vld [tilespmem:s0+$0x10]  }
0x6e: {  	v6 =	vadd.s32 v6, v2;
	v2 =	vld [tilespmem:s0+$0x20]  }
0x6f: {  	s1 =	simm.s32 $0x80;
	s4 =	simm.s32 $0x400;
	v8 =	vmul.u32 $0x2710, v4;
	v4 =	vld [tilespmem:s0+$0x30];
	[tilespmem:s0+$0x40] =	vst v6;
	v6 =	vmul.u32 $0x2710, v7;
	v7 =	vmul.u32 $0x2710, v9  }
.LBB2_5:
0x70: {  	p0 =	sne.s32 s4, $0x1E00;
	v9 =	vld [tilespmem:s1+$0x840];
	v1 =	vmul.u32 $0x2710, v1  }
0x71: {  	v10 =	vld [tilespmem:s1+$0x800];
	v5 =	vadd.s32 v5, v8  }
0x72: {  	v11 =	vld [tilespmem:s1+$0x40];
	[tilespmem:s0+$0x0] =	vst v5;
	v3 =	vadd.s32 v3, v6  }
0x73: {  	v6 =	vld [tilespmem:s1+$0x810];
	[tilespmem:s0+$0x10] =	vst v3;
	v2 =	vadd.s32 v2, v7  }
0x74: {  	v7 =	vld [tilespmem:s1+$0x820];
	[tilespmem:s0+$0x20] =	vst v2;
	v2 =	vadd.s32 v4, v1  }
.Ltmp1:
0x75: {  	v1 =	vld [tilespmem:s1+$0x830];
	v4 =	vmul.u32 $0x2710, v9;
	[tilespmem:s0+$0x30] =	vst v2;
	s0 =	smov.u32 s1;
	(pc) =	sbr.rel @p0 .LBB2_5-.Ltmp1, $4  }
0x76: {  	v8 =	vmul.u32 $0x2710, v10;
	v5 =	vld [tilespmem:s0+$0x0]  }
0x77: {  	v3 =	vld [tilespmem:s0+$0x10];
	v4 =	vadd.s32 v11, v4  }
0x78: {  	v6 =	vmul.u32 $0x2710, v6;
	v2 =	vld [tilespmem:s0+$0x20];
	[tilespmem:s0+$0x40] =	vst v4  }
0x79: {  	s1 =	sshra.s32 s4, $0x2;
	s4 =	sadd.s32 $0x200, s4;
	v7 =	vmul.u32 $0x2710, v7;
	v4 =	vld [tilespmem:s0+$0x30]  }
0x7a: {  	v9 =	vld [tilespmem:s1+$0x840]  }
0x7b: {  	v10 =	vld [tilespmem:s1+$0x800]  }
0x7c: {  	v11 =	vld [tilespmem:s1+$0x40]  }
0x7d: {  	v12 =	vld [tilespmem:s1+$0x810]  }
0x7e: {  	v13 =	vld [tilespmem:s1+$0x820]  }
0x7f: {  	v14 =	vld [tilespmem:s1+$0x830]  }
0x80: {  	v15 =	vld [tilespmem:s1+$0x0];
	v5 =	vadd.s32 v5, v8;
	v9 =	vmul.u32 $0x2710, v9  }
0x81: {  	v8 =	vld [tilespmem:s1+$0x10];
	[tilespmem:s0+$0x0] =	vst v5;
	v3 =	vadd.s32 v3, v6  }
0x82: {  	v1 =	vmul.u32 $0x2710, v1;
	[tilespmem:s0+$0x10] =	vst v3;
	v5 =	vadd.s32 v11, v9;
	v9 =	vld [tilespmem:s1+$0x20]  }
0x83: {  	v2 =	vadd.s32 v2, v7;
	v3 =	vmul.u32 $0x2710, v10;
	[tilespmem:s1+$0x40] =	vst v5;
	v5 =	vld [tilespmem:s1+$0x30]  }
0x84: {  	[tilespmem:s0+$0x20] =	vst v2;
	v1 =	vadd.s32 v4, v1;
	v2 =	vmul.u32 $0x2710, v12  }
0x85: {  	[tilespmem:s0+$0x30] =	vst v1;
	v1 =	vmul.u32 $0x2710, v13;
	v3 =	vadd.s32 v15, v3  }
0x86: {  	v4 =	vmul.u32 $0x2710, v14;
	v2 =	vadd.s32 v8, v2;
	[tilespmem:s1+$0x0] =	vst v3  }
0x87: {  	[tilespmem:s1+$0x10] =	vst v2;
	v1 =	vadd.s32 v9, v1  }
0x88: {  	[tilespmem:s1+$0x20] =	vst v1;
	v1 =	vadd.s32 v5, v4  }
0x89: {  	[tilespmem:s1+$0x30] =	vst v1;
	s1 =	simm.s32 $0x0  }
0x8a: {  	[tilespmem:s7], [sflag:$0x1] =	stream.indirect.gather [hbm4b:s5+s3], $0x80, s1, s3, $0xb8;
	v63 =	vld [tilespmem:$0x0]  }
0x8b: {  	s4 =	simm.s32 $0x80  }
0x8c: {  	[tilespmem:s9], [sflag:$0x2] =	stream.indirect.gather [hbm4b:s5+s3], $0x80, s4, s3, $0xb8;
	v63 =	vld [tilespmem:$0x0]  }
0x8d: {  	_ =	swait.ge [sflag:s10], $0x2800  }
0x8e: {  	[sflag:s10] =	ssyncset.done $0x0  }
0x8f: {  	s0 =	simm.s32 $0x2200;
	[sflag:s10] =	ssyncadd.s32 $0xFFFFD800  }
0x90: {  	v3 =	vld [tilespmem:s0+$0x1C0]  }
0x91: {  	s1 =	simm.s32 $0x0;
	v7 =	vld [tilespmem:s0+$0xFFFFFE00]  }
0x92: {  	s4 =	sand.u32 $0x70, s1;
	v6 =	vld [tilespmem:s0+$0xFFFFFE70]  }
0x93: {  	v5 =	vld [tilespmem:s4+$0x1800]  }
0x94: {  	v8 =	vld [tilespmem:s0+$0xFFFFFE10]  }
0x95: {  	v2 =	vld [tilespmem:s0+$0xFFFFFE20]  }
0x96: {  	s8 =	sand.u32 $0x8, s1;
	v9 =	vld [tilespmem:s0+$0xFFFFFE30]  }
0x97: {  	v4 =	vmov s8;
	v10 =	vld [tilespmem:s0+$0xFFFFFE40]  }
0x98: {  	v11 =	vld [tilespmem:s0+$0xFFFFFE50];
	v4 =	vperm.xlane v5, v4  }
0x99: {  	v21 =	vld [tilespmem:s0+$0xFFFFFE60]  }
0x9a: {  	v22 =	vld [tilespmem:s0+$0xFFFFFEF0];
	v7 =	vmul.f32 v7, v4  }
0x9b: {  	s4 =	simm.s32 $0x7200;
	v23 =	vld [tilespmem:s0+$0xFFFFFE80];
	v8 =	vmul.f32 v8, v4  }
0x9c: {  	s8 =	simm.s32 $0x1;
	v9 =	vmul.f32 v9, v4;
	[tilespmem:s4+$0xFFFFFE00] =	vst v7;
	v7 =	vmul.f32 v10, v4;
	v10 =	vld [tilespmem:s0+$0xFFFFFE90]  }
0x9d: {  	s8 =	sand.u32 $0x9, s8;
	[tilespmem:s4+$0xFFFFFE10] =	vst v8;
	v8 =	vld [tilespmem:s0+$0xFFFFFEE0]  }
0x9e: {  	v24 =	vmov s8;
	v25 =	vld [tilespmem:s0+$0xFFFFFEB0];
	[tilespmem:s4+$0xFFFFFE30] =	vst v9;
	v9 =	vmul.f32 v11, v4  }
0x9f: {  	v26 =	vld [tilespmem:s0+$0xFFFFFF70];
	v15 =	vperm.xlane v5, v24;
	[tilespmem:s4+$0xFFFFFE40] =	vst v7;
	v7 =	vmul.f32 v21, v4  }
0xa0: {  	v6 =	vmul.f32 v6, v4;
	[tilespmem:s4+$0xFFFFFE50] =	vst v9;
	v9 =	vld [tilespmem:s0+$0xFFFFFEC0]  }
0xa1: {  	[tilespmem:s4+$0xFFFFFE60] =	vst v7;
	v7 =	vld [tilespmem:s0+$0xFFFFFED0];
	v10 =	vmul.f32 v10, v15  }
0xa2: {  	v11 =	vld [tilespmem:s0+$0xFFFFFEA0];
	[tilespmem:s4+$0xFFFFFE70] =	vst v6;
	v8 =	vmul.f32 v8, v15  }
0xa3: {  	v27 =	vld [tilespmem:s0+$0xFFFFFF00];
	v14 =	vmul.f32 v23, v15;
	[tilespmem:s4+$0xFFFFFE90] =	vst v10  }
0xa4: {  	s11 =	simm.s32 $0x2;
	v10 =	vmul.f32 v25, v15;
	[tilespmem:s4+$0xFFFFFEE0] =	vst v8;
	v8 =	vld [tilespmem:s0+$0xFFFFFF50]  }
0xa5: {  	s8 =	sand.u32 $0xA, s11;
	v16 =	vld [tilespmem:s0+$0xFFFFFF20];
	[tilespmem:s4+$0xFFFFFE80] =	vst v14;
	v9 =	vmul.f32 v9, v15  }
0xa6: {  	v28 =	vld [tilespmem:s0+$0xFFFFFF60];
	[tilespmem:s4+$0xFFFFFEB0] =	vst v10;
	v7 =	vmul.f32 v7, v15;
	v10 =	vmov s8  }
0xa7: {  	v11 =	vmul.f32 v11, v15;
	[tilespmem:s4+$0xFFFFFEC0] =	vst v9;
	v9 =	vperm.xlane v5, v10;
	v10 =	vld [tilespmem:s0+$0xFFFFFF30]  }
0xa8: {  	v13 =	vmul.f32 v22, v15;
	[tilespmem:s4+$0xFFFFFED0] =	vst v7;
	v7 =	vld [tilespmem:s0+$0xFFFFFF40]  }
0xa9: {  	[tilespmem:s4+$0xFFFFFEA0] =	vst v11;
	v11 =	vld [tilespmem:s0+$0xFFFFFF10];
	v8 =	vmul.f32 v8, v9  }
0xaa: {  	v30 =	vld [tilespmem:s0+$0xFFFFFFF0];
	[tilespmem:s4+$0xFFFFFEF0] =	vst v13;
	v12 =	vmul.f32 v27, v9  }
0xab: {  	v31 =	vld [tilespmem:s0+$0xFFFFFF90];
	[tilespmem:s4+$0xFFFFFF50] =	vst v8;
	v8 =	vmul.f32 v26, v9  }
0xac: {  	s13 =	simm.s32 $0x3;
	v34 =	vld [tilespmem:s0+$0xFFFFFFB0];
	[tilespmem:s4+$0xFFFFFF00] =	vst v12;
	v10 =	vmul.f32 v10, v9  }
0xad: {  	v36 =	vld [tilespmem:s0+$0x0];
	s8 =	sand.u32 $0xB, s13;
	v7 =	vmul.f32 v7, v9;
	[tilespmem:s4+$0xFFFFFF70] =	vst v8  }
0xae: {  	v32 =	vmov s8;
	v11 =	vmul.f32 v11, v9;
	[tilespmem:s4+$0xFFFFFF30] =	vst v10;
	v10 =	vld [tilespmem:s0+$0xFFFFFFA0]  }
0xaf: {  	v33 =	vperm.xlane v5, v32;
	v8 =	vld [tilespmem:s0+$0xFFFFFFC0];
	[tilespmem:s4+$0xFFFFFF40] =	vst v7;
	v7 =	vmul.f32 v28, v9  }
0xb0: {  	v29 =	vmul.f32 v16, v9;
	[tilespmem:s4+$0xFFFFFF10] =	vst v11;
	v9 =	vld [tilespmem:s0+$0xFFFFFFD0]  }
0xb1: {  	v12 =	vmul.f32 v31, v33;
	[tilespmem:s4+$0xFFFFFF60] =	vst v7;
	v7 =	vld [tilespmem:s0+$0xFFFFFFE0]  }
0xb2: {  	v35 =	vmul.f32 v34, v33;
	v11 =	vld [tilespmem:s0+$0xFFFFFF80];
	[tilespmem:s4+$0xFFFFFF20] =	vst v29  }
0xb3: {  	v38 =	vld [tilespmem:s0+$0x20];
	[tilespmem:s4+$0xFFFFFF90] =	vst v12;
	v10 =	vmul.f32 v10, v33  }
0xb4: {  	s14 =	simm.s32 $0x4;
	v39 =	vld [tilespmem:s0+$0x30];
	[tilespmem:s4+$0xFFFFFFB0] =	vst v35;
	v8 =	vmul.f32 v8, v33  }
0xb5: {  	s8 =	sand.u32 $0xC, s14;
	v9 =	vmul.f32 v9, v33;
	[tilespmem:s4+$0xFFFFFFA0] =	vst v10;
	v10 =	vld [tilespmem:s0+$0x10]  }
0xb6: {  	v37 =	vmov s8;
	[tilespmem:s4+$0xFFFFFFC0] =	vst v8;
	v8 =	vld [tilespmem:s0+$0x50];
	v7 =	vmul.f32 v7, v33  }
0xb7: {  	v40 =	vld [tilespmem:s0+$0x40];
	v11 =	vmul.f32 v11, v33;
	[tilespmem:s4+$0xFFFFFFD0] =	vst v9;
	v9 =	vperm.xlane v5, v37  }
0xb8: {  	v42 =	vld [tilespmem:s0+$0x90];
	[tilespmem:s4+$0xFFFFFFE0] =	vst v7;
	v7 =	vmul.f32 v30, v33  }
0xb9: {  	[tilespmem:s4+$0xFFFFFF80] =	vst v11;
	v11 =	vld [tilespmem:s0+$0x70];
	v14 =	vmul.f32 v36, v9  }
0xba: {  	[tilespmem:s4+$0xFFFFFFF0] =	vst v7;
	v7 =	vld [tilespmem:s0+$0x60];
	v10 =	vmul.f32 v10, v9  }
0xbb: {  	v43 =	vld [tilespmem:s0+$0x80];
	v8 =	vmul.f32 v8, v9;
	[tilespmem:s4+$0x0] =	vst v14  }
0xbc: {  	s22 =	simm.s32 $0x5;
	v44 =	vld [tilespmem:s0+$0xA0];
	[tilespmem:s4+$0x10] =	vst v10;
	v10 =	vmul.f32 v39, v9  }
0xbd: {  	v45 =	vld [tilespmem:s0+$0xB0];
	s8 =	sand.u32 $0xD, s22;
	v41 =	vmul.f32 v38, v9;
	[tilespmem:s4+$0x50] =	vst v8  }
0xbe: {  	v46 =	vld [tilespmem:s0+$0xD0];
	v8 =	vmul.f32 v11, v9;
	[tilespmem:s4+$0x30] =	vst v10;
	v10 =	vmov s8  }
0xbf: {  	v50 =	vld [tilespmem:s0+$0x100];
	[tilespmem:s4+$0x20] =	vst v41;
	v7 =	vmul.f32 v7, v9;
	v10 =	vperm.xlane v5, v10  }
0xc0: {  	v13 =	vmul.f32 v40, v9;
	v11 =	vld [tilespmem:s0+$0xE0];
	[tilespmem:s4+$0x70] =	vst v8  }
0xc1: {  	v8 =	vld [tilespmem:s0+$0xC0];
	[tilespmem:s4+$0x60] =	vst v7;
	v7 =	vmul.f32 v43, v10  }
0xc2: {  	[tilespmem:s4+$0x40] =	vst v13;
	v9 =	vld [tilespmem:s0+$0xF0];
	v47 =	vmul.f32 v44, v10  }
0xc3: {  	v51 =	vld [tilespmem:s0+$0x110];
	v48 =	vmul.f32 v45, v10;
	[tilespmem:s4+$0x80] =	vst v7  }
0xc4: {  	s25 =	simm.s32 $0x6;
	v53 =	vld [tilespmem:s0+$0x160];
	v49 =	vmul.f32 v46, v10;
	[tilespmem:s4+$0xA0] =	vst v47  }
0xc5: {  	v54 =	vld [tilespmem:s0+$0x140];
	s8 =	sand.u32 $0xE, s25;
	v11 =	vmul.f32 v11, v10;
	[tilespmem:s4+$0xB0] =	vst v48  }
0xc6: {  	v56 =	vld [tilespmem:s0+$0x190];
	v52 =	vmov s8;
	v17 =	vmul.f32 v8, v10;
	[tilespmem:s4+$0xD0] =	vst v49  }
0xc7: {  	v57 =	vld [tilespmem:s0+$0x180];
	v8 =	vperm.xlane v5, v52;
	[tilespmem:s4+$0xE0] =	vst v11;
	v9 =	vmul.f32 v9, v10  }
0xc8: {  	v11 =	vld [tilespmem:s0+$0x130];
	v10 =	vmul.f32 v42, v10;
	[tilespmem:s4+$0xC0] =	vst v17  }
0xc9: {  	v7 =	vld [tilespmem:s0+$0x170];
	v13 =	vmul.f32 v50, v8;
	[tilespmem:s4+$0xF0] =	vst v9  }
0xca: {  	s30 =	simm.s32 $0x7;
	v55 =	vmul.f32 v53, v8;
	v9 =	vld [tilespmem:s0+$0x120];
	[tilespmem:s4+$0x90] =	vst v10  }
0xcb: {  	v6 =	vmov s30;
	v14 =	vmul.f32 v51, v8;
	v10 =	vld [tilespmem:s0+$0x150];
	[tilespmem:s4+$0x100] =	vst v13  }
0xcc: {  	v1 =	vld [tilespmem:s0+$0x1E0];
	v5 =	vperm.xlane v5, v6;
	v6 =	vmul.f32 v54, v8;
	[tilespmem:s4+$0x160] =	vst v55  }
0xcd: {  	v59 =	vld [tilespmem:s0+$0x1B0];
	[tilespmem:s4+$0x110] =	vst v14;
	v11 =	vmul.f32 v11, v8  }
0xce: {  	v58 =	vld [tilespmem:s0+$0x1A0];
	v3 =	vmul.f32 v3, v5;
	[tilespmem:s4+$0x140] =	vst v6  }
0xcf: {  	v60 =	vmul.f32 v56, v5;
	v6 =	vld [tilespmem:s0+$0x1D0];
	[tilespmem:s4+$0x130] =	vst v11  }
0xd0: {  	v61 =	vmul.f32 v57, v5;
	v11 =	vld [tilespmem:s0+$0x1F0];
	[tilespmem:s4+$0x1C0] =	vst v3  }
0xd1: {  	v62 =	vmul.f32 v1, v5;
	[tilespmem:s4+$0x190] =	vst v60  }
0xd2: {  	v12 =	vmul.f32 v59, v5;
	[tilespmem:s4+$0x180] =	vst v61  }
0xd3: {  	v3 =	vmul.f32 v58, v5;
	[tilespmem:s4+$0x1E0] =	vst v62  }
0xd4: {  	v1 =	vmul.f32 v2, v4;
	[tilespmem:s4+$0x1B0] =	vst v12;
	v9 =	vmul.f32 v9, v8  }
0xd5: {  	s8 =	simm.s32 $0x2600;
	s0 =	simm.s32 $0x7600;
	v4 =	vmul.f32 v10, v8;
	[tilespmem:s4+$0x1A0] =	vst v3;
	v10 =	vmul.f32 v11, v5  }
.LBB2_7:
0xd6: {  	s13 =	sadd.s32 $0x9, s1  }
0xd7: {  	s22 =	sadd.s32 $0xB, s1;
	v2 =	vld [tilespmem:s8+$0x1C0];
	[tilespmem:s4+$0x120] =	vst v9;
	s11 =	smov.u32 s1;
	s1 =	sadd.s32 $0x8, s1  }
0xd8: {  	s25 =	sand.u32 $0x70, s1;
	s30 =	sand.u32 $0x8, s1;
	s13 =	sand.u32 $0x9, s13;
	v3 =	vld [tilespmem:s8+$0x1E0];
	[tilespmem:s4+$0x150] =	vst v4;
	v4 =	vmul.f32 v7, v8  }
0xd9: {  	v5 =	vmul.f32 v6, v5;
	s22 =	sand.u32 $0xB, s22;
	p0 =	slt.u32 s1, $0x48;
	v7 =	vld [tilespmem:s8+$0xFFFFFE00];
	v8 =	vmov s13;
	s13 =	sadd.s32 $0xA, s11;
	[tilespmem:s4+$0x1F0] =	vst v10  }
0xda: {  	v9 =	vmov s22;
	v6 =	vld [tilespmem:s8+$0xFFFFFE70];
	s13 =	sand.u32 $0xA, s13;
	[tilespmem:s4+$0x170] =	vst v4  }
0xdb: {  	v4 =	vld [tilespmem:s25+$0x1800];
	[tilespmem:s4+$0xFFFFFE20] =	vst v1  }
0xdc: {  	v1 =	vld [tilespmem:s8+$0xFFFFFE10];
	[tilespmem:s4+$0x1D0] =	vst v5;
	s4 =	smov.u32 s0  }
0xdd: {  	v5 =	vmov s30;
	v10 =	vld [tilespmem:s8+$0xFFFFFE20]  }
0xde: {  	v11 =	vld [tilespmem:s8+$0xFFFFFE30]  }
0xdf: {  	v12 =	vld [tilespmem:s8+$0xFFFFFE40]  }
0xe0: {  	v13 =	vperm.xlane v4, v5;
	v14 =	vld [tilespmem:s8+$0xFFFFFE50];
	v8 =	vperm.xlane v4, v8  }
0xe1: {  	v15 =	vld [tilespmem:s8+$0xFFFFFE60]  }
0xe2: {  	v7 =	vmul.f32 v7, v13;
	v16 =	vmul.f32 v1, v13;
	v17 =	vld [tilespmem:s8+$0xFFFFFEF0]  }
0xe3: {  	v5 =	vmul.f32 v6, v13;
	v11 =	vmul.f32 v11, v13;
	v6 =	vld [tilespmem:s8+$0xFFFFFE80]  }
0xe4: {  	v1 =	vmul.f32 v10, v13;
	[tilespmem:s0+$0xFFFFFE00] =	vst v7;
	v7 =	vmul.f32 v12, v13;
	v10 =	vld [tilespmem:s8+$0xFFFFFE90]  }
0xe5: {  	[tilespmem:s0+$0xFFFFFE30] =	vst v11;
	v11 =	vmul.f32 v14, v13;
	v12 =	vld [tilespmem:s8+$0xFFFFFEA0]  }
0xe6: {  	[tilespmem:s0+$0xFFFFFE40] =	vst v7;
	v7 =	vmul.f32 v15, v13;
	v13 =	vld [tilespmem:s8+$0xFFFFFEB0]  }
0xe7: {  	[tilespmem:s0+$0xFFFFFE50] =	vst v11;
	v11 =	vld [tilespmem:s8+$0xFFFFFEC0];
	v14 =	vmul.f32 v17, v8  }
0xe8: {  	[tilespmem:s0+$0xFFFFFE60] =	vst v7;
	v7 =	vld [tilespmem:s8+$0xFFFFFED0];
	v6 =	vmul.f32 v6, v8  }
0xe9: {  	[tilespmem:s0+$0xFFFFFE10] =	vst v16;
	v15 =	vld [tilespmem:s8+$0xFFFFFEE0];
	v10 =	vmul.f32 v10, v8  }
0xea: {  	[tilespmem:s0+$0xFFFFFE80] =	vst v6;
	v6 =	vmul.f32 v12, v8;
	v12 =	vld [tilespmem:s8+$0xFFFFFF70]  }
0xeb: {  	[tilespmem:s0+$0xFFFFFE90] =	vst v10;
	v10 =	vmul.f32 v13, v8;
	v13 =	vld [tilespmem:s8+$0xFFFFFF00]  }
0xec: {  	[tilespmem:s0+$0xFFFFFEA0] =	vst v6;
	v6 =	vmul.f32 v11, v8;
	v11 =	vld [tilespmem:s8+$0xFFFFFF10]  }
0xed: {  	[tilespmem:s0+$0xFFFFFEB0] =	vst v10;
	v7 =	vmul.f32 v7, v8;
	v10 =	vmov s13;
	v16 =	vld [tilespmem:s8+$0xFFFFFF20]  }
0xee: {  	[tilespmem:s0+$0xFFFFFEC0] =	vst v6;
	v6 =	vmul.f32 v15, v8;
	v8 =	vperm.xlane v4, v10;
	v10 =	vld [tilespmem:s8+$0xFFFFFF30]  }
0xef: {  	[tilespmem:s0+$0xFFFFFED0] =	vst v7;
	v7 =	vld [tilespmem:s8+$0xFFFFFF40]  }
0xf0: {  	[tilespmem:s0+$0xFFFFFEE0] =	vst v6;
	v6 =	vld [tilespmem:s8+$0xFFFFFF50];
	v13 =	vmul.f32 v13, v8  }
0xf1: {  	[tilespmem:s0+$0xFFFFFEF0] =	vst v14;
	v14 =	vld [tilespmem:s8+$0xFFFFFF60];
	v11 =	vmul.f32 v11, v8  }
0xf2: {  	[tilespmem:s0+$0xFFFFFF00] =	vst v13;
	v13 =	vmul.f32 v16, v8;
	v15 =	vld [tilespmem:s8+$0xFFFFFFF0]  }
0xf3: {  	[tilespmem:s0+$0xFFFFFF10] =	vst v11;
	v10 =	vmul.f32 v10, v8;
	v11 =	vld [tilespmem:s8+$0xFFFFFF80]  }
0xf4: {  	[tilespmem:s0+$0xFFFFFF20] =	vst v13;
	v7 =	vmul.f32 v7, v8;
	v13 =	vld [tilespmem:s8+$0xFFFFFF90]  }
0xf5: {  	[tilespmem:s0+$0xFFFFFF30] =	vst v10;
	v6 =	vmul.f32 v6, v8;
	v10 =	vld [tilespmem:s8+$0xFFFFFFA0]  }
0xf6: {  	v9 =	vperm.xlane v4, v9;
	[tilespmem:s0+$0xFFFFFF40] =	vst v7;
	v7 =	vmul.f32 v14, v8;
	v14 =	vld [tilespmem:s8+$0xFFFFFFB0]  }
0xf7: {  	[tilespmem:s0+$0xFFFFFF50] =	vst v6;
	v6 =	vmul.f32 v12, v8;
	v8 =	vld [tilespmem:s8+$0xFFFFFFD0]  }
0xf8: {  	[tilespmem:s0+$0xFFFFFF60] =	vst v7;
	v7 =	vld [tilespmem:s8+$0xFFFFFFE0];
	v11 =	vmul.f32 v11, v9  }
0xf9: {  	[tilespmem:s0+$0xFFFFFF70] =	vst v6;
	v6 =	vld [tilespmem:s8+$0xFFFFFFC0];
	v12 =	vmul.f32 v13, v9  }
0xfa: {  	[tilespmem:s0+$0xFFFFFF80] =	vst v11;
	v10 =	vmul.f32 v10, v9;
	v11 =	vld [tilespmem:s8+$0x70]  }
0xfb: {  	s13 =	sadd.s32 $0xC, s11;
	[tilespmem:s0+$0xFFFFFF90] =	vst v12;
	v12 =	vmul.f32 v14, v9;
	v13 =	vld [tilespmem:s8+$0x0]  }
0xfc: {  	s13 =	sand.u32 $0xC, s13;
	[tilespmem:s0+$0xFFFFFFA0] =	vst v10;
	v8 =	vmul.f32 v8, v9;
	v10 =	vld [tilespmem:s8+$0x10]  }
0xfd: {  	[tilespmem:s0+$0xFFFFFFB0] =	vst v12;
	v7 =	vmul.f32 v7, v9;
	v12 =	vmov s13;
	v14 =	vld [tilespmem:s8+$0x20]  }
0xfe: {  	v6 =	vmul.f32 v6, v9;
	[tilespmem:s0+$0xFFFFFFD0] =	vst v8;
	v8 =	vperm.xlane v4, v12;
	v12 =	vld [tilespmem:s8+$0x30]  }
0xff: {  	[tilespmem:s0+$0xFFFFFFE0] =	vst v7;
	v7 =	vmul.f32 v15, v9;
	v9 =	vld [tilespmem:s8+$0x40]  }
0x100: {  	[tilespmem:s0+$0xFFFFFFC0] =	vst v6;
	v6 =	vld [tilespmem:s8+$0x50];
	v13 =	vmul.f32 v13, v8  }
0x101: {  	[tilespmem:s0+$0xFFFFFFF0] =	vst v7;
	v7 =	vld [tilespmem:s8+$0x60];
	v10 =	vmul.f32 v10, v8  }
0x102: {  	[tilespmem:s0+$0x0] =	vst v13;
	v13 =	vmul.f32 v14, v8;
	v14 =	vld [tilespmem:s8+$0x90]  }
0x103: {  	s13 =	sadd.s32 $0xD, s11;
	[tilespmem:s0+$0x10] =	vst v10;
	v10 =	vmul.f32 v12, v8;
	v12 =	vld [tilespmem:s8+$0x80]  }
0x104: {  	s13 =	sand.u32 $0xD, s13;
	[tilespmem:s0+$0x20] =	vst v13;
	v9 =	vmul.f32 v9, v8;
	v13 =	vld [tilespmem:s8+$0xA0]  }
0x105: {  	[tilespmem:s0+$0x30] =	vst v10;
	v6 =	vmul.f32 v6, v8;
	v10 =	vmov s13;
	v15 =	vld [tilespmem:s8+$0xB0]  }
0x106: {  	[tilespmem:s0+$0x40] =	vst v9;
	v7 =	vmul.f32 v7, v8;
	v9 =	vperm.xlane v4, v10;
	v10 =	vld [tilespmem:s8+$0xD0]  }
0x107: {  	[tilespmem:s0+$0x50] =	vst v6;
	v6 =	vmul.f32 v11, v8;
	v8 =	vld [tilespmem:s8+$0xF0]  }
0x108: {  	[tilespmem:s0+$0x60] =	vst v7;
	v11 =	vld [tilespmem:s8+$0xE0];
	v7 =	vmul.f32 v12, v9  }
0x109: {  	[tilespmem:s0+$0x70] =	vst v6;
	v6 =	vld [tilespmem:s8+$0xC0];
	v12 =	vmul.f32 v13, v9  }
0x10a: {  	[tilespmem:s0+$0x80] =	vst v7;
	v13 =	vmul.f32 v15, v9;
	v7 =	vld [tilespmem:s8+$0x170]  }
0x10b: {  	s13 =	sadd.s32 $0xE, s11;
	[tilespmem:s0+$0xA0] =	vst v12;
	v10 =	vmul.f32 v10, v9;
	v12 =	vld [tilespmem:s8+$0x100]  }
0x10c: {  	s13 =	sand.u32 $0xE, s13;
	[tilespmem:s0+$0xB0] =	vst v13;
	v8 =	vmul.f32 v8, v9;
	v13 =	vld [tilespmem:s8+$0x110]  }
0x10d: {  	[tilespmem:s0+$0xD0] =	vst v10;
	v10 =	vmul.f32 v11, v9;
	v11 =	vmov s13;
	v15 =	vld [tilespmem:s8+$0x160]  }
0x10e: {  	v6 =	vmul.f32 v6, v9;
	[tilespmem:s0+$0xF0] =	vst v8;
	v8 =	vperm.xlane v4, v11;
	v11 =	vld [tilespmem:s8+$0x120]  }
0x10f: {  	v9 =	vmul.f32 v14, v9;
	[tilespmem:s0+$0xE0] =	vst v10;
	v10 =	vld [tilespmem:s8+$0x130]  }
0x110: {  	[tilespmem:s0+$0xC0] =	vst v6;
	v6 =	vld [tilespmem:s8+$0x140];
	v12 =	vmul.f32 v12, v8  }
0x111: {  	[tilespmem:s0+$0x90] =	vst v9;
	v14 =	vld [tilespmem:s8+$0x150];
	v13 =	vmul.f32 v13, v8  }
0x112: {  	s11 =	sadd.s32 $0xF, s11;
	[tilespmem:s0+$0x100] =	vst v12;
	v12 =	vmul.f32 v15, v8;
	v15 =	vld [tilespmem:s8+$0x190]  }
0x113: {  	[tilespmem:s0+$0xFFFFFE70] =	vst v5;
	v9 =	vmul.f32 v11, v8;
	v5 =	vmov s11;
	v11 =	vld [tilespmem:s8+$0x180]  }
0x114: {  	v10 =	vmul.f32 v10, v8;
	[tilespmem:s0+$0x160] =	vst v12;
	v5 =	vperm.xlane v4, v5;
	v12 =	vld [tilespmem:s8+$0x1A0]  }
0x115: {  	[tilespmem:s0+$0x110] =	vst v13;
	v6 =	vmul.f32 v6, v8;
	v13 =	vld [tilespmem:s8+$0x1B0]  }
0x116: {  	[tilespmem:s0+$0x130] =	vst v10;
	v4 =	vmul.f32 v14, v8;
	v10 =	vld [tilespmem:s8+$0x1F0];
	v2 =	vmul.f32 v2, v5  }
0x117: {  	v3 =	vmul.f32 v3, v5;
	[tilespmem:s0+$0x140] =	vst v6;
	v6 =	vld [tilespmem:s8+$0x1D0];
	v14 =	vmul.f32 v15, v5  }
0x118: {  	v11 =	vmul.f32 v11, v5;
	[tilespmem:s0+$0x1C0] =	vst v2  }
.Ltmp2:
0x119: {  	[tilespmem:s0+$0x190] =	vst v14;
	v2 =	vmul.f32 v12, v5;
	(pc) =	sbr.rel @p0 .LBB2_7-.Ltmp2, $4  }
0x11a: {  	[tilespmem:s0+$0x180] =	vst v11;
	v11 =	vmul.f32 v13, v5  }
0x11b: {  	[tilespmem:s0+$0x1A0] =	vst v2;
	v10 =	vmul.f32 v10, v5  }
0x11c: {  	[tilespmem:s0+$0x1E0] =	vst v3  }
0x11d: {  	s8 =	sadd.s32 $0x400, s8;
	s0 =	sadd.s32 $0x400, s0;
	[tilespmem:s4+$0x1B0] =	vst v11  }
0x11e: {  	[tilespmem:s4+$0x120] =	vst v9  }
0x11f: {  	[tilespmem:s4+$0x150] =	vst v4  }
0x120: {  	v2 =	vmul.f32 v7, v8;
	[tilespmem:s4+$0x1F0] =	vst v10  }
0x121: {  	v3 =	vmul.f32 v6, v5;
	[tilespmem:s4+$0xFFFFFE20] =	vst v1  }
0x122: {  	[tilespmem:s4+$0x170] =	vst v2  }
0x123: {  	s0 =	simm.s32 $0x100;
	[tilespmem:s4+$0x1D0] =	vst v3  }
0x124: {  	[tilespmem:s7], [sflag:$0x1] =	stream.indirect.gather [hbm4b:s5+s3], $0x80, s0, s3, $0xb8;
	v63 =	vld [tilespmem:$0x0]  }
0x125: {  	_ = 	snop  }
0x126: {  	[spmem:s2] =	stream.indirect.scatter.add.f32 [tilespmem:s28], [sflag:$0x3], $0x80, s31, s3, $0xb8;
	v63 =	vld [tilespmem:$0x0]  }
0x127: {  	_ =	swait.ge [sflag:s12], $0x2800  }
0x128: {  	[sflag:s12] =	ssyncset.done $0x0  }
0x129: {  	s0 =	simm.s32 $0x4A00;
	[sflag:s12] =	ssyncadd.s32 $0xFFFFD800  }
0x12a: {  	v3 =	vld [tilespmem:s0+$0x1C0]  }
0x12b: {  	s1 =	simm.s32 $0x0;
	v7 =	vld [tilespmem:s0+$0xFFFFFE00]  }
0x12c: {  	s30 =	sand.u32 $0x70, s1;
	v6 =	vld [tilespmem:s0+$0xFFFFFE70]  }
0x12d: {  	v5 =	vld [tilespmem:s30+$0x1880]  }
0x12e: {  	v8 =	vld [tilespmem:s0+$0xFFFFFE10]  }
0x12f: {  	v2 =	vld [tilespmem:s0+$0xFFFFFE20]  }
0x130: {  	s8 =	sand.u32 $0x8, s1;
	v9 =	vld [tilespmem:s0+$0xFFFFFE30]  }
0x131: {  	v4 =	vmov s8;
	v10 =	vld [tilespmem:s0+$0xFFFFFE40]  }
0x132: {  	v11 =	vld [tilespmem:s0+$0xFFFFFE50];
	v4 =	vperm.xlane v5, v4  }
0x133: {  	v12 =	vld [tilespmem:s0+$0xFFFFFE60]  }
0x134: {  	v13 =	vld [tilespmem:s0+$0xFFFFFEF0];
	v7 =	vmul.f32 v7, v4  }
0x135: {  	s4 =	simm.s32 $0x9A00;
	v14 =	vld [tilespmem:s0+$0xFFFFFE80];
	v8 =	vmul.f32 v8, v4  }
0x136: {  	s8 =	simm.s32 $0x1;
	v9 =	vmul.f32 v9, v4;
	[tilespmem:s4+$0xFFFFFE00] =	vst v7;
	v7 =	vmul.f32 v10, v4;
	v10 =	vld [tilespmem:s0+$0xFFFFFE90]  }
0x137: {  	s8 =	sand.u32 $0x9, s8;
	[tilespmem:s4+$0xFFFFFE10] =	vst v8;
	v8 =	vld [tilespmem:s0+$0xFFFFFEE0]  }
0x138: {  	v15 =	vmov s8;
	v25 =	vld [tilespmem:s0+$0xFFFFFEB0];
	[tilespmem:s4+$0xFFFFFE30] =	vst v9;
	v9 =	vmul.f32 v11, v4  }
0x139: {  	v26 =	vld [tilespmem:s0+$0xFFFFFF70];
	v15 =	vperm.xlane v5, v15;
	[tilespmem:s4+$0xFFFFFE40] =	vst v7;
	v7 =	vmul.f32 v12, v4  }
0x13a: {  	v6 =	vmul.f32 v6, v4;
	[tilespmem:s4+$0xFFFFFE50] =	vst v9;
	v9 =	vld [tilespmem:s0+$0xFFFFFEC0]  }
0x13b: {  	[tilespmem:s4+$0xFFFFFE60] =	vst v7;
	v7 =	vld [tilespmem:s0+$0xFFFFFED0];
	v10 =	vmul.f32 v10, v15  }
0x13c: {  	v11 =	vld [tilespmem:s0+$0xFFFFFEA0];
	[tilespmem:s4+$0xFFFFFE70] =	vst v6;
	v8 =	vmul.f32 v8, v15  }
0x13d: {  	v27 =	vld [tilespmem:s0+$0xFFFFFF00];
	v14 =	vmul.f32 v14, v15;
	[tilespmem:s4+$0xFFFFFE90] =	vst v10  }
0x13e: {  	s11 =	simm.s32 $0x2;
	v10 =	vmul.f32 v25, v15;
	[tilespmem:s4+$0xFFFFFEE0] =	vst v8;
	v8 =	vld [tilespmem:s0+$0xFFFFFF50]  }
0x13f: {  	s8 =	sand.u32 $0xA, s11;
	v16 =	vld [tilespmem:s0+$0xFFFFFF20];
	[tilespmem:s4+$0xFFFFFE80] =	vst v14;
	v9 =	vmul.f32 v9, v15  }
0x140: {  	v28 =	vld [tilespmem:s0+$0xFFFFFF60];
	[tilespmem:s4+$0xFFFFFEB0] =	vst v10;
	v7 =	vmul.f32 v7, v15;
	v10 =	vmov s8  }
0x141: {  	v11 =	vmul.f32 v11, v15;
	[tilespmem:s4+$0xFFFFFEC0] =	vst v9;
	v9 =	vperm.xlane v5, v10;
	v10 =	vld [tilespmem:s0+$0xFFFFFF30]  }
0x142: {  	v13 =	vmul.f32 v13, v15;
	[tilespmem:s4+$0xFFFFFED0] =	vst v7;
	v7 =	vld [tilespmem:s0+$0xFFFFFF40]  }
0x143: {  	[tilespmem:s4+$0xFFFFFEA0] =	vst v11;
	v11 =	vld [tilespmem:s0+$0xFFFFFF10];
	v8 =	vmul.f32 v8, v9  }
0x144: {  	v30 =	vld [tilespmem:s0+$0xFFFFFFF0];
	[tilespmem:s4+$0xFFFFFEF0] =	vst v13;
	v12 =	vmul.f32 v27, v9  }
0x145: {  	v31 =	vld [tilespmem:s0+$0xFFFFFF90];
	[tilespmem:s4+$0xFFFFFF50] =	vst v8;
	v8 =	vmul.f32 v26, v9  }
0x146: {  	s13 =	simm.s32 $0x3;
	v34 =	vld [tilespmem:s0+$0xFFFFFFB0];
	[tilespmem:s4+$0xFFFFFF00] =	vst v12;
	v10 =	vmul.f32 v10, v9  }
0x147: {  	v36 =	vld [tilespmem:s0+$0x0];
	s8 =	sand.u32 $0xB, s13;
	v7 =	vmul.f32 v7, v9;
	[tilespmem:s4+$0xFFFFFF70] =	vst v8  }
0x148: {  	v32 =	vmov s8;
	v11 =	vmul.f32 v11, v9;
	[tilespmem:s4+$0xFFFFFF30] =	vst v10;
	v10 =	vld [tilespmem:s0+$0xFFFFFFA0]  }
0x149: {  	v33 =	vperm.xlane v5, v32;
	v8 =	vld [tilespmem:s0+$0xFFFFFFC0];
	[tilespmem:s4+$0xFFFFFF40] =	vst v7;
	v7 =	vmul.f32 v28, v9  }
0x14a: {  	v29 =	vmul.f32 v16, v9;
	[tilespmem:s4+$0xFFFFFF10] =	vst v11;
	v9 =	vld [tilespmem:s0+$0xFFFFFFD0]  }
0x14b: {  	v12 =	vmul.f32 v31, v33;
	[tilespmem:s4+$0xFFFFFF60] =	vst v7;
	v7 =	vld [tilespmem:s0+$0xFFFFFFE0]  }
0x14c: {  	v35 =	vmul.f32 v34, v33;
	v11 =	vld [tilespmem:s0+$0xFFFFFF80];
	[tilespmem:s4+$0xFFFFFF20] =	vst v29  }
0x14d: {  	v38 =	vld [tilespmem:s0+$0x20];
	[tilespmem:s4+$0xFFFFFF90] =	vst v12;
	v10 =	vmul.f32 v10, v33  }
0x14e: {  	s14 =	simm.s32 $0x4;
	v39 =	vld [tilespmem:s0+$0x30];
	[tilespmem:s4+$0xFFFFFFB0] =	vst v35;
	v8 =	vmul.f32 v8, v33  }
0x14f: {  	s8 =	sand.u32 $0xC, s14;
	v9 =	vmul.f32 v9, v33;
	[tilespmem:s4+$0xFFFFFFA0] =	vst v10;
	v10 =	vld [tilespmem:s0+$0x10]  }
0x150: {  	v37 =	vmov s8;
	[tilespmem:s4+$0xFFFFFFC0] =	vst v8;
	v8 =	vld [tilespmem:s0+$0x50];
	v7 =	vmul.f32 v7, v33  }
0x151: {  	v40 =	vld [tilespmem:s0+$0x40];
	v11 =	vmul.f32 v11, v33;
	[tilespmem:s4+$0xFFFFFFD0] =	vst v9;
	v9 =	vperm.xlane v5, v37  }
0x152: {  	v42 =	vld [tilespmem:s0+$0x90];
	[tilespmem:s4+$0xFFFFFFE0] =	vst v7;
	v7 =	vmul.f32 v30, v33  }
0x153: {  	[tilespmem:s4+$0xFFFFFF80] =	vst v11;
	v11 =	vld [tilespmem:s0+$0x70];
	v14 =	vmul.f32 v36, v9  }
0x154: {  	[tilespmem:s4+$0xFFFFFFF0] =	vst v7;
	v7 =	vld [tilespmem:s0+$0x60];
	v10 =	vmul.f32 v10, v9  }
0x155: {  	v43 =	vld [tilespmem:s0+$0x80];
	v8 =	vmul.f32 v8, v9;
	[tilespmem:s4+$0x0] =	vst v14  }
0x156: {  	s22 =	simm.s32 $0x5;
	v44 =	vld [tilespmem:s0+$0xA0];
	[tilespmem:s4+$0x10] =	vst v10;
	v10 =	vmul.f32 v39, v9  }
0x157: {  	v45 =	vld [tilespmem:s0+$0xB0];
	s8 =	sand.u32 $0xD, s22;
	v41 =	vmul.f32 v38, v9;
	[tilespmem:s4+$0x50] =	vst v8  }
0x158: {  	v46 =	vld [tilespmem:s0+$0xD0];
	v8 =	vmul.f32 v11, v9;
	[tilespmem:s4+$0x30] =	vst v10;
	v10 =	vmov s8  }
0x159: {  	v50 =	vld [tilespmem:s0+$0x100];
	[tilespmem:s4+$0x20] =	vst v41;
	v7 =	vmul.f32 v7, v9;
	v10 =	vperm.xlane v5, v10  }
0x15a: {  	v13 =	vmul.f32 v40, v9;
	v11 =	vld [tilespmem:s0+$0xE0];
	[tilespmem:s4+$0x70] =	vst v8  }
0x15b: {  	v8 =	vld [tilespmem:s0+$0xC0];
	[tilespmem:s4+$0x60] =	vst v7;
	v7 =	vmul.f32 v43, v10  }
0x15c: {  	[tilespmem:s4+$0x40] =	vst v13;
	v9 =	vld [tilespmem:s0+$0xF0];
	v47 =	vmul.f32 v44, v10  }
0x15d: {  	v51 =	vld [tilespmem:s0+$0x110];
	v48 =	vmul.f32 v45, v10;
	[tilespmem:s4+$0x80] =	vst v7  }
0x15e: {  	s25 =	simm.s32 $0x6;
	v53 =	vld [tilespmem:s0+$0x160];
	v49 =	vmul.f32 v46, v10;
	[tilespmem:s4+$0xA0] =	vst v47  }
0x15f: {  	v54 =	vld [tilespmem:s0+$0x140];
	s8 =	sand.u32 $0xE, s25;
	v11 =	vmul.f32 v11, v10;
	[tilespmem:s4+$0xB0] =	vst v48  }
0x160: {  	v56 =	vld [tilespmem:s0+$0x190];
	v52 =	vmov s8;
	v17 =	vmul.f32 v8, v10;
	[tilespmem:s4+$0xD0] =	vst v49  }
0x161: {  	v57 =	vld [tilespmem:s0+$0x180];
	v8 =	vperm.xlane v5, v52;
	[tilespmem:s4+$0xE0] =	vst v11;
	v9 =	vmul.f32 v9, v10  }
0x162: {  	v11 =	vld [tilespmem:s0+$0x130];
	v10 =	vmul.f32 v42, v10;
	[tilespmem:s4+$0xC0] =	vst v17  }
0x163: {  	v7 =	vld [tilespmem:s0+$0x170];
	v13 =	vmul.f32 v50, v8;
	[tilespmem:s4+$0xF0] =	vst v9  }
0x164: {  	s30 =	simm.s32 $0x7;
	v55 =	vmul.f32 v53, v8;
	v9 =	vld [tilespmem:s0+$0x120];
	[tilespmem:s4+$0x90] =	vst v10  }
0x165: {  	v6 =	vmov s30;
	v14 =	vmul.f32 v51, v8;
	v10 =	vld [tilespmem:s0+$0x150];
	[tilespmem:s4+$0x100] =	vst v13  }
0x166: {  	v1 =	vld [tilespmem:s0+$0x1E0];
	v5 =	vperm.xlane v5, v6;
	v6 =	vmul.f32 v54, v8;
	[tilespmem:s4+$0x160] =	vst v55  }
0x167: {  	v59 =	vld [tilespmem:s0+$0x1B0];
	[tilespmem:s4+$0x110] =	vst v14;
	v11 =	vmul.f32 v11, v8  }
0x168: {  	v58 =	vld [tilespmem:s0+$0x1A0];
	v3 =	vmul.f32 v3, v5;
	[tilespmem:s4+$0x140] =	vst v6  }
0x169: {  	v60 =	vmul.f32 v56, v5;
	v6 =	vld [tilespmem:s0+$0x1D0];
	[tilespmem:s4+$0x130] =	vst v11  }
0x16a: {  	v61 =	vmul.f32 v57, v5;
	v11 =	vld [tilespmem:s0+$0x1F0];
	[tilespmem:s4+$0x1C0] =	vst v3  }
0x16b: {  	v62 =	vmul.f32 v1, v5;
	[tilespmem:s4+$0x190] =	vst v60  }
0x16c: {  	v12 =	vmul.f32 v59, v5;
	[tilespmem:s4+$0x180] =	vst v61  }
0x16d: {  	v3 =	vmul.f32 v58, v5;
	[tilespmem:s4+$0x1E0] =	vst v62  }
0x16e: {  	v1 =	vmul.f32 v2, v4;
	[tilespmem:s4+$0x1B0] =	vst v12;
	v9 =	vmul.f32 v9, v8  }
0x16f: {  	s8 =	simm.s32 $0x4E00;
	s0 =	simm.s32 $0x9E00;
	v4 =	vmul.f32 v10, v8;
	[tilespmem:s4+$0x1A0] =	vst v3;
	v10 =	vmul.f32 v11, v5  }
.LBB2_9:
0x170: {  	s13 =	sadd.s32 $0x9, s1  }
0x171: {  	s22 =	sadd.s32 $0xB, s1;
	v2 =	vld [tilespmem:s8+$0x1C0];
	[tilespmem:s4+$0x120] =	vst v9;
	s11 =	smov.u32 s1;
	s1 =	sadd.s32 $0x8, s1  }
0x172: {  	s25 =	sand.u32 $0x70, s1;
	s30 =	sand.u32 $0x8, s1;
	s13 =	sand.u32 $0x9, s13;
	v3 =	vld [tilespmem:s8+$0x1E0];
	[tilespmem:s4+$0x150] =	vst v4;
	v4 =	vmul.f32 v7, v8  }
0x173: {  	v5 =	vmul.f32 v6, v5;
	s22 =	sand.u32 $0xB, s22;
	p0 =	slt.u32 s1, $0x48;
	v7 =	vld [tilespmem:s8+$0xFFFFFE00];
	v8 =	vmov s13;
	s13 =	sadd.s32 $0xA, s11;
	[tilespmem:s4+$0x1F0] =	vst v10  }
0x174: {  	v9 =	vmov s22;
	v6 =	vld [tilespmem:s8+$0xFFFFFE70];
	s13 =	sand.u32 $0xA, s13;
	[tilespmem:s4+$0x170] =	vst v4  }
0x175: {  	v4 =	vld [tilespmem:s25+$0x1880];
	[tilespmem:s4+$0xFFFFFE20] =	vst v1  }
0x176: {  	v1 =	vld [tilespmem:s8+$0xFFFFFE10];
	[tilespmem:s4+$0x1D0] =	vst v5;
	s4 =	smov.u32 s0  }
0x177: {  	v5 =	vmov s30;
	v10 =	vld [tilespmem:s8+$0xFFFFFE20]  }
0x178: {  	v11 =	vld [tilespmem:s8+$0xFFFFFE30]  }
0x179: {  	v12 =	vld [tilespmem:s8+$0xFFFFFE40]  }
0x17a: {  	v13 =	vperm.xlane v4, v5;
	v14 =	vld [tilespmem:s8+$0xFFFFFE50];
	v8 =	vperm.xlane v4, v8  }
0x17b: {  	v15 =	vld [tilespmem:s8+$0xFFFFFE60]  }
0x17c: {  	v7 =	vmul.f32 v7, v13;
	v16 =	vmul.f32 v1, v13;
	v17 =	vld [tilespmem:s8+$0xFFFFFEF0]  }
0x17d: {  	v5 =	vmul.f32 v6, v13;
	v11 =	vmul.f32 v11, v13;
	v6 =	vld [tilespmem:s8+$0xFFFFFE80]  }
0x17e: {  	v1 =	vmul.f32 v10, v13;
	[tilespmem:s0+$0xFFFFFE00] =	vst v7;
	v7 =	vmul.f32 v12, v13;
	v10 =	vld [tilespmem:s8+$0xFFFFFE90]  }
0x17f: {  	[tilespmem:s0+$0xFFFFFE30] =	vst v11;
	v11 =	vmul.f32 v14, v13;
	v12 =	vld [tilespmem:s8+$0xFFFFFEA0]  }
0x180: {  	[tilespmem:s0+$0xFFFFFE40] =	vst v7;
	v7 =	vmul.f32 v15, v13;
	v13 =	vld [tilespmem:s8+$0xFFFFFEB0]  }
0x181: {  	[tilespmem:s0+$0xFFFFFE50] =	vst v11;
	v11 =	vld [tilespmem:s8+$0xFFFFFEC0];
	v14 =	vmul.f32 v17, v8  }
0x182: {  	[tilespmem:s0+$0xFFFFFE60] =	vst v7;
	v7 =	vld [tilespmem:s8+$0xFFFFFED0];
	v6 =	vmul.f32 v6, v8  }
0x183: {  	[tilespmem:s0+$0xFFFFFE10] =	vst v16;
	v15 =	vld [tilespmem:s8+$0xFFFFFEE0];
	v10 =	vmul.f32 v10, v8  }
0x184: {  	[tilespmem:s0+$0xFFFFFE80] =	vst v6;
	v6 =	vmul.f32 v12, v8;
	v12 =	vld [tilespmem:s8+$0xFFFFFF70]  }
0x185: {  	[tilespmem:s0+$0xFFFFFE90] =	vst v10;
	v10 =	vmul.f32 v13, v8;
	v13 =	vld [tilespmem:s8+$0xFFFFFF00]  }
0x186: {  	[tilespmem:s0+$0xFFFFFEA0] =	vst v6;
	v6 =	vmul.f32 v11, v8;
	v11 =	vld [tilespmem:s8+$0xFFFFFF10]  }
0x187: {  	[tilespmem:s0+$0xFFFFFEB0] =	vst v10;
	v7 =	vmul.f32 v7, v8;
	v10 =	vmov s13;
	v16 =	vld [tilespmem:s8+$0xFFFFFF20]  }
0x188: {  	[tilespmem:s0+$0xFFFFFEC0] =	vst v6;
	v6 =	vmul.f32 v15, v8;
	v8 =	vperm.xlane v4, v10;
	v10 =	vld [tilespmem:s8+$0xFFFFFF30]  }
0x189: {  	[tilespmem:s0+$0xFFFFFED0] =	vst v7;
	v7 =	vld [tilespmem:s8+$0xFFFFFF40]  }
0x18a: {  	[tilespmem:s0+$0xFFFFFEE0] =	vst v6;
	v6 =	vld [tilespmem:s8+$0xFFFFFF50];
	v13 =	vmul.f32 v13, v8  }
0x18b: {  	[tilespmem:s0+$0xFFFFFEF0] =	vst v14;
	v14 =	vld [tilespmem:s8+$0xFFFFFF60];
	v11 =	vmul.f32 v11, v8  }
0x18c: {  	[tilespmem:s0+$0xFFFFFF00] =	vst v13;
	v13 =	vmul.f32 v16, v8;
	v15 =	vld [tilespmem:s8+$0xFFFFFFF0]  }
0x18d: {  	[tilespmem:s0+$0xFFFFFF10] =	vst v11;
	v10 =	vmul.f32 v10, v8;
	v11 =	vld [tilespmem:s8+$0xFFFFFF80]  }
0x18e: {  	[tilespmem:s0+$0xFFFFFF20] =	vst v13;
	v7 =	vmul.f32 v7, v8;
	v13 =	vld [tilespmem:s8+$0xFFFFFF90]  }
0x18f: {  	[tilespmem:s0+$0xFFFFFF30] =	vst v10;
	v6 =	vmul.f32 v6, v8;
	v10 =	vld [tilespmem:s8+$0xFFFFFFA0]  }
0x190: {  	v9 =	vperm.xlane v4, v9;
	[tilespmem:s0+$0xFFFFFF40] =	vst v7;
	v7 =	vmul.f32 v14, v8;
	v14 =	vld [tilespmem:s8+$0xFFFFFFB0]  }
0x191: {  	[tilespmem:s0+$0xFFFFFF50] =	vst v6;
	v6 =	vmul.f32 v12, v8;
	v8 =	vld [tilespmem:s8+$0xFFFFFFD0]  }
0x192: {  	[tilespmem:s0+$0xFFFFFF60] =	vst v7;
	v7 =	vld [tilespmem:s8+$0xFFFFFFE0];
	v11 =	vmul.f32 v11, v9  }
0x193: {  	[tilespmem:s0+$0xFFFFFF70] =	vst v6;
	v6 =	vld [tilespmem:s8+$0xFFFFFFC0];
	v12 =	vmul.f32 v13, v9  }
0x194: {  	[tilespmem:s0+$0xFFFFFF80] =	vst v11;
	v10 =	vmul.f32 v10, v9;
	v11 =	vld [tilespmem:s8+$0x70]  }
0x195: {  	s13 =	sadd.s32 $0xC, s11;
	[tilespmem:s0+$0xFFFFFF90] =	vst v12;
	v12 =	vmul.f32 v14, v9;
	v13 =	vld [tilespmem:s8+$0x0]  }
0x196: {  	s13 =	sand.u32 $0xC, s13;
	[tilespmem:s0+$0xFFFFFFA0] =	vst v10;
	v8 =	vmul.f32 v8, v9;
	v10 =	vld [tilespmem:s8+$0x10]  }
0x197: {  	[tilespmem:s0+$0xFFFFFFB0] =	vst v12;
	v7 =	vmul.f32 v7, v9;
	v12 =	vmov s13;
	v14 =	vld [tilespmem:s8+$0x20]  }
0x198: {  	v6 =	vmul.f32 v6, v9;
	[tilespmem:s0+$0xFFFFFFD0] =	vst v8;
	v8 =	vperm.xlane v4, v12;
	v12 =	vld [tilespmem:s8+$0x30]  }
0x199: {  	[tilespmem:s0+$0xFFFFFFE0] =	vst v7;
	v7 =	vmul.f32 v15, v9;
	v9 =	vld [tilespmem:s8+$0x40]  }
0x19a: {  	[tilespmem:s0+$0xFFFFFFC0] =	vst v6;
	v6 =	vld [tilespmem:s8+$0x50];
	v13 =	vmul.f32 v13, v8  }
0x19b: {  	[tilespmem:s0+$0xFFFFFFF0] =	vst v7;
	v7 =	vld [tilespmem:s8+$0x60];
	v10 =	vmul.f32 v10, v8  }
0x19c: {  	[tilespmem:s0+$0x0] =	vst v13;
	v13 =	vmul.f32 v14, v8;
	v14 =	vld [tilespmem:s8+$0x90]  }
0x19d: {  	s13 =	sadd.s32 $0xD, s11;
	[tilespmem:s0+$0x10] =	vst v10;
	v10 =	vmul.f32 v12, v8;
	v12 =	vld [tilespmem:s8+$0x80]  }
0x19e: {  	s13 =	sand.u32 $0xD, s13;
	[tilespmem:s0+$0x20] =	vst v13;
	v9 =	vmul.f32 v9, v8;
	v13 =	vld [tilespmem:s8+$0xA0]  }
0x19f: {  	[tilespmem:s0+$0x30] =	vst v10;
	v6 =	vmul.f32 v6, v8;
	v10 =	vmov s13;
	v15 =	vld [tilespmem:s8+$0xB0]  }
0x1a0: {  	[tilespmem:s0+$0x40] =	vst v9;
	v7 =	vmul.f32 v7, v8;
	v9 =	vperm.xlane v4, v10;
	v10 =	vld [tilespmem:s8+$0xD0]  }
0x1a1: {  	[tilespmem:s0+$0x50] =	vst v6;
	v6 =	vmul.f32 v11, v8;
	v8 =	vld [tilespmem:s8+$0xF0]  }
0x1a2: {  	[tilespmem:s0+$0x60] =	vst v7;
	v11 =	vld [tilespmem:s8+$0xE0];
	v7 =	vmul.f32 v12, v9  }
0x1a3: {  	[tilespmem:s0+$0x70] =	vst v6;
	v6 =	vld [tilespmem:s8+$0xC0];
	v12 =	vmul.f32 v13, v9  }
0x1a4: {  	[tilespmem:s0+$0x80] =	vst v7;
	v13 =	vmul.f32 v15, v9;
	v7 =	vld [tilespmem:s8+$0x170]  }
0x1a5: {  	s13 =	sadd.s32 $0xE, s11;
	[tilespmem:s0+$0xA0] =	vst v12;
	v10 =	vmul.f32 v10, v9;
	v12 =	vld [tilespmem:s8+$0x100]  }
0x1a6: {  	s13 =	sand.u32 $0xE, s13;
	[tilespmem:s0+$0xB0] =	vst v13;
	v8 =	vmul.f32 v8, v9;
	v13 =	vld [tilespmem:s8+$0x110]  }
0x1a7: {  	[tilespmem:s0+$0xD0] =	vst v10;
	v10 =	vmul.f32 v11, v9;
	v11 =	vmov s13;
	v15 =	vld [tilespmem:s8+$0x160]  }
0x1a8: {  	v6 =	vmul.f32 v6, v9;
	[tilespmem:s0+$0xF0] =	vst v8;
	v8 =	vperm.xlane v4, v11;
	v11 =	vld [tilespmem:s8+$0x120]  }
0x1a9: {  	v9 =	vmul.f32 v14, v9;
	[tilespmem:s0+$0xE0] =	vst v10;
	v10 =	vld [tilespmem:s8+$0x130]  }
0x1aa: {  	[tilespmem:s0+$0xC0] =	vst v6;
	v6 =	vld [tilespmem:s8+$0x140];
	v12 =	vmul.f32 v12, v8  }
0x1ab: {  	[tilespmem:s0+$0x90] =	vst v9;
	v14 =	vld [tilespmem:s8+$0x150];
	v13 =	vmul.f32 v13, v8  }
0x1ac: {  	s11 =	sadd.s32 $0xF, s11;
	[tilespmem:s0+$0x100] =	vst v12;
	v12 =	vmul.f32 v15, v8;
	v15 =	vld [tilespmem:s8+$0x190]  }
0x1ad: {  	[tilespmem:s0+$0xFFFFFE70] =	vst v5;
	v9 =	vmul.f32 v11, v8;
	v5 =	vmov s11;
	v11 =	vld [tilespmem:s8+$0x180]  }
0x1ae: {  	v10 =	vmul.f32 v10, v8;
	[tilespmem:s0+$0x160] =	vst v12;
	v5 =	vperm.xlane v4, v5;
	v12 =	vld [tilespmem:s8+$0x1A0]  }
0x1af: {  	[tilespmem:s0+$0x110] =	vst v13;
	v6 =	vmul.f32 v6, v8;
	v13 =	vld [tilespmem:s8+$0x1B0]  }
0x1b0: {  	[tilespmem:s0+$0x130] =	vst v10;
	v4 =	vmul.f32 v14, v8;
	v10 =	vld [tilespmem:s8+$0x1F0];
	v2 =	vmul.f32 v2, v5  }
0x1b1: {  	v3 =	vmul.f32 v3, v5;
	[tilespmem:s0+$0x140] =	vst v6;
	v6 =	vld [tilespmem:s8+$0x1D0];
	v14 =	vmul.f32 v15, v5  }
0x1b2: {  	v11 =	vmul.f32 v11, v5;
	[tilespmem:s0+$0x1C0] =	vst v2  }
.Ltmp3:
0x1b3: {  	[tilespmem:s0+$0x190] =	vst v14;
	v2 =	vmul.f32 v12, v5;
	(pc) =	sbr.rel @p0 .LBB2_9-.Ltmp3, $4  }
0x1b4: {  	[tilespmem:s0+$0x180] =	vst v11;
	v11 =	vmul.f32 v13, v5  }
0x1b5: {  	[tilespmem:s0+$0x1A0] =	vst v2;
	v10 =	vmul.f32 v10, v5  }
0x1b6: {  	[tilespmem:s0+$0x1E0] =	vst v3  }
0x1b7: {  	s8 =	sadd.s32 $0x400, s8;
	s0 =	sadd.s32 $0x400, s0;
	[tilespmem:s4+$0x1B0] =	vst v11  }
0x1b8: {  	[tilespmem:s4+$0x120] =	vst v9  }
0x1b9: {  	[tilespmem:s4+$0x150] =	vst v4  }
0x1ba: {  	v2 =	vmul.f32 v7, v8;
	[tilespmem:s4+$0x1F0] =	vst v10  }
0x1bb: {  	v3 =	vmul.f32 v6, v5;
	[tilespmem:s4+$0xFFFFFE20] =	vst v1  }
0x1bc: {  	[tilespmem:s4+$0x170] =	vst v2  }
0x1bd: {  	s0 =	simm.s32 $0x180;
	[tilespmem:s4+$0x1D0] =	vst v3  }
0x1be: {  	[tilespmem:s9], [sflag:$0x2] =	stream.indirect.gather [hbm4b:s5+s3], $0x80, s0, s3, $0xb8;
	v63 =	vld [tilespmem:$0x0]  }
0x1bf: {  	s30 =	simm.s32 $0x1080;
	s25 =	simm.s32 $0x1  }
0x1c0: {  	[spmem:s2] =	stream.indirect.scatter.add.f32 [tilespmem:s26], [sflag:$0x4], $0x80, s30, s3, $0xb8;
	v63 =	vld [tilespmem:$0x0]  }
.LBB2_11:
0x1c1: {  	_ =	swait.ge [sflag:s10], $0x2800  }
0x1c2: {  	[sflag:s10] =	ssyncset.done $0x0  }
0x1c3: {  	[sflag:s10] =	ssyncadd.s32 $0xFFFFD800  }
0x1c4: {  	s1 =	sshll.u32 s25, $0xA;
	_ =	swait.ge [sflag:s18], $0x2800  }
0x1c5: {  	s22 =	sshrl.u32 s1, $0x2;
	[sflag:s18] =	ssyncset.done $0x0  }
0x1c6: {  	s4 =	simm.s32 $0x2200;
	s0 =	sadd.s32 $0x1800, s22;
	[sflag:s18] =	ssyncadd.s32 $0xFFFFD800  }
0x1c7: {  	v1 =	vmov s0;
	v3 =	vld [tilespmem:s4+$0x1F0]  }
0x1c8: {  	v4 =	vld [tilespmem:s4+$0x1E0]  }
0x1c9: {  	v5 =	vld [tilespmem:s4+$0x1D0]  }
0x1ca: {  	s30 =	simm.s32 $0x0;
	v6 =	vld [tilespmem:s4+$0x1C0]  }
0x1cb: {  	s14 =	sand.u32 $0x70, s30;
	v7 =	vld [tilespmem:s4+$0x1B0]  }
0x1cc: {  	v2 =	vld.idx.msk [tilespmem:v1+s14+$0x0 ss:$0x1], $0xffff  }
0x1cd: {  	v8 =	vld [tilespmem:s4+$0x1A0]  }
0x1ce: {  	v9 =	vld [tilespmem:s4+$0x180]  }
0x1cf: {  	s8 =	simm.s32 $0x7;
	v10 =	vld [tilespmem:s4+$0x190]  }
0x1d0: {  	v12 =	vmov s8;
	v11 =	vld [tilespmem:s4+$0x170]  }
0x1d1: {  	v13 =	vld [tilespmem:s4+$0x160];
	v12 =	vperm.xlane v2, v12  }
0x1d2: {  	v14 =	vld [tilespmem:s4+$0x150]  }
0x1d3: {  	v15 =	vld [tilespmem:s4+$0x140];
	v9 =	vmul.f32 v9, v12  }
0x1d4: {  	s0 =	simm.s32 $0x7200;
	v16 =	vld [tilespmem:s4+$0x130];
	v7 =	vmul.f32 v7, v12  }
0x1d5: {  	v17 =	vld [tilespmem:s4+$0x120];
	v6 =	vmul.f32 v6, v12;
	[tilespmem:s0+$0x180] =	vst v9  }
0x1d6: {  	s8 =	simm.s32 $0x6;
	v18 =	vld [tilespmem:s4+$0x100];
	v4 =	vmul.f32 v4, v12;
	[tilespmem:s0+$0x1B0] =	vst v7  }
0x1d7: {  	s8 =	sand.u32 $0xE, s8;
	v30 =	vld [tilespmem:s4+$0xD0];
	v8 =	vmul.f32 v8, v12;
	[tilespmem:s0+$0x1C0] =	vst v6  }
0x1d8: {  	v31 =	vld [tilespmem:s4+$0xB0];
	v3 =	vmul.f32 v3, v12;
	v7 =	vmul.f32 v10, v12;
	v10 =	vmov s8;
	[tilespmem:s0+$0x1E0] =	vst v4  }
0x1d9: {  	s11 =	simm.s32 $0x5;
	v33 =	vld [tilespmem:s4+$0x90];
	[tilespmem:s0+$0x1A0] =	vst v8;
	v6 =	vperm.xlane v2, v10  }
0x1da: {  	v34 =	vld [tilespmem:s4+$0x80];
	v4 =	vmul.f32 v5, v12;
	s8 =	sand.u32 $0xD, s11;
	[tilespmem:s0+$0x1F0] =	vst v3  }
0x1db: {  	v32 =	vld [tilespmem:s4+$0xA0];
	v19 =	vmov s8;
	[tilespmem:s0+$0x190] =	vst v7;
	v7 =	vmul.f32 v15, v6  }
0x1dc: {  	v37 =	vld [tilespmem:s4+$0x20];
	[tilespmem:s0+$0x1D0] =	vst v4;
	v35 =	vperm.xlane v2, v19;
	v8 =	vmul.f32 v11, v6  }
0x1dd: {  	v9 =	vld [tilespmem:s4+$0x110];
	v4 =	vmul.f32 v16, v6;
	[tilespmem:s0+$0x140] =	vst v7  }
0x1de: {  	v5 =	vld [tilespmem:s4+$0xE0];
	v36 =	vmul.f32 v33, v35;
	[tilespmem:s0+$0x170] =	vst v8  }
0x1df: {  	v10 =	vld [tilespmem:s4+$0xF0];
	v3 =	vmul.f32 v34, v35;
	[tilespmem:s0+$0x130] =	vst v4  }
0x1e0: {  	v11 =	vld [tilespmem:s4+$0xC0];
	v7 =	vmul.f32 v13, v6;
	[tilespmem:s0+$0x90] =	vst v36  }
0x1e1: {  	v38 =	vld [tilespmem:s4+$0x10];
	v8 =	vmul.f32 v17, v6;
	[tilespmem:s0+$0x80] =	vst v3  }
0x1e2: {  	v39 =	vld [tilespmem:s4+$0x0];
	v4 =	vmul.f32 v14, v6;
	[tilespmem:s0+$0x160] =	vst v7  }
0x1e3: {  	v40 =	vld [tilespmem:s4+$0xFFFFFFF0];
	v5 =	vmul.f32 v5, v35;
	[tilespmem:s0+$0x120] =	vst v8  }
0x1e4: {  	s13 =	simm.s32 $0x4;
	v41 =	vld [tilespmem:s4+$0xFFFFFFE0];
	v3 =	vmul.f32 v10, v35;
	[tilespmem:s0+$0x150] =	vst v4  }
0x1e5: {  	v42 =	vld [tilespmem:s4+$0xFFFFFFD0];
	s8 =	sand.u32 $0xC, s13;
	v7 =	vmul.f32 v9, v6;
	[tilespmem:s0+$0xE0] =	vst v5  }
0x1e6: {  	v43 =	vld [tilespmem:s4+$0xFFFFFFC0];
	v10 =	vmov s8;
	v6 =	vmul.f32 v18, v6;
	[tilespmem:s0+$0xF0] =	vst v3  }
0x1e7: {  	v9 =	vld [tilespmem:s4+$0x70];
	v5 =	vmul.f32 v32, v35;
	v10 =	vperm.xlane v2, v10;
	[tilespmem:s0+$0x110] =	vst v7  }
0x1e8: {  	v11 =	vmul.f32 v11, v35;
	[tilespmem:s0+$0x100] =	vst v6;
	v6 =	vld [tilespmem:s4+$0x30]  }
0x1e9: {  	v8 =	vld [tilespmem:s4+$0x60];
	v3 =	vmul.f32 v37, v10;
	[tilespmem:s0+$0xA0] =	vst v5  }
0x1ea: {  	v4 =	vld [tilespmem:s4+$0x50];
	[tilespmem:s0+$0xC0] =	vst v11;
	v11 =	vmul.f32 v30, v35  }
0x1eb: {  	v7 =	vld [tilespmem:s4+$0x40];
	[tilespmem:s0+$0x20] =	vst v3;
	v3 =	vmul.f32 v39, v10  }
0x1ec: {  	v44 =	vld [tilespmem:s4+$0xFFFFFFA0];
	[tilespmem:s0+$0xD0] =	vst v11;
	v11 =	vmul.f32 v31, v35  }
0x1ed: {  	v45 =	vld [tilespmem:s4+$0xFFFFFF90];
	s14 =	simm.s32 $0x3;
	[tilespmem:s0+$0x0] =	vst v3;
	v5 =	vmul.f32 v6, v10  }
0x1ee: {  	v46 =	vld [tilespmem:s4+$0xFFFFFF80];
	s8 =	sand.u32 $0xB, s14;
	v8 =	vmul.f32 v8, v10;
	[tilespmem:s0+$0xB0] =	vst v11  }
0x1ef: {  	v47 =	vld [tilespmem:s4+$0xFFFFFF50];
	v3 =	vmul.f32 v4, v10;
	[tilespmem:s0+$0x30] =	vst v5;
	v5 =	vmov s8  }
0x1f0: {  	v6 =	vld [tilespmem:s4+$0xFFFFFFB0];
	v7 =	vmul.f32 v7, v10;
	[tilespmem:s0+$0x60] =	vst v8;
	v5 =	vperm.xlane v2, v5  }
0x1f1: {  	v48 =	vld [tilespmem:s4+$0xFFFFFF40];
	v11 =	vmul.f32 v38, v10;
	[tilespmem:s0+$0x50] =	vst v3  }
0x1f2: {  	v49 =	vld [tilespmem:s4+$0xFFFFFF30];
	[tilespmem:s0+$0x40] =	vst v7;
	v7 =	vmul.f32 v40, v5  }
0x1f3: {  	v51 =	vld [tilespmem:s4+$0xFFFFFEF0];
	[tilespmem:s0+$0x10] =	vst v11;
	v8 =	vmul.f32 v41, v5  }
0x1f4: {  	v52 =	vld [tilespmem:s4+$0xFFFFFEE0];
	v3 =	vmul.f32 v42, v5;
	[tilespmem:s0+$0xFFFFFFF0] =	vst v7  }
0x1f5: {  	v53 =	vld [tilespmem:s4+$0xFFFFFEC0];
	v6 =	vmul.f32 v6, v5;
	[tilespmem:s0+$0xFFFFFFE0] =	vst v8  }
0x1f6: {  	s11 =	simm.s32 $0x2;
	v4 =	vld [tilespmem:s4+$0xFFFFFF60];
	v7 =	vmul.f32 v9, v10;
	[tilespmem:s0+$0xFFFFFFD0] =	vst v3  }
0x1f7: {  	v11 =	vld [tilespmem:s4+$0xFFFFFF70];
	s8 =	sand.u32 $0xA, s11;
	v50 =	vmul.f32 v45, v5;
	[tilespmem:s0+$0xFFFFFFB0] =	vst v6  }
0x1f8: {  	v54 =	vld [tilespmem:s4+$0xFFFFFEA0];
	v3 =	vmul.f32 v44, v5;
	[tilespmem:s0+$0x70] =	vst v7;
	v7 =	vmov s8  }
0x1f9: {  	v8 =	vld [tilespmem:s4+$0xFFFFFF10];
	v6 =	vmul.f32 v43, v5;
	[tilespmem:s0+$0xFFFFFF90] =	vst v50;
	v7 =	vperm.xlane v2, v7  }
0x1fa: {  	v55 =	vld [tilespmem:s4+$0xFFFFFE90];
	[tilespmem:s0+$0xFFFFFFA0] =	vst v3;
	v3 =	vmul.f32 v46, v5  }
0x1fb: {  	v9 =	vld [tilespmem:s4+$0xFFFFFF20];
	[tilespmem:s0+$0xFFFFFFC0] =	vst v6;
	v4 =	vmul.f32 v4, v7  }
0x1fc: {  	v10 =	vld [tilespmem:s4+$0xFFFFFF00];
	[tilespmem:s0+$0xFFFFFF80] =	vst v3;
	v6 =	vmul.f32 v11, v7  }
0x1fd: {  	v56 =	vld [tilespmem:s4+$0xFFFFFE70];
	v3 =	vmul.f32 v48, v7;
	[tilespmem:s0+$0xFFFFFF60] =	vst v4  }
0x1fe: {  	v58 =	vld [tilespmem:s4+$0xFFFFFE60];
	s13 =	simm.s32 $0x1;
	v8 =	vmul.f32 v8, v7;
	[tilespmem:s0+$0xFFFFFF70] =	vst v6  }
0x1ff: {  	v60 =	vld [tilespmem:s4+$0xFFFFFE10];
	s8 =	sand.u32 $0x9, s13;
	v4 =	vmul.f32 v47, v7;
	[tilespmem:s0+$0xFFFFFF40] =	vst v3  }
0x200: {  	v11 =	vld [tilespmem:s4+$0xFFFFFEB0];
	v6 =	vmul.f32 v9, v7;
	v3 =	vmov s8;
	[tilespmem:s0+$0xFFFFFF10] =	vst v8  }
0x201: {  	v5 =	vld [tilespmem:s4+$0xFFFFFED0];
	v57 =	vperm.xlane v2, v3;
	v3 =	vmul.f32 v10, v7;
	[tilespmem:s0+$0xFFFFFF50] =	vst v4  }
0x202: {  	v61 =	vld [tilespmem:s4+$0xFFFFFE00];
	v4 =	vmul.f32 v49, v7;
	[tilespmem:s0+$0xFFFFFF20] =	vst v6  }
0x203: {  	v9 =	vld [tilespmem:s4+$0xFFFFFE80];
	v7 =	vmul.f32 v52, v57;
	[tilespmem:s0+$0xFFFFFF00] =	vst v3  }
0x204: {  	s14 =	sand.u32 $0x8, s30;
	v8 =	vld [tilespmem:s4+$0xFFFFFE40];
	v3 =	vmul.f32 v53, v57;
	[tilespmem:s0+$0xFFFFFF30] =	vst v4  }
0x205: {  	v59 =	vmov s14;
	v6 =	vld [tilespmem:s4+$0xFFFFFE50];
	v11 =	vmul.f32 v11, v57;
	[tilespmem:s0+$0xFFFFFEE0] =	vst v7  }
0x206: {  	v12 =	vperm.xlane v2, v59;
	v10 =	vld [tilespmem:s4+$0xFFFFFE20];
	v4 =	vmul.f32 v5, v57;
	[tilespmem:s0+$0xFFFFFEC0] =	vst v3  }
0x207: {  	v5 =	vld [tilespmem:s4+$0xFFFFFE30];
	v7 =	vmul.f32 v51, v57;
	v3 =	vmul.f32 v55, v57;
	[tilespmem:s0+$0xFFFFFEB0] =	vst v11  }
0x208: {  	v62 =	vmul.f32 v9, v57;
	v11 =	vmul.f32 v58, v12;
	[tilespmem:s0+$0xFFFFFED0] =	vst v4  }
0x209: {  	v2 =	vmul.f32 v8, v12;
	v4 =	vmul.f32 v54, v57;
	[tilespmem:s0+$0xFFFFFEF0] =	vst v7  }
0x20a: {  	v9 =	vmul.f32 v6, v12;
	v7 =	vmul.f32 v56, v12;
	[tilespmem:s0+$0xFFFFFE80] =	vst v62  }
0x20b: {  	v6 =	vmul.f32 v61, v12;
	[tilespmem:s0+$0xFFFFFEA0] =	vst v4;
	v4 =	vmul.f32 v10, v12  }
0x20c: {  	s8 =	simm.s32 $0x7200;
	[tilespmem:s0+$0xFFFFFE60] =	vst v11;
	v8 =	vmul.f32 v5, v12;
	v5 =	vmul.f32 v60, v12  }
.LBB2_12:
0x20d: {  	s8 =	sadd.s32 $0x400, s8  }
0x20e: {  	[tilespmem:s0+$0xFFFFFE50] =	vst v9;
	s4 =	sadd.s32 $0x400, s4;
	s13 =	smov.u32 s30;
	s30 =	sadd.s32 $0x8, s30  }
0x20f: {  	s14 =	sand.u32 $0x70, s30;
	s11 =	sand.u32 $0x8, s30;
	v9 =	vld [tilespmem:s4+$0x1F0];
	p0 =	slt.u32 s30, $0x48;
	[tilespmem:s0+$0xFFFFFE40] =	vst v2  }
0x210: {  	v2 =	vld.idx.msk [tilespmem:v1+s14+$0x0 ss:$0x1], $0xffff;
	[tilespmem:s0+$0xFFFFFE30] =	vst v8  }
0x211: {  	v8 =	vld [tilespmem:s4+$0x1E0];
	[tilespmem:s0+$0xFFFFFE90] =	vst v3  }
0x212: {  	v3 =	vld [tilespmem:s4+$0x1D0];
	[tilespmem:s0+$0xFFFFFE70] =	vst v7  }
0x213: {  	v7 =	vld [tilespmem:s4+$0x1C0];
	[tilespmem:s0+$0xFFFFFE20] =	vst v4  }
0x214: {  	v4 =	vld [tilespmem:s4+$0x1B0];
	[tilespmem:s0+$0xFFFFFE10] =	vst v5  }
0x215: {  	v5 =	vld [tilespmem:s4+$0x1A0];
	[tilespmem:s0+$0xFFFFFE00] =	vst v6;
	s0 =	smov.u32 s8  }
0x216: {  	v6 =	vld [tilespmem:s4+$0x190]  }
0x217: {  	v10 =	vld [tilespmem:s4+$0x180]  }
0x218: {  	s14 =	sadd.s32 $0xF, s13;
	v11 =	vld [tilespmem:s4+$0x170]  }
0x219: {  	v13 =	vmov s14;
	v12 =	vld [tilespmem:s4+$0x160]  }
0x21a: {  	v13 =	vperm.xlane v2, v13;
	v14 =	vld [tilespmem:s4+$0x150]  }
0x21b: {  	s14 =	sadd.s32 $0xE, s13;
	v15 =	vld [tilespmem:s4+$0x140]  }
0x21c: {  	s14 =	sand.u32 $0xE, s14;
	v6 =	vmul.f32 v6, v13;
	v16 =	vld [tilespmem:s4+$0x130];
	v10 =	vmul.f32 v10, v13  }
0x21d: {  	v17 =	vmov s14;
	v7 =	vmul.f32 v7, v13;
	v4 =	vmul.f32 v4, v13;
	v18 =	vld [tilespmem:s4+$0x120]  }
0x21e: {  	v17 =	vperm.xlane v2, v17;
	v5 =	vmul.f32 v5, v13;
	v19 =	vld [tilespmem:s4+$0x110];
	[tilespmem:s8+$0x180] =	vst v10  }
0x21f: {  	v3 =	vmul.f32 v3, v13;
	v10 =	vld [tilespmem:s4+$0x100];
	[tilespmem:s8+$0x1B0] =	vst v4;
	v4 =	vmul.f32 v8, v13  }
0x220: {  	v14 =	vmul.f32 v14, v17;
	v8 =	vld [tilespmem:s4+$0xF0];
	v15 =	vmul.f32 v15, v17;
	[tilespmem:s8+$0x1C0] =	vst v7  }
0x221: {  	v11 =	vmul.f32 v11, v17;
	v7 =	vld [tilespmem:s4+$0xE0];
	v16 =	vmul.f32 v16, v17;
	[tilespmem:s8+$0x1E0] =	vst v4  }
0x222: {  	v12 =	vmul.f32 v12, v17;
	v4 =	vld [tilespmem:s4+$0xD0];
	v18 =	vmul.f32 v18, v17;
	[tilespmem:s8+$0x190] =	vst v6  }
0x223: {  	v6 =	vld [tilespmem:s4+$0xC0];
	v19 =	vmul.f32 v19, v17;
	[tilespmem:s8+$0x1A0] =	vst v5;
	v5 =	vmul.f32 v9, v13  }
0x224: {  	v9 =	vld [tilespmem:s4+$0xB0];
	v10 =	vmul.f32 v10, v17;
	[tilespmem:s8+$0x1D0] =	vst v3  }
0x225: {  	v3 =	vld [tilespmem:s4+$0xA0];
	[tilespmem:s8+$0x140] =	vst v15  }
0x226: {  	s14 =	sadd.s32 $0xD, s13;
	v13 =	vld [tilespmem:s4+$0x90];
	[tilespmem:s8+$0x170] =	vst v11  }
0x227: {  	s14 =	sand.u32 $0xD, s14;
	v11 =	vld [tilespmem:s4+$0x80];
	[tilespmem:s8+$0x130] =	vst v16  }
0x228: {  	v16 =	vmov s14;
	v15 =	vld [tilespmem:s4+$0x70];
	[tilespmem:s8+$0x160] =	vst v12  }
0x229: {  	v16 =	vperm.xlane v2, v16;
	v12 =	vld [tilespmem:s4+$0x60];
	[tilespmem:s8+$0x120] =	vst v18  }
0x22a: {  	v17 =	vld [tilespmem:s4+$0x50];
	[tilespmem:s8+$0x150] =	vst v14  }
0x22b: {  	v9 =	vmul.f32 v9, v16;
	v14 =	vld [tilespmem:s4+$0x40];
	v13 =	vmul.f32 v13, v16;
	[tilespmem:s8+$0x110] =	vst v19  }
0x22c: {  	v6 =	vmul.f32 v6, v16;
	v18 =	vld [tilespmem:s4+$0x30];
	v11 =	vmul.f32 v11, v16;
	[tilespmem:s8+$0x100] =	vst v10  }
0x22d: {  	s14 =	sadd.s32 $0xC, s13;
	v4 =	vmul.f32 v4, v16;
	v7 =	vmul.f32 v7, v16;
	v10 =	vld [tilespmem:s4+$0x20];
	[tilespmem:s8+$0x1F0] =	vst v5  }
0x22e: {  	s14 =	sand.u32 $0xC, s14;
	v3 =	vmul.f32 v3, v16;
	v8 =	vmul.f32 v8, v16;
	v5 =	vld [tilespmem:s4+$0x10];
	[tilespmem:s8+$0x90] =	vst v13  }
0x22f: {  	v13 =	vmov s14;
	v16 =	vld [tilespmem:s4+$0x0];
	[tilespmem:s8+$0xC0] =	vst v6  }
0x230: {  	v13 =	vperm.xlane v2, v13;
	v6 =	vld [tilespmem:s4+$0xFFFFFFF0];
	[tilespmem:s8+$0x80] =	vst v11  }
0x231: {  	s14 =	sadd.s32 $0xB, s13;
	v11 =	vld [tilespmem:s4+$0xFFFFFFE0];
	[tilespmem:s8+$0xE0] =	vst v7  }
0x232: {  	s14 =	sand.u32 $0xB, s14;
	v18 =	vmul.f32 v18, v13;
	v7 =	vld [tilespmem:s4+$0xFFFFFFD0];
	v10 =	vmul.f32 v10, v13;
	[tilespmem:s8+$0xD0] =	vst v4  }
0x233: {  	v14 =	vmul.f32 v14, v13;
	v4 =	vmov s14;
	v19 =	vld [tilespmem:s4+$0xFFFFFFC0];
	v5 =	vmul.f32 v5, v13;
	[tilespmem:s8+$0xF0] =	vst v8  }
0x234: {  	v4 =	vperm.xlane v2, v4;
	v8 =	vld [tilespmem:s4+$0xFFFFFFB0];
	v16 =	vmul.f32 v16, v13;
	[tilespmem:s8+$0xA0] =	vst v3  }
0x235: {  	v17 =	vmul.f32 v17, v13;
	v12 =	vmul.f32 v12, v13;
	v3 =	vld [tilespmem:s4+$0xFFFFFFA0];
	[tilespmem:s8+$0xB0] =	vst v9  }
0x236: {  	v6 =	vmul.f32 v6, v4;
	v9 =	vld [tilespmem:s4+$0xFFFFFF90];
	v11 =	vmul.f32 v11, v4;
	[tilespmem:s8+$0x20] =	vst v10  }
0x237: {  	v13 =	vmul.f32 v15, v13;
	v10 =	vld [tilespmem:s4+$0xFFFFFF80];
	v7 =	vmul.f32 v7, v4;
	[tilespmem:s8+$0x30] =	vst v18  }
0x238: {  	v15 =	vld [tilespmem:s4+$0xFFFFFF70];
	v18 =	vmul.f32 v19, v4;
	[tilespmem:s8+$0x10] =	vst v5  }
0x239: {  	s14 =	sadd.s32 $0xA, s13;
	v5 =	vld [tilespmem:s4+$0xFFFFFF60];
	v8 =	vmul.f32 v8, v4;
	[tilespmem:s8+$0x0] =	vst v16  }
0x23a: {  	s14 =	sand.u32 $0xA, s14;
	v16 =	vld [tilespmem:s4+$0xFFFFFF50];
	v3 =	vmul.f32 v3, v4;
	[tilespmem:s8+$0x40] =	vst v14  }
0x23b: {  	v14 =	vmov s14;
	v19 =	vld [tilespmem:s4+$0xFFFFFF40];
	v9 =	vmul.f32 v9, v4;
	[tilespmem:s8+$0x60] =	vst v12  }
0x23c: {  	v12 =	vperm.xlane v2, v14;
	v14 =	vld [tilespmem:s4+$0xFFFFFF30];
	v4 =	vmul.f32 v10, v4;
	[tilespmem:s8+$0x50] =	vst v17  }
0x23d: {  	v10 =	vld [tilespmem:s4+$0xFFFFFF20];
	[tilespmem:s8+$0xFFFFFFF0] =	vst v6  }
0x23e: {  	v15 =	vmul.f32 v15, v12;
	v6 =	vld [tilespmem:s4+$0xFFFFFF10];
	v5 =	vmul.f32 v5, v12;
	[tilespmem:s8+$0xFFFFFFE0] =	vst v11  }
0x23f: {  	v11 =	vld [tilespmem:s4+$0xFFFFFF00];
	v16 =	vmul.f32 v16, v12;
	[tilespmem:s8+$0xFFFFFFD0] =	vst v7  }
0x240: {  	s13 =	sadd.s32 $0x9, s13;
	v7 =	vld [tilespmem:s4+$0xFFFFFEF0];
	v17 =	vmul.f32 v19, v12;
	[tilespmem:s8+$0x70] =	vst v13  }
0x241: {  	s13 =	sand.u32 $0x9, s13;
	v13 =	vld [tilespmem:s4+$0xFFFFFEE0];
	v14 =	vmul.f32 v14, v12;
	[tilespmem:s8+$0xFFFFFFB0] =	vst v8  }
0x242: {  	v8 =	vmov s13;
	v19 =	vld [tilespmem:s4+$0xFFFFFED0];
	v10 =	vmul.f32 v10, v12;
	[tilespmem:s8+$0xFFFFFFA0] =	vst v3  }
0x243: {  	v8 =	vperm.xlane v2, v8;
	v3 =	vld [tilespmem:s4+$0xFFFFFEC0];
	v6 =	vmul.f32 v6, v12;
	[tilespmem:s8+$0xFFFFFF90] =	vst v9  }
0x244: {  	v9 =	vld [tilespmem:s4+$0xFFFFFEB0];
	v11 =	vmul.f32 v11, v12;
	[tilespmem:s8+$0xFFFFFFC0] =	vst v18  }
0x245: {  	v12 =	vld [tilespmem:s4+$0xFFFFFEA0];
	v18 =	vmul.f32 v7, v8;
	[tilespmem:s8+$0xFFFFFF80] =	vst v4  }
0x246: {  	v4 =	vld [tilespmem:s4+$0xFFFFFE90];
	v7 =	vmul.f32 v13, v8;
	[tilespmem:s8+$0xFFFFFF60] =	vst v5  }
0x247: {  	v5 =	vld [tilespmem:s4+$0xFFFFFE80];
	v13 =	vmul.f32 v19, v8;
	[tilespmem:s8+$0xFFFFFF70] =	vst v15  }
0x248: {  	v15 =	vld [tilespmem:s4+$0xFFFFFE70];
	v19 =	vmul.f32 v3, v8;
	[tilespmem:s8+$0xFFFFFF40] =	vst v17  }
0x249: {  	v17 =	vld [tilespmem:s4+$0xFFFFFE60];
	v20 =	vmul.f32 v9, v8;
	[tilespmem:s8+$0xFFFFFF50] =	vst v16  }
0x24a: {  	v9 =	vld [tilespmem:s4+$0xFFFFFE50];
	v12 =	vmul.f32 v12, v8;
	[tilespmem:s8+$0xFFFFFF20] =	vst v10  }
0x24b: {  	v10 =	vmov s11;
	v16 =	vld [tilespmem:s4+$0xFFFFFE40];
	v3 =	vmul.f32 v4, v8;
	[tilespmem:s8+$0xFFFFFF10] =	vst v6  }
0x24c: {  	v6 =	vperm.xlane v2, v10;
	v4 =	vld [tilespmem:s4+$0xFFFFFE30];
	v10 =	vmul.f32 v5, v8;
	[tilespmem:s8+$0xFFFFFF30] =	vst v14  }
0x24d: {  	v5 =	vld [tilespmem:s4+$0xFFFFFE20];
	[tilespmem:s8+$0xFFFFFF00] =	vst v11  }
0x24e: {  	v11 =	vld [tilespmem:s4+$0xFFFFFE10];
	v14 =	vmul.f32 v17, v6;
	[tilespmem:s8+$0xFFFFFEE0] =	vst v7  }
0x24f: {  	v17 =	vld [tilespmem:s4+$0xFFFFFE00];
	v9 =	vmul.f32 v9, v6;
	[tilespmem:s8+$0xFFFFFED0] =	vst v13  }
0x250: {  	v2 =	vmul.f32 v16, v6;
	[tilespmem:s8+$0xFFFFFEC0] =	vst v19  }
.Ltmp4:
0x251: {  	v8 =	vmul.f32 v4, v6;
	[tilespmem:s8+$0xFFFFFEB0] =	vst v20;
	(pc) =	sbr.rel @p0 .LBB2_12-.Ltmp4, $4  }
0x252: {  	v7 =	vmul.f32 v15, v6;
	v4 =	vmul.f32 v5, v6;
	[tilespmem:s8+$0xFFFFFEF0] =	vst v18  }
0x253: {  	v5 =	vmul.f32 v11, v6;
	[tilespmem:s8+$0xFFFFFEA0] =	vst v12  }
0x254: {  	v6 =	vmul.f32 v17, v6;
	[tilespmem:s8+$0xFFFFFE80] =	vst v10  }
0x255: {  	[tilespmem:s8+$0xFFFFFE60] =	vst v14  }
0x256: {  	[tilespmem:s0+$0xFFFFFE50] =	vst v9  }
0x257: {  	[tilespmem:s0+$0xFFFFFE40] =	vst v2  }
0x258: {  	[tilespmem:s0+$0xFFFFFE30] =	vst v8  }
0x259: {  	[tilespmem:s0+$0xFFFFFE90] =	vst v3  }
0x25a: {  	[tilespmem:s0+$0xFFFFFE70] =	vst v7  }
0x25b: {  	[tilespmem:s0+$0xFFFFFE20] =	vst v4  }
0x25c: {  	[tilespmem:s0+$0xFFFFFE10] =	vst v5  }
0x25d: {  	[tilespmem:s0+$0xFFFFFE00] =	vst v6;
	s8 =	sadd.s32 $0x100, s22  }
0x25e: {  	[tilespmem:s7], [sflag:$0x1] =	stream.indirect.gather [hbm4b:s5+s3], $0x80, s8, s3, $0xb8;
	v63 =	vld [tilespmem:$0x0]  }
0x25f: {  	s11 =	sadd.s32 $0x1000, s22;
	s13 =	sor.u32 $0x200, s1  }
0x260: {  	[spmem:s2] =	stream.indirect.scatter.add.f32 [tilespmem:s28], [sflag:$0x3], $0x80, s11, s3, $0xb8;
	v63 =	vld [tilespmem:$0x0]  }
0x261: {  	s1 =	sshrl.u32 s13, $0x2;
	_ =	swait.ge [sflag:s12], $0x2800  }
0x262: {  	s0 =	sadd.s32 $0x1800, s1;
	[sflag:s12] =	ssyncset.done $0x0  }
0x263: {  	v1 =	vmov s0;
	[sflag:s12] =	ssyncadd.s32 $0xFFFFD800  }
0x264: {  	_ =	swait.ge [sflag:s19], $0x2800  }
0x265: {  	[sflag:s19] =	ssyncset.done $0x0  }
0x266: {  	s4 =	simm.s32 $0x4A00;
	s30 =	simm.s32 $0x0;
	[sflag:s19] =	ssyncadd.s32 $0xFFFFD800  }
0x267: {  	s14 =	sand.u32 $0x70, s30;
	v3 =	vld [tilespmem:s4+$0x1F0]  }
0x268: {  	v2 =	vld.idx.msk [tilespmem:v1+s14+$0x0 ss:$0x1], $0xffff  }
0x269: {  	v4 =	vld [tilespmem:s4+$0x1E0]  }
0x26a: {  	v5 =	vld [tilespmem:s4+$0x1D0]  }
0x26b: {  	v6 =	vld [tilespmem:s4+$0x1C0]  }
0x26c: {  	v7 =	vld [tilespmem:s4+$0x1B0]  }
0x26d: {  	v8 =	vld [tilespmem:s4+$0x1A0]  }
0x26e: {  	v9 =	vld [tilespmem:s4+$0x180]  }
0x26f: {  	s8 =	simm.s32 $0x7;
	v10 =	vld [tilespmem:s4+$0x190]  }
0x270: {  	v12 =	vmov s8;
	v11 =	vld [tilespmem:s4+$0x170]  }
0x271: {  	v13 =	vld [tilespmem:s4+$0x160];
	v12 =	vperm.xlane v2, v12  }
0x272: {  	v14 =	vld [tilespmem:s4+$0x150]  }
0x273: {  	v15 =	vld [tilespmem:s4+$0x140];
	v9 =	vmul.f32 v9, v12  }
0x274: {  	s0 =	simm.s32 $0x9A00;
	v16 =	vld [tilespmem:s4+$0x130];
	v7 =	vmul.f32 v7, v12  }
0x275: {  	v17 =	vld [tilespmem:s4+$0x120];
	v6 =	vmul.f32 v6, v12;
	[tilespmem:s0+$0x180] =	vst v9  }
0x276: {  	s8 =	simm.s32 $0x6;
	v18 =	vld [tilespmem:s4+$0x100];
	v4 =	vmul.f32 v4, v12;
	[tilespmem:s0+$0x1B0] =	vst v7  }
0x277: {  	s8 =	sand.u32 $0xE, s8;
	v30 =	vld [tilespmem:s4+$0xD0];
	v8 =	vmul.f32 v8, v12;
	[tilespmem:s0+$0x1C0] =	vst v6  }
0x278: {  	v31 =	vld [tilespmem:s4+$0xB0];
	v3 =	vmul.f32 v3, v12;
	v7 =	vmul.f32 v10, v12;
	v10 =	vmov s8;
	[tilespmem:s0+$0x1E0] =	vst v4  }
0x279: {  	s11 =	simm.s32 $0x5;
	v33 =	vld [tilespmem:s4+$0x90];
	[tilespmem:s0+$0x1A0] =	vst v8;
	v6 =	vperm.xlane v2, v10  }
0x27a: {  	v34 =	vld [tilespmem:s4+$0x80];
	v4 =	vmul.f32 v5, v12;
	s8 =	sand.u32 $0xD, s11;
	[tilespmem:s0+$0x1F0] =	vst v3  }
0x27b: {  	v32 =	vld [tilespmem:s4+$0xA0];
	v19 =	vmov s8;
	[tilespmem:s0+$0x190] =	vst v7;
	v7 =	vmul.f32 v15, v6  }
0x27c: {  	v37 =	vld [tilespmem:s4+$0x20];
	[tilespmem:s0+$0x1D0] =	vst v4;
	v35 =	vperm.xlane v2, v19;
	v8 =	vmul.f32 v11, v6  }
0x27d: {  	v9 =	vld [tilespmem:s4+$0x110];
	v4 =	vmul.f32 v16, v6;
	[tilespmem:s0+$0x140] =	vst v7  }
0x27e: {  	v5 =	vld [tilespmem:s4+$0xE0];
	v36 =	vmul.f32 v33, v35;
	[tilespmem:s0+$0x170] =	vst v8  }
0x27f: {  	v10 =	vld [tilespmem:s4+$0xF0];
	v3 =	vmul.f32 v34, v35;
	[tilespmem:s0+$0x130] =	vst v4  }
0x280: {  	v11 =	vld [tilespmem:s4+$0xC0];
	v7 =	vmul.f32 v13, v6;
	[tilespmem:s0+$0x90] =	vst v36  }
0x281: {  	v38 =	vld [tilespmem:s4+$0x10];
	v8 =	vmul.f32 v17, v6;
	[tilespmem:s0+$0x80] =	vst v3  }
0x282: {  	v39 =	vld [tilespmem:s4+$0x0];
	v4 =	vmul.f32 v14, v6;
	[tilespmem:s0+$0x160] =	vst v7  }
0x283: {  	v40 =	vld [tilespmem:s4+$0xFFFFFFF0];
	v5 =	vmul.f32 v5, v35;
	[tilespmem:s0+$0x120] =	vst v8  }
0x284: {  	s13 =	simm.s32 $0x4;
	v41 =	vld [tilespmem:s4+$0xFFFFFFE0];
	v3 =	vmul.f32 v10, v35;
	[tilespmem:s0+$0x150] =	vst v4  }
0x285: {  	v42 =	vld [tilespmem:s4+$0xFFFFFFD0];
	s8 =	sand.u32 $0xC, s13;
	v7 =	vmul.f32 v9, v6;
	[tilespmem:s0+$0xE0] =	vst v5  }
0x286: {  	v43 =	vld [tilespmem:s4+$0xFFFFFFC0];
	v10 =	vmov s8;
	v6 =	vmul.f32 v18, v6;
	[tilespmem:s0+$0xF0] =	vst v3  }
0x287: {  	v9 =	vld [tilespmem:s4+$0x70];
	v5 =	vmul.f32 v32, v35;
	v10 =	vperm.xlane v2, v10;
	[tilespmem:s0+$0x110] =	vst v7  }
0x288: {  	v11 =	vmul.f32 v11, v35;
	[tilespmem:s0+$0x100] =	vst v6;
	v6 =	vld [tilespmem:s4+$0x30]  }
0x289: {  	v8 =	vld [tilespmem:s4+$0x60];
	v3 =	vmul.f32 v37, v10;
	[tilespmem:s0+$0xA0] =	vst v5  }
0x28a: {  	v4 =	vld [tilespmem:s4+$0x50];
	[tilespmem:s0+$0xC0] =	vst v11;
	v11 =	vmul.f32 v30, v35  }
0x28b: {  	v7 =	vld [tilespmem:s4+$0x40];
	[tilespmem:s0+$0x20] =	vst v3;
	v3 =	vmul.f32 v39, v10  }
0x28c: {  	v44 =	vld [tilespmem:s4+$0xFFFFFFA0];
	[tilespmem:s0+$0xD0] =	vst v11;
	v11 =	vmul.f32 v31, v35  }
0x28d: {  	s14 =	simm.s32 $0x3;
	v45 =	vld [tilespmem:s4+$0xFFFFFF90];
	[tilespmem:s0+$0x0] =	vst v3;
	v5 =	vmul.f32 v6, v10  }
0x28e: {  	v46 =	vld [tilespmem:s4+$0xFFFFFF80];
	s8 =	sand.u32 $0xB, s14;
	v8 =	vmul.f32 v8, v10;
	[tilespmem:s0+$0xB0] =	vst v11  }
0x28f: {  	v47 =	vld [tilespmem:s4+$0xFFFFFF50];
	v3 =	vmul.f32 v4, v10;
	[tilespmem:s0+$0x30] =	vst v5;
	v5 =	vmov s8  }
0x290: {  	v6 =	vld [tilespmem:s4+$0xFFFFFFB0];
	v7 =	vmul.f32 v7, v10;
	[tilespmem:s0+$0x60] =	vst v8;
	v5 =	vperm.xlane v2, v5  }
0x291: {  	v48 =	vld [tilespmem:s4+$0xFFFFFF40];
	v11 =	vmul.f32 v38, v10;
	[tilespmem:s0+$0x50] =	vst v3  }
0x292: {  	v49 =	vld [tilespmem:s4+$0xFFFFFF30];
	[tilespmem:s0+$0x40] =	vst v7;
	v7 =	vmul.f32 v40, v5  }
0x293: {  	v51 =	vld [tilespmem:s4+$0xFFFFFEF0];
	[tilespmem:s0+$0x10] =	vst v11;
	v8 =	vmul.f32 v41, v5  }
0x294: {  	v52 =	vld [tilespmem:s4+$0xFFFFFEE0];
	v3 =	vmul.f32 v42, v5;
	[tilespmem:s0+$0xFFFFFFF0] =	vst v7  }
0x295: {  	v53 =	vld [tilespmem:s4+$0xFFFFFEC0];
	v6 =	vmul.f32 v6, v5;
	[tilespmem:s0+$0xFFFFFFE0] =	vst v8  }
0x296: {  	s11 =	simm.s32 $0x2;
	v4 =	vld [tilespmem:s4+$0xFFFFFF60];
	v7 =	vmul.f32 v9, v10;
	[tilespmem:s0+$0xFFFFFFD0] =	vst v3  }
0x297: {  	v11 =	vld [tilespmem:s4+$0xFFFFFF70];
	s8 =	sand.u32 $0xA, s11;
	v50 =	vmul.f32 v45, v5;
	[tilespmem:s0+$0xFFFFFFB0] =	vst v6  }
0x298: {  	v54 =	vld [tilespmem:s4+$0xFFFFFEA0];
	v3 =	vmul.f32 v44, v5;
	[tilespmem:s0+$0x70] =	vst v7;
	v7 =	vmov s8  }
0x299: {  	v8 =	vld [tilespmem:s4+$0xFFFFFF10];
	v6 =	vmul.f32 v43, v5;
	[tilespmem:s0+$0xFFFFFF90] =	vst v50;
	v7 =	vperm.xlane v2, v7  }
0x29a: {  	v55 =	vld [tilespmem:s4+$0xFFFFFE90];
	[tilespmem:s0+$0xFFFFFFA0] =	vst v3;
	v3 =	vmul.f32 v46, v5  }
0x29b: {  	v9 =	vld [tilespmem:s4+$0xFFFFFF20];
	[tilespmem:s0+$0xFFFFFFC0] =	vst v6;
	v4 =	vmul.f32 v4, v7  }
0x29c: {  	v10 =	vld [tilespmem:s4+$0xFFFFFF00];
	[tilespmem:s0+$0xFFFFFF80] =	vst v3;
	v6 =	vmul.f32 v11, v7  }
0x29d: {  	v56 =	vld [tilespmem:s4+$0xFFFFFE70];
	v3 =	vmul.f32 v48, v7;
	[tilespmem:s0+$0xFFFFFF60] =	vst v4  }
0x29e: {  	v58 =	vld [tilespmem:s4+$0xFFFFFE60];
	s13 =	simm.s32 $0x1;
	v8 =	vmul.f32 v8, v7;
	[tilespmem:s0+$0xFFFFFF70] =	vst v6  }
0x29f: {  	v60 =	vld [tilespmem:s4+$0xFFFFFE10];
	s8 =	sand.u32 $0x9, s13;
	v4 =	vmul.f32 v47, v7;
	[tilespmem:s0+$0xFFFFFF40] =	vst v3  }
0x2a0: {  	v11 =	vld [tilespmem:s4+$0xFFFFFEB0];
	v6 =	vmul.f32 v9, v7;
	v3 =	vmov s8;
	[tilespmem:s0+$0xFFFFFF10] =	vst v8  }
0x2a1: {  	v5 =	vld [tilespmem:s4+$0xFFFFFED0];
	v57 =	vperm.xlane v2, v3;
	v3 =	vmul.f32 v10, v7;
	[tilespmem:s0+$0xFFFFFF50] =	vst v4  }
0x2a2: {  	v61 =	vld [tilespmem:s4+$0xFFFFFE00];
	v4 =	vmul.f32 v49, v7;
	[tilespmem:s0+$0xFFFFFF20] =	vst v6  }
0x2a3: {  	v9 =	vld [tilespmem:s4+$0xFFFFFE80];
	v7 =	vmul.f32 v52, v57;
	[tilespmem:s0+$0xFFFFFF00] =	vst v3  }
0x2a4: {  	s14 =	sand.u32 $0x8, s30;
	v8 =	vld [tilespmem:s4+$0xFFFFFE40];
	v3 =	vmul.f32 v53, v57;
	[tilespmem:s0+$0xFFFFFF30] =	vst v4  }
0x2a5: {  	v59 =	vmov s14;
	v6 =	vld [tilespmem:s4+$0xFFFFFE50];
	v11 =	vmul.f32 v11, v57;
	[tilespmem:s0+$0xFFFFFEE0] =	vst v7  }
0x2a6: {  	v12 =	vperm.xlane v2, v59;
	v10 =	vld [tilespmem:s4+$0xFFFFFE20];
	v4 =	vmul.f32 v5, v57;
	[tilespmem:s0+$0xFFFFFEC0] =	vst v3  }
0x2a7: {  	v5 =	vld [tilespmem:s4+$0xFFFFFE30];
	v7 =	vmul.f32 v51, v57;
	v3 =	vmul.f32 v55, v57;
	[tilespmem:s0+$0xFFFFFEB0] =	vst v11  }
0x2a8: {  	v62 =	vmul.f32 v9, v57;
	v11 =	vmul.f32 v58, v12;
	[tilespmem:s0+$0xFFFFFED0] =	vst v4  }
0x2a9: {  	v2 =	vmul.f32 v8, v12;
	v4 =	vmul.f32 v54, v57;
	[tilespmem:s0+$0xFFFFFEF0] =	vst v7  }
0x2aa: {  	v9 =	vmul.f32 v6, v12;
	v7 =	vmul.f32 v56, v12;
	[tilespmem:s0+$0xFFFFFE80] =	vst v62  }
0x2ab: {  	v6 =	vmul.f32 v61, v12;
	[tilespmem:s0+$0xFFFFFEA0] =	vst v4;
	v4 =	vmul.f32 v10, v12  }
0x2ac: {  	s8 =	simm.s32 $0x9A00;
	[tilespmem:s0+$0xFFFFFE60] =	vst v11;
	v8 =	vmul.f32 v5, v12;
	v5 =	vmul.f32 v60, v12  }
.LBB2_14:
0x2ad: {  	s8 =	sadd.s32 $0x400, s8  }
0x2ae: {  	[tilespmem:s0+$0xFFFFFE50] =	vst v9;
	s4 =	sadd.s32 $0x400, s4;
	s13 =	smov.u32 s30;
	s30 =	sadd.s32 $0x8, s30  }
0x2af: {  	s14 =	sand.u32 $0x70, s30;
	s11 =	sand.u32 $0x8, s30;
	v9 =	vld [tilespmem:s4+$0x1F0];
	p0 =	slt.u32 s30, $0x48;
	[tilespmem:s0+$0xFFFFFE40] =	vst v2  }
0x2b0: {  	v2 =	vld.idx.msk [tilespmem:v1+s14+$0x0 ss:$0x1], $0xffff;
	[tilespmem:s0+$0xFFFFFE30] =	vst v8  }
0x2b1: {  	v8 =	vld [tilespmem:s4+$0x1E0];
	[tilespmem:s0+$0xFFFFFE90] =	vst v3  }
0x2b2: {  	v3 =	vld [tilespmem:s4+$0x1D0];
	[tilespmem:s0+$0xFFFFFE70] =	vst v7  }
0x2b3: {  	v7 =	vld [tilespmem:s4+$0x1C0];
	[tilespmem:s0+$0xFFFFFE20] =	vst v4  }
0x2b4: {  	v4 =	vld [tilespmem:s4+$0x1B0];
	[tilespmem:s0+$0xFFFFFE10] =	vst v5  }
0x2b5: {  	v5 =	vld [tilespmem:s4+$0x1A0];
	[tilespmem:s0+$0xFFFFFE00] =	vst v6;
	s0 =	smov.u32 s8  }
0x2b6: {  	v6 =	vld [tilespmem:s4+$0x190]  }
0x2b7: {  	v10 =	vld [tilespmem:s4+$0x180]  }
0x2b8: {  	s14 =	sadd.s32 $0xF, s13;
	v11 =	vld [tilespmem:s4+$0x170]  }
0x2b9: {  	v13 =	vmov s14;
	v12 =	vld [tilespmem:s4+$0x160]  }
0x2ba: {  	v13 =	vperm.xlane v2, v13;
	v14 =	vld [tilespmem:s4+$0x150]  }
0x2bb: {  	s14 =	sadd.s32 $0xE, s13;
	v15 =	vld [tilespmem:s4+$0x140]  }
0x2bc: {  	s14 =	sand.u32 $0xE, s14;
	v6 =	vmul.f32 v6, v13;
	v16 =	vld [tilespmem:s4+$0x130];
	v10 =	vmul.f32 v10, v13  }
0x2bd: {  	v17 =	vmov s14;
	v7 =	vmul.f32 v7, v13;
	v4 =	vmul.f32 v4, v13;
	v18 =	vld [tilespmem:s4+$0x120]  }
0x2be: {  	v17 =	vperm.xlane v2, v17;
	v5 =	vmul.f32 v5, v13;
	v19 =	vld [tilespmem:s4+$0x110];
	[tilespmem:s8+$0x180] =	vst v10  }
0x2bf: {  	v3 =	vmul.f32 v3, v13;
	v10 =	vld [tilespmem:s4+$0x100];
	[tilespmem:s8+$0x1B0] =	vst v4;
	v4 =	vmul.f32 v8, v13  }
0x2c0: {  	v14 =	vmul.f32 v14, v17;
	v8 =	vld [tilespmem:s4+$0xF0];
	v15 =	vmul.f32 v15, v17;
	[tilespmem:s8+$0x1C0] =	vst v7  }
0x2c1: {  	v11 =	vmul.f32 v11, v17;
	v7 =	vld [tilespmem:s4+$0xE0];
	v16 =	vmul.f32 v16, v17;
	[tilespmem:s8+$0x1E0] =	vst v4  }
0x2c2: {  	v12 =	vmul.f32 v12, v17;
	v4 =	vld [tilespmem:s4+$0xD0];
	v18 =	vmul.f32 v18, v17;
	[tilespmem:s8+$0x190] =	vst v6  }
0x2c3: {  	v6 =	vld [tilespmem:s4+$0xC0];
	v19 =	vmul.f32 v19, v17;
	[tilespmem:s8+$0x1A0] =	vst v5;
	v5 =	vmul.f32 v9, v13  }
0x2c4: {  	v9 =	vld [tilespmem:s4+$0xB0];
	v10 =	vmul.f32 v10, v17;
	[tilespmem:s8+$0x1D0] =	vst v3  }
0x2c5: {  	v3 =	vld [tilespmem:s4+$0xA0];
	[tilespmem:s8+$0x140] =	vst v15  }
0x2c6: {  	s14 =	sadd.s32 $0xD, s13;
	v13 =	vld [tilespmem:s4+$0x90];
	[tilespmem:s8+$0x170] =	vst v11  }
0x2c7: {  	s14 =	sand.u32 $0xD, s14;
	v11 =	vld [tilespmem:s4+$0x80];
	[tilespmem:s8+$0x130] =	vst v16  }
0x2c8: {  	v16 =	vmov s14;
	v15 =	vld [tilespmem:s4+$0x70];
	[tilespmem:s8+$0x160] =	vst v12  }
0x2c9: {  	v16 =	vperm.xlane v2, v16;
	v12 =	vld [tilespmem:s4+$0x60];
	[tilespmem:s8+$0x120] =	vst v18  }
0x2ca: {  	v17 =	vld [tilespmem:s4+$0x50];
	[tilespmem:s8+$0x150] =	vst v14  }
0x2cb: {  	v9 =	vmul.f32 v9, v16;
	v14 =	vld [tilespmem:s4+$0x40];
	v13 =	vmul.f32 v13, v16;
	[tilespmem:s8+$0x110] =	vst v19  }
0x2cc: {  	v6 =	vmul.f32 v6, v16;
	v18 =	vld [tilespmem:s4+$0x30];
	v11 =	vmul.f32 v11, v16;
	[tilespmem:s8+$0x100] =	vst v10  }
0x2cd: {  	s14 =	sadd.s32 $0xC, s13;
	v4 =	vmul.f32 v4, v16;
	v7 =	vmul.f32 v7, v16;
	v10 =	vld [tilespmem:s4+$0x20];
	[tilespmem:s8+$0x1F0] =	vst v5  }
0x2ce: {  	s14 =	sand.u32 $0xC, s14;
	v3 =	vmul.f32 v3, v16;
	v8 =	vmul.f32 v8, v16;
	v5 =	vld [tilespmem:s4+$0x10];
	[tilespmem:s8+$0x90] =	vst v13  }
0x2cf: {  	v13 =	vmov s14;
	v16 =	vld [tilespmem:s4+$0x0];
	[tilespmem:s8+$0xC0] =	vst v6  }
0x2d0: {  	v13 =	vperm.xlane v2, v13;
	v6 =	vld [tilespmem:s4+$0xFFFFFFF0];
	[tilespmem:s8+$0x80] =	vst v11  }
0x2d1: {  	s14 =	sadd.s32 $0xB, s13;
	v11 =	vld [tilespmem:s4+$0xFFFFFFE0];
	[tilespmem:s8+$0xE0] =	vst v7  }
0x2d2: {  	s14 =	sand.u32 $0xB, s14;
	v18 =	vmul.f32 v18, v13;
	v7 =	vld [tilespmem:s4+$0xFFFFFFD0];
	v10 =	vmul.f32 v10, v13;
	[tilespmem:s8+$0xD0] =	vst v4  }
0x2d3: {  	v14 =	vmul.f32 v14, v13;
	v4 =	vmov s14;
	v19 =	vld [tilespmem:s4+$0xFFFFFFC0];
	v5 =	vmul.f32 v5, v13;
	[tilespmem:s8+$0xF0] =	vst v8  }
0x2d4: {  	v4 =	vperm.xlane v2, v4;
	v8 =	vld [tilespmem:s4+$0xFFFFFFB0];
	v16 =	vmul.f32 v16, v13;
	[tilespmem:s8+$0xA0] =	vst v3  }
0x2d5: {  	v17 =	vmul.f32 v17, v13;
	v12 =	vmul.f32 v12, v13;
	v3 =	vld [tilespmem:s4+$0xFFFFFFA0];
	[tilespmem:s8+$0xB0] =	vst v9  }
0x2d6: {  	v6 =	vmul.f32 v6, v4;
	v9 =	vld [tilespmem:s4+$0xFFFFFF90];
	v11 =	vmul.f32 v11, v4;
	[tilespmem:s8+$0x20] =	vst v10  }
0x2d7: {  	v13 =	vmul.f32 v15, v13;
	v10 =	vld [tilespmem:s4+$0xFFFFFF80];
	v7 =	vmul.f32 v7, v4;
	[tilespmem:s8+$0x30] =	vst v18  }
0x2d8: {  	v15 =	vld [tilespmem:s4+$0xFFFFFF70];
	v18 =	vmul.f32 v19, v4;
	[tilespmem:s8+$0x10] =	vst v5  }
0x2d9: {  	s14 =	sadd.s32 $0xA, s13;
	v5 =	vld [tilespmem:s4+$0xFFFFFF60];
	v8 =	vmul.f32 v8, v4;
	[tilespmem:s8+$0x0] =	vst v16  }
0x2da: {  	s14 =	sand.u32 $0xA, s14;
	v16 =	vld [tilespmem:s4+$0xFFFFFF50];
	v3 =	vmul.f32 v3, v4;
	[tilespmem:s8+$0x40] =	vst v14  }
0x2db: {  	v14 =	vmov s14;
	v19 =	vld [tilespmem:s4+$0xFFFFFF40];
	v9 =	vmul.f32 v9, v4;
	[tilespmem:s8+$0x60] =	vst v12  }
0x2dc: {  	v12 =	vperm.xlane v2, v14;
	v14 =	vld [tilespmem:s4+$0xFFFFFF30];
	v4 =	vmul.f32 v10, v4;
	[tilespmem:s8+$0x50] =	vst v17  }
0x2dd: {  	v10 =	vld [tilespmem:s4+$0xFFFFFF20];
	[tilespmem:s8+$0xFFFFFFF0] =	vst v6  }
0x2de: {  	v15 =	vmul.f32 v15, v12;
	v6 =	vld [tilespmem:s4+$0xFFFFFF10];
	v5 =	vmul.f32 v5, v12;
	[tilespmem:s8+$0xFFFFFFE0] =	vst v11  }
0x2df: {  	v11 =	vld [tilespmem:s4+$0xFFFFFF00];
	v16 =	vmul.f32 v16, v12;
	[tilespmem:s8+$0xFFFFFFD0] =	vst v7  }
0x2e0: {  	s13 =	sadd.s32 $0x9, s13;
	v7 =	vld [tilespmem:s4+$0xFFFFFEF0];
	v17 =	vmul.f32 v19, v12;
	[tilespmem:s8+$0x70] =	vst v13  }
0x2e1: {  	s13 =	sand.u32 $0x9, s13;
	v13 =	vld [tilespmem:s4+$0xFFFFFEE0];
	v14 =	vmul.f32 v14, v12;
	[tilespmem:s8+$0xFFFFFFB0] =	vst v8  }
0x2e2: {  	v8 =	vmov s13;
	v19 =	vld [tilespmem:s4+$0xFFFFFED0];
	v10 =	vmul.f32 v10, v12;
	[tilespmem:s8+$0xFFFFFFA0] =	vst v3  }
0x2e3: {  	v8 =	vperm.xlane v2, v8;
	v3 =	vld [tilespmem:s4+$0xFFFFFEC0];
	v6 =	vmul.f32 v6, v12;
	[tilespmem:s8+$0xFFFFFF90] =	vst v9  }
0x2e4: {  	v9 =	vld [tilespmem:s4+$0xFFFFFEB0];
	v11 =	vmul.f32 v11, v12;
	[tilespmem:s8+$0xFFFFFFC0] =	vst v18  }
0x2e5: {  	v12 =	vld [tilespmem:s4+$0xFFFFFEA0];
	v18 =	vmul.f32 v7, v8;
	[tilespmem:s8+$0xFFFFFF80] =	vst v4  }
0x2e6: {  	v4 =	vld [tilespmem:s4+$0xFFFFFE90];
	v7 =	vmul.f32 v13, v8;
	[tilespmem:s8+$0xFFFFFF60] =	vst v5  }
0x2e7: {  	v5 =	vld [tilespmem:s4+$0xFFFFFE80];
	v13 =	vmul.f32 v19, v8;
	[tilespmem:s8+$0xFFFFFF70] =	vst v15  }
0x2e8: {  	v15 =	vld [tilespmem:s4+$0xFFFFFE70];
	v19 =	vmul.f32 v3, v8;
	[tilespmem:s8+$0xFFFFFF40] =	vst v17  }
0x2e9: {  	v17 =	vld [tilespmem:s4+$0xFFFFFE60];
	v20 =	vmul.f32 v9, v8;
	[tilespmem:s8+$0xFFFFFF50] =	vst v16  }
0x2ea: {  	v9 =	vld [tilespmem:s4+$0xFFFFFE50];
	v12 =	vmul.f32 v12, v8;
	[tilespmem:s8+$0xFFFFFF20] =	vst v10  }
0x2eb: {  	v10 =	vmov s11;
	v16 =	vld [tilespmem:s4+$0xFFFFFE40];
	v3 =	vmul.f32 v4, v8;
	[tilespmem:s8+$0xFFFFFF10] =	vst v6  }
0x2ec: {  	v6 =	vperm.xlane v2, v10;
	v4 =	vld [tilespmem:s4+$0xFFFFFE30];
	v10 =	vmul.f32 v5, v8;
	[tilespmem:s8+$0xFFFFFF30] =	vst v14  }
0x2ed: {  	v5 =	vld [tilespmem:s4+$0xFFFFFE20];
	[tilespmem:s8+$0xFFFFFF00] =	vst v11  }
0x2ee: {  	v11 =	vld [tilespmem:s4+$0xFFFFFE10];
	v14 =	vmul.f32 v17, v6;
	[tilespmem:s8+$0xFFFFFEE0] =	vst v7  }
0x2ef: {  	v17 =	vld [tilespmem:s4+$0xFFFFFE00];
	v9 =	vmul.f32 v9, v6;
	[tilespmem:s8+$0xFFFFFED0] =	vst v13  }
0x2f0: {  	v2 =	vmul.f32 v16, v6;
	[tilespmem:s8+$0xFFFFFEC0] =	vst v19  }
.Ltmp5:
0x2f1: {  	v8 =	vmul.f32 v4, v6;
	[tilespmem:s8+$0xFFFFFEB0] =	vst v20;
	(pc) =	sbr.rel @p0 .LBB2_14-.Ltmp5, $4  }
0x2f2: {  	v7 =	vmul.f32 v15, v6;
	v4 =	vmul.f32 v5, v6;
	[tilespmem:s8+$0xFFFFFEF0] =	vst v18  }
0x2f3: {  	v5 =	vmul.f32 v11, v6;
	[tilespmem:s8+$0xFFFFFEA0] =	vst v12  }
0x2f4: {  	v6 =	vmul.f32 v17, v6;
	[tilespmem:s8+$0xFFFFFE80] =	vst v10  }
0x2f5: {  	[tilespmem:s8+$0xFFFFFE60] =	vst v14  }
0x2f6: {  	[tilespmem:s0+$0xFFFFFE50] =	vst v9  }
0x2f7: {  	[tilespmem:s0+$0xFFFFFE40] =	vst v2  }
0x2f8: {  	[tilespmem:s0+$0xFFFFFE30] =	vst v8  }
0x2f9: {  	[tilespmem:s0+$0xFFFFFE90] =	vst v3  }
0x2fa: {  	[tilespmem:s0+$0xFFFFFE70] =	vst v7;
	s25 =	sadd.s32 $0x1, s25  }
0x2fb: {  	[tilespmem:s0+$0xFFFFFE20] =	vst v4;
	p0 =	sne.s32 s25, $0x7  }
.Ltmp6:
0x2fc: {  	[tilespmem:s0+$0xFFFFFE10] =	vst v5;
	(pc) =	sbr.rel @p0 .LBB2_11-.Ltmp6, $4  }
0x2fd: {  	[tilespmem:s0+$0xFFFFFE00] =	vst v6;
	s22 =	sadd.s32 $0x180, s22  }
0x2fe: {  	[tilespmem:s9], [sflag:$0x2] =	stream.indirect.gather [hbm4b:s5+s3], $0x80, s22, s3, $0xb8;
	v63 =	vld [tilespmem:$0x0]  }
0x2ff: {  	s30 =	sadd.s32 $0x1000, s1  }
0x300: {  	[spmem:s2] =	stream.indirect.scatter.add.f32 [tilespmem:s26], [sflag:$0x4], $0x80, s30, s3, $0xb8;
	v63 =	vld [tilespmem:$0x0]  }
0x301: {  	_ =	swait.ge [sflag:s10], $0x2800  }
0x302: {  	[sflag:s10] =	ssyncset.done $0x0  }
0x303: {  	[sflag:s10] =	ssyncadd.s32 $0xFFFFD800  }
0x304: {  	_ =	swait.ge [sflag:s18], $0x2800  }
0x305: {  	[sflag:s18] =	ssyncset.done $0x0  }
0x306: {  	s0 =	simm.s32 $0x2200;
	[sflag:s18] =	ssyncadd.s32 $0xFFFFD800  }
0x307: {  	v3 =	vld [tilespmem:s0+$0x1C0]  }
0x308: {  	s1 =	simm.s32 $0x0;
	v7 =	vld [tilespmem:s0+$0xFFFFFE00]  }
0x309: {  	s4 =	sand.u32 $0x70, s1;
	v6 =	vld [tilespmem:s0+$0xFFFFFE70]  }
0x30a: {  	v5 =	vld [tilespmem:s4+$0x1F00]  }
0x30b: {  	v8 =	vld [tilespmem:s0+$0xFFFFFE10]  }
0x30c: {  	v2 =	vld [tilespmem:s0+$0xFFFFFE20]  }
0x30d: {  	s8 =	sand.u32 $0x8, s1;
	v9 =	vld [tilespmem:s0+$0xFFFFFE30]  }
0x30e: {  	v4 =	vmov s8;
	v10 =	vld [tilespmem:s0+$0xFFFFFE40]  }
0x30f: {  	v11 =	vld [tilespmem:s0+$0xFFFFFE50];
	v4 =	vperm.xlane v5, v4  }
0x310: {  	v12 =	vld [tilespmem:s0+$0xFFFFFE60]  }
0x311: {  	v13 =	vld [tilespmem:s0+$0xFFFFFEF0];
	v7 =	vmul.f32 v7, v4  }
0x312: {  	s4 =	simm.s32 $0x7200;
	v14 =	vld [tilespmem:s0+$0xFFFFFE80];
	v8 =	vmul.f32 v8, v4  }
0x313: {  	s8 =	simm.s32 $0x1;
	v9 =	vmul.f32 v9, v4;
	[tilespmem:s4+$0xFFFFFE00] =	vst v7;
	v7 =	vmul.f32 v10, v4;
	v10 =	vld [tilespmem:s0+$0xFFFFFE90]  }
0x314: {  	s8 =	sand.u32 $0x9, s8;
	[tilespmem:s4+$0xFFFFFE10] =	vst v8;
	v8 =	vld [tilespmem:s0+$0xFFFFFEE0]  }
0x315: {  	v15 =	vmov s8;
	v25 =	vld [tilespmem:s0+$0xFFFFFEB0];
	[tilespmem:s4+$0xFFFFFE30] =	vst v9;
	v9 =	vmul.f32 v11, v4  }
0x316: {  	v26 =	vld [tilespmem:s0+$0xFFFFFF70];
	v15 =	vperm.xlane v5, v15;
	[tilespmem:s4+$0xFFFFFE40] =	vst v7;
	v7 =	vmul.f32 v12, v4  }
0x317: {  	v6 =	vmul.f32 v6, v4;
	[tilespmem:s4+$0xFFFFFE50] =	vst v9;
	v9 =	vld [tilespmem:s0+$0xFFFFFEC0]  }
0x318: {  	[tilespmem:s4+$0xFFFFFE60] =	vst v7;
	v7 =	vld [tilespmem:s0+$0xFFFFFED0];
	v10 =	vmul.f32 v10, v15  }
0x319: {  	v11 =	vld [tilespmem:s0+$0xFFFFFEA0];
	[tilespmem:s4+$0xFFFFFE70] =	vst v6;
	v8 =	vmul.f32 v8, v15  }
0x31a: {  	v27 =	vld [tilespmem:s0+$0xFFFFFF00];
	v14 =	vmul.f32 v14, v15;
	[tilespmem:s4+$0xFFFFFE90] =	vst v10  }
0x31b: {  	s11 =	simm.s32 $0x2;
	v10 =	vmul.f32 v25, v15;
	[tilespmem:s4+$0xFFFFFEE0] =	vst v8;
	v8 =	vld [tilespmem:s0+$0xFFFFFF50]  }
0x31c: {  	s8 =	sand.u32 $0xA, s11;
	v16 =	vld [tilespmem:s0+$0xFFFFFF20];
	[tilespmem:s4+$0xFFFFFE80] =	vst v14;
	v9 =	vmul.f32 v9, v15  }
0x31d: {  	v28 =	vld [tilespmem:s0+$0xFFFFFF60];
	[tilespmem:s4+$0xFFFFFEB0] =	vst v10;
	v7 =	vmul.f32 v7, v15;
	v10 =	vmov s8  }
0x31e: {  	v11 =	vmul.f32 v11, v15;
	[tilespmem:s4+$0xFFFFFEC0] =	vst v9;
	v9 =	vperm.xlane v5, v10;
	v10 =	vld [tilespmem:s0+$0xFFFFFF30]  }
0x31f: {  	v13 =	vmul.f32 v13, v15;
	[tilespmem:s4+$0xFFFFFED0] =	vst v7;
	v7 =	vld [tilespmem:s0+$0xFFFFFF40]  }
0x320: {  	[tilespmem:s4+$0xFFFFFEA0] =	vst v11;
	v11 =	vld [tilespmem:s0+$0xFFFFFF10];
	v8 =	vmul.f32 v8, v9  }
0x321: {  	v30 =	vld [tilespmem:s0+$0xFFFFFFF0];
	[tilespmem:s4+$0xFFFFFEF0] =	vst v13;
	v12 =	vmul.f32 v27, v9  }
0x322: {  	v31 =	vld [tilespmem:s0+$0xFFFFFF90];
	[tilespmem:s4+$0xFFFFFF50] =	vst v8;
	v8 =	vmul.f32 v26, v9  }
0x323: {  	s13 =	simm.s32 $0x3;
	v34 =	vld [tilespmem:s0+$0xFFFFFFB0];
	[tilespmem:s4+$0xFFFFFF00] =	vst v12;
	v10 =	vmul.f32 v10, v9  }
0x324: {  	v36 =	vld [tilespmem:s0+$0x0];
	s8 =	sand.u32 $0xB, s13;
	v7 =	vmul.f32 v7, v9;
	[tilespmem:s4+$0xFFFFFF70] =	vst v8  }
0x325: {  	v32 =	vmov s8;
	v11 =	vmul.f32 v11, v9;
	[tilespmem:s4+$0xFFFFFF30] =	vst v10;
	v10 =	vld [tilespmem:s0+$0xFFFFFFA0]  }
0x326: {  	v33 =	vperm.xlane v5, v32;
	v8 =	vld [tilespmem:s0+$0xFFFFFFC0];
	[tilespmem:s4+$0xFFFFFF40] =	vst v7;
	v7 =	vmul.f32 v28, v9  }
0x327: {  	v29 =	vmul.f32 v16, v9;
	[tilespmem:s4+$0xFFFFFF10] =	vst v11;
	v9 =	vld [tilespmem:s0+$0xFFFFFFD0]  }
0x328: {  	v12 =	vmul.f32 v31, v33;
	[tilespmem:s4+$0xFFFFFF60] =	vst v7;
	v7 =	vld [tilespmem:s0+$0xFFFFFFE0]  }
0x329: {  	v35 =	vmul.f32 v34, v33;
	v11 =	vld [tilespmem:s0+$0xFFFFFF80];
	[tilespmem:s4+$0xFFFFFF20] =	vst v29  }
0x32a: {  	v38 =	vld [tilespmem:s0+$0x20];
	[tilespmem:s4+$0xFFFFFF90] =	vst v12;
	v10 =	vmul.f32 v10, v33  }
0x32b: {  	s14 =	simm.s32 $0x4;
	v39 =	vld [tilespmem:s0+$0x30];
	[tilespmem:s4+$0xFFFFFFB0] =	vst v35;
	v8 =	vmul.f32 v8, v33  }
0x32c: {  	s8 =	sand.u32 $0xC, s14;
	v9 =	vmul.f32 v9, v33;
	[tilespmem:s4+$0xFFFFFFA0] =	vst v10;
	v10 =	vld [tilespmem:s0+$0x10]  }
0x32d: {  	v37 =	vmov s8;
	[tilespmem:s4+$0xFFFFFFC0] =	vst v8;
	v8 =	vld [tilespmem:s0+$0x50];
	v7 =	vmul.f32 v7, v33  }
0x32e: {  	v40 =	vld [tilespmem:s0+$0x40];
	v11 =	vmul.f32 v11, v33;
	[tilespmem:s4+$0xFFFFFFD0] =	vst v9;
	v9 =	vperm.xlane v5, v37  }
0x32f: {  	v42 =	vld [tilespmem:s0+$0x90];
	[tilespmem:s4+$0xFFFFFFE0] =	vst v7;
	v7 =	vmul.f32 v30, v33  }
0x330: {  	[tilespmem:s4+$0xFFFFFF80] =	vst v11;
	v11 =	vld [tilespmem:s0+$0x70];
	v14 =	vmul.f32 v36, v9  }
0x331: {  	[tilespmem:s4+$0xFFFFFFF0] =	vst v7;
	v7 =	vld [tilespmem:s0+$0x60];
	v10 =	vmul.f32 v10, v9  }
0x332: {  	v43 =	vld [tilespmem:s0+$0x80];
	v8 =	vmul.f32 v8, v9;
	[tilespmem:s4+$0x0] =	vst v14  }
0x333: {  	s22 =	simm.s32 $0x5;
	v44 =	vld [tilespmem:s0+$0xA0];
	[tilespmem:s4+$0x10] =	vst v10;
	v10 =	vmul.f32 v39, v9  }
0x334: {  	v45 =	vld [tilespmem:s0+$0xB0];
	s8 =	sand.u32 $0xD, s22;
	v41 =	vmul.f32 v38, v9;
	[tilespmem:s4+$0x50] =	vst v8  }
0x335: {  	v46 =	vld [tilespmem:s0+$0xD0];
	v8 =	vmul.f32 v11, v9;
	[tilespmem:s4+$0x30] =	vst v10;
	v10 =	vmov s8  }
0x336: {  	v50 =	vld [tilespmem:s0+$0x100];
	[tilespmem:s4+$0x20] =	vst v41;
	v7 =	vmul.f32 v7, v9;
	v10 =	vperm.xlane v5, v10  }
0x337: {  	v13 =	vmul.f32 v40, v9;
	v11 =	vld [tilespmem:s0+$0xE0];
	[tilespmem:s4+$0x70] =	vst v8  }
0x338: {  	v8 =	vld [tilespmem:s0+$0xC0];
	[tilespmem:s4+$0x60] =	vst v7;
	v7 =	vmul.f32 v43, v10  }
0x339: {  	[tilespmem:s4+$0x40] =	vst v13;
	v9 =	vld [tilespmem:s0+$0xF0];
	v47 =	vmul.f32 v44, v10  }
0x33a: {  	v51 =	vld [tilespmem:s0+$0x110];
	v48 =	vmul.f32 v45, v10;
	[tilespmem:s4+$0x80] =	vst v7  }
0x33b: {  	s25 =	simm.s32 $0x6;
	v53 =	vld [tilespmem:s0+$0x160];
	v49 =	vmul.f32 v46, v10;
	[tilespmem:s4+$0xA0] =	vst v47  }
0x33c: {  	v54 =	vld [tilespmem:s0+$0x140];
	s8 =	sand.u32 $0xE, s25;
	v11 =	vmul.f32 v11, v10;
	[tilespmem:s4+$0xB0] =	vst v48  }
0x33d: {  	v56 =	vld [tilespmem:s0+$0x190];
	v52 =	vmov s8;
	v17 =	vmul.f32 v8, v10;
	[tilespmem:s4+$0xD0] =	vst v49  }
0x33e: {  	v57 =	vld [tilespmem:s0+$0x180];
	v8 =	vperm.xlane v5, v52;
	[tilespmem:s4+$0xE0] =	vst v11;
	v9 =	vmul.f32 v9, v10  }
0x33f: {  	v11 =	vld [tilespmem:s0+$0x130];
	v10 =	vmul.f32 v42, v10;
	[tilespmem:s4+$0xC0] =	vst v17  }
0x340: {  	v7 =	vld [tilespmem:s0+$0x170];
	v13 =	vmul.f32 v50, v8;
	[tilespmem:s4+$0xF0] =	vst v9  }
0x341: {  	s30 =	simm.s32 $0x7;
	v55 =	vmul.f32 v53, v8;
	v9 =	vld [tilespmem:s0+$0x120];
	[tilespmem:s4+$0x90] =	vst v10  }
0x342: {  	v6 =	vmov s30;
	v14 =	vmul.f32 v51, v8;
	v10 =	vld [tilespmem:s0+$0x150];
	[tilespmem:s4+$0x100] =	vst v13  }
0x343: {  	v1 =	vld [tilespmem:s0+$0x1E0];
	v5 =	vperm.xlane v5, v6;
	v6 =	vmul.f32 v54, v8;
	[tilespmem:s4+$0x160] =	vst v55  }
0x344: {  	v59 =	vld [tilespmem:s0+$0x1B0];
	[tilespmem:s4+$0x110] =	vst v14;
	v11 =	vmul.f32 v11, v8  }
0x345: {  	v58 =	vld [tilespmem:s0+$0x1A0];
	v3 =	vmul.f32 v3, v5;
	[tilespmem:s4+$0x140] =	vst v6  }
0x346: {  	v60 =	vmul.f32 v56, v5;
	v6 =	vld [tilespmem:s0+$0x1D0];
	[tilespmem:s4+$0x130] =	vst v11  }
0x347: {  	v61 =	vmul.f32 v57, v5;
	v11 =	vld [tilespmem:s0+$0x1F0];
	[tilespmem:s4+$0x1C0] =	vst v3  }
0x348: {  	v62 =	vmul.f32 v1, v5;
	[tilespmem:s4+$0x190] =	vst v60  }
0x349: {  	v12 =	vmul.f32 v59, v5;
	[tilespmem:s4+$0x180] =	vst v61  }
0x34a: {  	v3 =	vmul.f32 v58, v5;
	[tilespmem:s4+$0x1E0] =	vst v62  }
0x34b: {  	v1 =	vmul.f32 v2, v4;
	[tilespmem:s4+$0x1B0] =	vst v12;
	v9 =	vmul.f32 v9, v8  }
0x34c: {  	s8 =	simm.s32 $0x2600;
	s0 =	simm.s32 $0x7600;
	v4 =	vmul.f32 v10, v8;
	[tilespmem:s4+$0x1A0] =	vst v3;
	v10 =	vmul.f32 v11, v5  }
.LBB2_17:
0x34d: {  	s13 =	sadd.s32 $0x9, s1  }
0x34e: {  	s14 =	sadd.s32 $0xB, s1;
	v2 =	vld [tilespmem:s8+$0x1C0];
	[tilespmem:s4+$0x120] =	vst v9;
	s11 =	smov.u32 s1;
	s1 =	sadd.s32 $0x8, s1  }
0x34f: {  	s22 =	sand.u32 $0x70, s1;
	s25 =	sand.u32 $0x8, s1;
	s13 =	sand.u32 $0x9, s13;
	v3 =	vld [tilespmem:s8+$0x1E0];
	[tilespmem:s4+$0x150] =	vst v4;
	v4 =	vmul.f32 v7, v8  }
0x350: {  	v5 =	vmul.f32 v6, v5;
	s14 =	sand.u32 $0xB, s14;
	p0 =	slt.u32 s1, $0x48;
	v7 =	vld [tilespmem:s8+$0xFFFFFE00];
	v8 =	vmov s13;
	s13 =	sadd.s32 $0xA, s11;
	[tilespmem:s4+$0x1F0] =	vst v10  }
0x351: {  	v9 =	vmov s14;
	v6 =	vld [tilespmem:s8+$0xFFFFFE70];
	s13 =	sand.u32 $0xA, s13;
	[tilespmem:s4+$0x170] =	vst v4  }
0x352: {  	v4 =	vld [tilespmem:s22+$0x1F00];
	[tilespmem:s4+$0xFFFFFE20] =	vst v1  }
0x353: {  	v1 =	vld [tilespmem:s8+$0xFFFFFE10];
	[tilespmem:s4+$0x1D0] =	vst v5;
	s4 =	smov.u32 s0  }
0x354: {  	v5 =	vmov s25;
	v10 =	vld [tilespmem:s8+$0xFFFFFE20]  }
0x355: {  	v11 =	vld [tilespmem:s8+$0xFFFFFE30]  }
0x356: {  	v12 =	vld [tilespmem:s8+$0xFFFFFE40]  }
0x357: {  	v13 =	vperm.xlane v4, v5;
	v14 =	vld [tilespmem:s8+$0xFFFFFE50];
	v8 =	vperm.xlane v4, v8  }
0x358: {  	v15 =	vld [tilespmem:s8+$0xFFFFFE60]  }
0x359: {  	v7 =	vmul.f32 v7, v13;
	v16 =	vmul.f32 v1, v13;
	v17 =	vld [tilespmem:s8+$0xFFFFFEF0]  }
0x35a: {  	v5 =	vmul.f32 v6, v13;
	v11 =	vmul.f32 v11, v13;
	v6 =	vld [tilespmem:s8+$0xFFFFFE80]  }
0x35b: {  	v1 =	vmul.f32 v10, v13;
	[tilespmem:s0+$0xFFFFFE00] =	vst v7;
	v7 =	vmul.f32 v12, v13;
	v10 =	vld [tilespmem:s8+$0xFFFFFE90]  }
0x35c: {  	[tilespmem:s0+$0xFFFFFE30] =	vst v11;
	v11 =	vmul.f32 v14, v13;
	v12 =	vld [tilespmem:s8+$0xFFFFFEA0]  }
0x35d: {  	[tilespmem:s0+$0xFFFFFE40] =	vst v7;
	v7 =	vmul.f32 v15, v13;
	v13 =	vld [tilespmem:s8+$0xFFFFFEB0]  }
0x35e: {  	[tilespmem:s0+$0xFFFFFE50] =	vst v11;
	v11 =	vld [tilespmem:s8+$0xFFFFFEC0];
	v14 =	vmul.f32 v17, v8  }
0x35f: {  	[tilespmem:s0+$0xFFFFFE60] =	vst v7;
	v7 =	vld [tilespmem:s8+$0xFFFFFED0];
	v6 =	vmul.f32 v6, v8  }
0x360: {  	[tilespmem:s0+$0xFFFFFE10] =	vst v16;
	v15 =	vld [tilespmem:s8+$0xFFFFFEE0];
	v10 =	vmul.f32 v10, v8  }
0x361: {  	[tilespmem:s0+$0xFFFFFE80] =	vst v6;
	v6 =	vmul.f32 v12, v8;
	v12 =	vld [tilespmem:s8+$0xFFFFFF70]  }
0x362: {  	[tilespmem:s0+$0xFFFFFE90] =	vst v10;
	v10 =	vmul.f32 v13, v8;
	v13 =	vld [tilespmem:s8+$0xFFFFFF00]  }
0x363: {  	[tilespmem:s0+$0xFFFFFEA0] =	vst v6;
	v6 =	vmul.f32 v11, v8;
	v11 =	vld [tilespmem:s8+$0xFFFFFF10]  }
0x364: {  	[tilespmem:s0+$0xFFFFFEB0] =	vst v10;
	v7 =	vmul.f32 v7, v8;
	v10 =	vmov s13;
	v16 =	vld [tilespmem:s8+$0xFFFFFF20]  }
0x365: {  	[tilespmem:s0+$0xFFFFFEC0] =	vst v6;
	v6 =	vmul.f32 v15, v8;
	v8 =	vperm.xlane v4, v10;
	v10 =	vld [tilespmem:s8+$0xFFFFFF30]  }
0x366: {  	[tilespmem:s0+$0xFFFFFED0] =	vst v7;
	v7 =	vld [tilespmem:s8+$0xFFFFFF40]  }
0x367: {  	[tilespmem:s0+$0xFFFFFEE0] =	vst v6;
	v6 =	vld [tilespmem:s8+$0xFFFFFF50];
	v13 =	vmul.f32 v13, v8  }
0x368: {  	[tilespmem:s0+$0xFFFFFEF0] =	vst v14;
	v14 =	vld [tilespmem:s8+$0xFFFFFF60];
	v11 =	vmul.f32 v11, v8  }
0x369: {  	[tilespmem:s0+$0xFFFFFF00] =	vst v13;
	v13 =	vmul.f32 v16, v8;
	v15 =	vld [tilespmem:s8+$0xFFFFFFF0]  }
0x36a: {  	[tilespmem:s0+$0xFFFFFF10] =	vst v11;
	v10 =	vmul.f32 v10, v8;
	v11 =	vld [tilespmem:s8+$0xFFFFFF80]  }
0x36b: {  	[tilespmem:s0+$0xFFFFFF20] =	vst v13;
	v7 =	vmul.f32 v7, v8;
	v13 =	vld [tilespmem:s8+$0xFFFFFF90]  }
0x36c: {  	[tilespmem:s0+$0xFFFFFF30] =	vst v10;
	v6 =	vmul.f32 v6, v8;
	v10 =	vld [tilespmem:s8+$0xFFFFFFA0]  }
0x36d: {  	v9 =	vperm.xlane v4, v9;
	[tilespmem:s0+$0xFFFFFF40] =	vst v7;
	v7 =	vmul.f32 v14, v8;
	v14 =	vld [tilespmem:s8+$0xFFFFFFB0]  }
0x36e: {  	[tilespmem:s0+$0xFFFFFF50] =	vst v6;
	v6 =	vmul.f32 v12, v8;
	v8 =	vld [tilespmem:s8+$0xFFFFFFD0]  }
0x36f: {  	[tilespmem:s0+$0xFFFFFF60] =	vst v7;
	v7 =	vld [tilespmem:s8+$0xFFFFFFE0];
	v11 =	vmul.f32 v11, v9  }
0x370: {  	[tilespmem:s0+$0xFFFFFF70] =	vst v6;
	v6 =	vld [tilespmem:s8+$0xFFFFFFC0];
	v12 =	vmul.f32 v13, v9  }
0x371: {  	[tilespmem:s0+$0xFFFFFF80] =	vst v11;
	v10 =	vmul.f32 v10, v9;
	v11 =	vld [tilespmem:s8+$0x70]  }
0x372: {  	s13 =	sadd.s32 $0xC, s11;
	[tilespmem:s0+$0xFFFFFF90] =	vst v12;
	v12 =	vmul.f32 v14, v9;
	v13 =	vld [tilespmem:s8+$0x0]  }
0x373: {  	s13 =	sand.u32 $0xC, s13;
	[tilespmem:s0+$0xFFFFFFA0] =	vst v10;
	v8 =	vmul.f32 v8, v9;
	v10 =	vld [tilespmem:s8+$0x10]  }
0x374: {  	[tilespmem:s0+$0xFFFFFFB0] =	vst v12;
	v7 =	vmul.f32 v7, v9;
	v12 =	vmov s13;
	v14 =	vld [tilespmem:s8+$0x20]  }
0x375: {  	v6 =	vmul.f32 v6, v9;
	[tilespmem:s0+$0xFFFFFFD0] =	vst v8;
	v8 =	vperm.xlane v4, v12;
	v12 =	vld [tilespmem:s8+$0x30]  }
0x376: {  	[tilespmem:s0+$0xFFFFFFE0] =	vst v7;
	v7 =	vmul.f32 v15, v9;
	v9 =	vld [tilespmem:s8+$0x40]  }
0x377: {  	[tilespmem:s0+$0xFFFFFFC0] =	vst v6;
	v6 =	vld [tilespmem:s8+$0x50];
	v13 =	vmul.f32 v13, v8  }
0x378: {  	[tilespmem:s0+$0xFFFFFFF0] =	vst v7;
	v7 =	vld [tilespmem:s8+$0x60];
	v10 =	vmul.f32 v10, v8  }
0x379: {  	[tilespmem:s0+$0x0] =	vst v13;
	v13 =	vmul.f32 v14, v8;
	v14 =	vld [tilespmem:s8+$0x90]  }
0x37a: {  	s13 =	sadd.s32 $0xD, s11;
	[tilespmem:s0+$0x10] =	vst v10;
	v10 =	vmul.f32 v12, v8;
	v12 =	vld [tilespmem:s8+$0x80]  }
0x37b: {  	s13 =	sand.u32 $0xD, s13;
	[tilespmem:s0+$0x20] =	vst v13;
	v9 =	vmul.f32 v9, v8;
	v13 =	vld [tilespmem:s8+$0xA0]  }
0x37c: {  	[tilespmem:s0+$0x30] =	vst v10;
	v6 =	vmul.f32 v6, v8;
	v10 =	vmov s13;
	v15 =	vld [tilespmem:s8+$0xB0]  }
0x37d: {  	[tilespmem:s0+$0x40] =	vst v9;
	v7 =	vmul.f32 v7, v8;
	v9 =	vperm.xlane v4, v10;
	v10 =	vld [tilespmem:s8+$0xD0]  }
0x37e: {  	[tilespmem:s0+$0x50] =	vst v6;
	v6 =	vmul.f32 v11, v8;
	v8 =	vld [tilespmem:s8+$0xF0]  }
0x37f: {  	[tilespmem:s0+$0x60] =	vst v7;
	v11 =	vld [tilespmem:s8+$0xE0];
	v7 =	vmul.f32 v12, v9  }
0x380: {  	[tilespmem:s0+$0x70] =	vst v6;
	v6 =	vld [tilespmem:s8+$0xC0];
	v12 =	vmul.f32 v13, v9  }
0x381: {  	[tilespmem:s0+$0x80] =	vst v7;
	v13 =	vmul.f32 v15, v9;
	v7 =	vld [tilespmem:s8+$0x170]  }
0x382: {  	s13 =	sadd.s32 $0xE, s11;
	[tilespmem:s0+$0xA0] =	vst v12;
	v10 =	vmul.f32 v10, v9;
	v12 =	vld [tilespmem:s8+$0x100]  }
0x383: {  	s13 =	sand.u32 $0xE, s13;
	[tilespmem:s0+$0xB0] =	vst v13;
	v8 =	vmul.f32 v8, v9;
	v13 =	vld [tilespmem:s8+$0x110]  }
0x384: {  	[tilespmem:s0+$0xD0] =	vst v10;
	v10 =	vmul.f32 v11, v9;
	v11 =	vmov s13;
	v15 =	vld [tilespmem:s8+$0x160]  }
0x385: {  	v6 =	vmul.f32 v6, v9;
	[tilespmem:s0+$0xF0] =	vst v8;
	v8 =	vperm.xlane v4, v11;
	v11 =	vld [tilespmem:s8+$0x120]  }
0x386: {  	v9 =	vmul.f32 v14, v9;
	[tilespmem:s0+$0xE0] =	vst v10;
	v10 =	vld [tilespmem:s8+$0x130]  }
0x387: {  	[tilespmem:s0+$0xC0] =	vst v6;
	v6 =	vld [tilespmem:s8+$0x140];
	v12 =	vmul.f32 v12, v8  }
0x388: {  	[tilespmem:s0+$0x90] =	vst v9;
	v14 =	vld [tilespmem:s8+$0x150];
	v13 =	vmul.f32 v13, v8  }
0x389: {  	s11 =	sadd.s32 $0xF, s11;
	[tilespmem:s0+$0x100] =	vst v12;
	v12 =	vmul.f32 v15, v8;
	v15 =	vld [tilespmem:s8+$0x190]  }
0x38a: {  	[tilespmem:s0+$0xFFFFFE70] =	vst v5;
	v9 =	vmul.f32 v11, v8;
	v5 =	vmov s11;
	v11 =	vld [tilespmem:s8+$0x180]  }
0x38b: {  	v10 =	vmul.f32 v10, v8;
	[tilespmem:s0+$0x160] =	vst v12;
	v5 =	vperm.xlane v4, v5;
	v12 =	vld [tilespmem:s8+$0x1A0]  }
0x38c: {  	[tilespmem:s0+$0x110] =	vst v13;
	v6 =	vmul.f32 v6, v8;
	v13 =	vld [tilespmem:s8+$0x1B0]  }
0x38d: {  	[tilespmem:s0+$0x130] =	vst v10;
	v4 =	vmul.f32 v14, v8;
	v10 =	vld [tilespmem:s8+$0x1F0];
	v2 =	vmul.f32 v2, v5  }
0x38e: {  	v3 =	vmul.f32 v3, v5;
	[tilespmem:s0+$0x140] =	vst v6;
	v6 =	vld [tilespmem:s8+$0x1D0];
	v14 =	vmul.f32 v15, v5  }
0x38f: {  	v11 =	vmul.f32 v11, v5;
	[tilespmem:s0+$0x1C0] =	vst v2  }
.Ltmp7:
0x390: {  	[tilespmem:s0+$0x190] =	vst v14;
	v2 =	vmul.f32 v12, v5;
	(pc) =	sbr.rel @p0 .LBB2_17-.Ltmp7, $4  }
0x391: {  	[tilespmem:s0+$0x180] =	vst v11;
	v11 =	vmul.f32 v13, v5  }
0x392: {  	[tilespmem:s0+$0x1A0] =	vst v2;
	v10 =	vmul.f32 v10, v5  }
0x393: {  	[tilespmem:s0+$0x1E0] =	vst v3  }
0x394: {  	s8 =	sadd.s32 $0x400, s8;
	s0 =	sadd.s32 $0x400, s0;
	[tilespmem:s4+$0x1B0] =	vst v11  }
0x395: {  	[tilespmem:s4+$0x120] =	vst v9  }
0x396: {  	[tilespmem:s4+$0x150] =	vst v4  }
0x397: {  	v2 =	vmul.f32 v7, v8;
	[tilespmem:s4+$0x1F0] =	vst v10  }
0x398: {  	v3 =	vmul.f32 v6, v5;
	[tilespmem:s4+$0xFFFFFE20] =	vst v1  }
0x399: {  	[tilespmem:s4+$0x170] =	vst v2  }
0x39a: {  	[tilespmem:s4+$0x1D0] =	vst v3  }
0x39b: {  	[spmem:s2] =	stream.indirect.scatter.add.f32 [tilespmem:s28], [sflag:$0x3], $0x80, s20, s3, $0xb8;
	v63 =	vld [tilespmem:$0x0]  }
0x39c: {  	_ =	swait.ge [sflag:s12], $0x2800  }
0x39d: {  	[sflag:s12] =	ssyncset.done $0x0  }
0x39e: {  	[sflag:s12] =	ssyncadd.s32 $0xFFFFD800  }
0x39f: {  	_ =	swait.ge [sflag:s19], $0x2800  }
0x3a0: {  	[sflag:s19] =	ssyncset.done $0x0  }
0x3a1: {  	s0 =	simm.s32 $0x4A00;
	[sflag:s19] =	ssyncadd.s32 $0xFFFFD800  }
0x3a2: {  	v3 =	vld [tilespmem:s0+$0x1C0]  }
0x3a3: {  	s1 =	simm.s32 $0x0;
	v7 =	vld [tilespmem:s0+$0xFFFFFE00]  }
0x3a4: {  	s30 =	sand.u32 $0x70, s1;
	v6 =	vld [tilespmem:s0+$0xFFFFFE70]  }
0x3a5: {  	v5 =	vld [tilespmem:s30+$0x1F80]  }
0x3a6: {  	v8 =	vld [tilespmem:s0+$0xFFFFFE10]  }
0x3a7: {  	v2 =	vld [tilespmem:s0+$0xFFFFFE20]  }
0x3a8: {  	s8 =	sand.u32 $0x8, s1;
	v9 =	vld [tilespmem:s0+$0xFFFFFE30]  }
0x3a9: {  	v4 =	vmov s8;
	v10 =	vld [tilespmem:s0+$0xFFFFFE40]  }
0x3aa: {  	v11 =	vld [tilespmem:s0+$0xFFFFFE50];
	v4 =	vperm.xlane v5, v4  }
0x3ab: {  	v12 =	vld [tilespmem:s0+$0xFFFFFE60]  }
0x3ac: {  	v13 =	vld [tilespmem:s0+$0xFFFFFEF0];
	v7 =	vmul.f32 v7, v4  }
0x3ad: {  	s4 =	simm.s32 $0x9A00;
	v14 =	vld [tilespmem:s0+$0xFFFFFE80];
	v8 =	vmul.f32 v8, v4  }
0x3ae: {  	s8 =	simm.s32 $0x1;
	v9 =	vmul.f32 v9, v4;
	[tilespmem:s4+$0xFFFFFE00] =	vst v7;
	v7 =	vmul.f32 v10, v4;
	v10 =	vld [tilespmem:s0+$0xFFFFFE90]  }
0x3af: {  	s8 =	sand.u32 $0x9, s8;
	[tilespmem:s4+$0xFFFFFE10] =	vst v8;
	v8 =	vld [tilespmem:s0+$0xFFFFFEE0]  }
0x3b0: {  	v15 =	vmov s8;
	v25 =	vld [tilespmem:s0+$0xFFFFFEB0];
	[tilespmem:s4+$0xFFFFFE30] =	vst v9;
	v9 =	vmul.f32 v11, v4  }
0x3b1: {  	v26 =	vld [tilespmem:s0+$0xFFFFFF70];
	v15 =	vperm.xlane v5, v15;
	[tilespmem:s4+$0xFFFFFE40] =	vst v7;
	v7 =	vmul.f32 v12, v4  }
0x3b2: {  	v6 =	vmul.f32 v6, v4;
	[tilespmem:s4+$0xFFFFFE50] =	vst v9;
	v9 =	vld [tilespmem:s0+$0xFFFFFEC0]  }
0x3b3: {  	[tilespmem:s4+$0xFFFFFE60] =	vst v7;
	v7 =	vld [tilespmem:s0+$0xFFFFFED0];
	v10 =	vmul.f32 v10, v15  }
0x3b4: {  	v11 =	vld [tilespmem:s0+$0xFFFFFEA0];
	[tilespmem:s4+$0xFFFFFE70] =	vst v6;
	v8 =	vmul.f32 v8, v15  }
0x3b5: {  	v27 =	vld [tilespmem:s0+$0xFFFFFF00];
	v14 =	vmul.f32 v14, v15;
	[tilespmem:s4+$0xFFFFFE90] =	vst v10  }
0x3b6: {  	s11 =	simm.s32 $0x2;
	v10 =	vmul.f32 v25, v15;
	[tilespmem:s4+$0xFFFFFEE0] =	vst v8;
	v8 =	vld [tilespmem:s0+$0xFFFFFF50]  }
0x3b7: {  	s8 =	sand.u32 $0xA, s11;
	v16 =	vld [tilespmem:s0+$0xFFFFFF20];
	[tilespmem:s4+$0xFFFFFE80] =	vst v14;
	v9 =	vmul.f32 v9, v15  }
0x3b8: {  	v28 =	vld [tilespmem:s0+$0xFFFFFF60];
	[tilespmem:s4+$0xFFFFFEB0] =	vst v10;
	v7 =	vmul.f32 v7, v15;
	v10 =	vmov s8  }
0x3b9: {  	v11 =	vmul.f32 v11, v15;
	[tilespmem:s4+$0xFFFFFEC0] =	vst v9;
	v9 =	vperm.xlane v5, v10;
	v10 =	vld [tilespmem:s0+$0xFFFFFF30]  }
0x3ba: {  	v13 =	vmul.f32 v13, v15;
	[tilespmem:s4+$0xFFFFFED0] =	vst v7;
	v7 =	vld [tilespmem:s0+$0xFFFFFF40]  }
0x3bb: {  	[tilespmem:s4+$0xFFFFFEA0] =	vst v11;
	v11 =	vld [tilespmem:s0+$0xFFFFFF10];
	v8 =	vmul.f32 v8, v9  }
0x3bc: {  	v30 =	vld [tilespmem:s0+$0xFFFFFFF0];
	[tilespmem:s4+$0xFFFFFEF0] =	vst v13;
	v12 =	vmul.f32 v27, v9  }
0x3bd: {  	v31 =	vld [tilespmem:s0+$0xFFFFFF90];
	[tilespmem:s4+$0xFFFFFF50] =	vst v8;
	v8 =	vmul.f32 v26, v9  }
0x3be: {  	s13 =	simm.s32 $0x3;
	v34 =	vld [tilespmem:s0+$0xFFFFFFB0];
	[tilespmem:s4+$0xFFFFFF00] =	vst v12;
	v10 =	vmul.f32 v10, v9  }
0x3bf: {  	v36 =	vld [tilespmem:s0+$0x0];
	s8 =	sand.u32 $0xB, s13;
	v7 =	vmul.f32 v7, v9;
	[tilespmem:s4+$0xFFFFFF70] =	vst v8  }
0x3c0: {  	v32 =	vmov s8;
	v11 =	vmul.f32 v11, v9;
	[tilespmem:s4+$0xFFFFFF30] =	vst v10;
	v10 =	vld [tilespmem:s0+$0xFFFFFFA0]  }
0x3c1: {  	v33 =	vperm.xlane v5, v32;
	v8 =	vld [tilespmem:s0+$0xFFFFFFC0];
	[tilespmem:s4+$0xFFFFFF40] =	vst v7;
	v7 =	vmul.f32 v28, v9  }
0x3c2: {  	v29 =	vmul.f32 v16, v9;
	[tilespmem:s4+$0xFFFFFF10] =	vst v11;
	v9 =	vld [tilespmem:s0+$0xFFFFFFD0]  }
0x3c3: {  	v12 =	vmul.f32 v31, v33;
	[tilespmem:s4+$0xFFFFFF60] =	vst v7;
	v7 =	vld [tilespmem:s0+$0xFFFFFFE0]  }
0x3c4: {  	v35 =	vmul.f32 v34, v33;
	v11 =	vld [tilespmem:s0+$0xFFFFFF80];
	[tilespmem:s4+$0xFFFFFF20] =	vst v29  }
0x3c5: {  	v38 =	vld [tilespmem:s0+$0x20];
	[tilespmem:s4+$0xFFFFFF90] =	vst v12;
	v10 =	vmul.f32 v10, v33  }
0x3c6: {  	s14 =	simm.s32 $0x4;
	v39 =	vld [tilespmem:s0+$0x30];
	[tilespmem:s4+$0xFFFFFFB0] =	vst v35;
	v8 =	vmul.f32 v8, v33  }
0x3c7: {  	s8 =	sand.u32 $0xC, s14;
	v9 =	vmul.f32 v9, v33;
	[tilespmem:s4+$0xFFFFFFA0] =	vst v10;
	v10 =	vld [tilespmem:s0+$0x10]  }
0x3c8: {  	v37 =	vmov s8;
	[tilespmem:s4+$0xFFFFFFC0] =	vst v8;
	v8 =	vld [tilespmem:s0+$0x50];
	v7 =	vmul.f32 v7, v33  }
0x3c9: {  	v40 =	vld [tilespmem:s0+$0x40];
	v11 =	vmul.f32 v11, v33;
	[tilespmem:s4+$0xFFFFFFD0] =	vst v9;
	v9 =	vperm.xlane v5, v37  }
0x3ca: {  	v42 =	vld [tilespmem:s0+$0x90];
	[tilespmem:s4+$0xFFFFFFE0] =	vst v7;
	v7 =	vmul.f32 v30, v33  }
0x3cb: {  	[tilespmem:s4+$0xFFFFFF80] =	vst v11;
	v11 =	vld [tilespmem:s0+$0x70];
	v14 =	vmul.f32 v36, v9  }
0x3cc: {  	[tilespmem:s4+$0xFFFFFFF0] =	vst v7;
	v7 =	vld [tilespmem:s0+$0x60];
	v10 =	vmul.f32 v10, v9  }
0x3cd: {  	v43 =	vld [tilespmem:s0+$0x80];
	v8 =	vmul.f32 v8, v9;
	[tilespmem:s4+$0x0] =	vst v14  }
0x3ce: {  	s22 =	simm.s32 $0x5;
	v44 =	vld [tilespmem:s0+$0xA0];
	[tilespmem:s4+$0x10] =	vst v10;
	v10 =	vmul.f32 v39, v9  }
0x3cf: {  	v45 =	vld [tilespmem:s0+$0xB0];
	s8 =	sand.u32 $0xD, s22;
	v41 =	vmul.f32 v38, v9;
	[tilespmem:s4+$0x50] =	vst v8  }
0x3d0: {  	v46 =	vld [tilespmem:s0+$0xD0];
	v8 =	vmul.f32 v11, v9;
	[tilespmem:s4+$0x30] =	vst v10;
	v10 =	vmov s8  }
0x3d1: {  	v50 =	vld [tilespmem:s0+$0x100];
	[tilespmem:s4+$0x20] =	vst v41;
	v7 =	vmul.f32 v7, v9;
	v10 =	vperm.xlane v5, v10  }
0x3d2: {  	v13 =	vmul.f32 v40, v9;
	v11 =	vld [tilespmem:s0+$0xE0];
	[tilespmem:s4+$0x70] =	vst v8  }
0x3d3: {  	v8 =	vld [tilespmem:s0+$0xC0];
	[tilespmem:s4+$0x60] =	vst v7;
	v7 =	vmul.f32 v43, v10  }
0x3d4: {  	[tilespmem:s4+$0x40] =	vst v13;
	v9 =	vld [tilespmem:s0+$0xF0];
	v47 =	vmul.f32 v44, v10  }
0x3d5: {  	v51 =	vld [tilespmem:s0+$0x110];
	v48 =	vmul.f32 v45, v10;
	[tilespmem:s4+$0x80] =	vst v7  }
0x3d6: {  	s25 =	simm.s32 $0x6;
	v53 =	vld [tilespmem:s0+$0x160];
	v49 =	vmul.f32 v46, v10;
	[tilespmem:s4+$0xA0] =	vst v47  }
0x3d7: {  	v54 =	vld [tilespmem:s0+$0x140];
	s8 =	sand.u32 $0xE, s25;
	v11 =	vmul.f32 v11, v10;
	[tilespmem:s4+$0xB0] =	vst v48  }
0x3d8: {  	v56 =	vld [tilespmem:s0+$0x190];
	v52 =	vmov s8;
	v17 =	vmul.f32 v8, v10;
	[tilespmem:s4+$0xD0] =	vst v49  }
0x3d9: {  	v57 =	vld [tilespmem:s0+$0x180];
	v8 =	vperm.xlane v5, v52;
	[tilespmem:s4+$0xE0] =	vst v11;
	v9 =	vmul.f32 v9, v10  }
0x3da: {  	v11 =	vld [tilespmem:s0+$0x130];
	v10 =	vmul.f32 v42, v10;
	[tilespmem:s4+$0xC0] =	vst v17  }
0x3db: {  	v7 =	vld [tilespmem:s0+$0x170];
	v13 =	vmul.f32 v50, v8;
	[tilespmem:s4+$0xF0] =	vst v9  }
0x3dc: {  	s30 =	simm.s32 $0x7;
	v55 =	vmul.f32 v53, v8;
	v9 =	vld [tilespmem:s0+$0x120];
	[tilespmem:s4+$0x90] =	vst v10  }
0x3dd: {  	v6 =	vmov s30;
	v14 =	vmul.f32 v51, v8;
	v10 =	vld [tilespmem:s0+$0x150];
	[tilespmem:s4+$0x100] =	vst v13  }
0x3de: {  	v1 =	vld [tilespmem:s0+$0x1E0];
	v5 =	vperm.xlane v5, v6;
	v6 =	vmul.f32 v54, v8;
	[tilespmem:s4+$0x160] =	vst v55  }
0x3df: {  	v59 =	vld [tilespmem:s0+$0x1B0];
	[tilespmem:s4+$0x110] =	vst v14;
	v11 =	vmul.f32 v11, v8  }
0x3e0: {  	v58 =	vld [tilespmem:s0+$0x1A0];
	v3 =	vmul.f32 v3, v5;
	[tilespmem:s4+$0x140] =	vst v6  }
0x3e1: {  	v60 =	vmul.f32 v56, v5;
	v6 =	vld [tilespmem:s0+$0x1D0];
	[tilespmem:s4+$0x130] =	vst v11  }
0x3e2: {  	v61 =	vmul.f32 v57, v5;
	v11 =	vld [tilespmem:s0+$0x1F0];
	[tilespmem:s4+$0x1C0] =	vst v3  }
0x3e3: {  	v62 =	vmul.f32 v1, v5;
	[tilespmem:s4+$0x190] =	vst v60  }
0x3e4: {  	v12 =	vmul.f32 v59, v5;
	[tilespmem:s4+$0x180] =	vst v61  }
0x3e5: {  	v3 =	vmul.f32 v58, v5;
	[tilespmem:s4+$0x1E0] =	vst v62  }
0x3e6: {  	v1 =	vmul.f32 v2, v4;
	[tilespmem:s4+$0x1B0] =	vst v12;
	v9 =	vmul.f32 v9, v8  }
0x3e7: {  	s8 =	simm.s32 $0x4E00;
	s0 =	simm.s32 $0x9E00;
	v4 =	vmul.f32 v10, v8;
	[tilespmem:s4+$0x1A0] =	vst v3;
	v10 =	vmul.f32 v11, v5  }
.LBB2_19:
0x3e8: {  	s13 =	sadd.s32 $0x9, s1  }
0x3e9: {  	s14 =	sadd.s32 $0xB, s1;
	v2 =	vld [tilespmem:s8+$0x1C0];
	[tilespmem:s4+$0x120] =	vst v9;
	s11 =	smov.u32 s1;
	s1 =	sadd.s32 $0x8, s1  }
0x3ea: {  	s22 =	sand.u32 $0x70, s1;
	s25 =	sand.u32 $0x8, s1;
	s13 =	sand.u32 $0x9, s13;
	v3 =	vld [tilespmem:s8+$0x1E0];
	[tilespmem:s4+$0x150] =	vst v4;
	v4 =	vmul.f32 v7, v8  }
0x3eb: {  	v5 =	vmul.f32 v6, v5;
	s14 =	sand.u32 $0xB, s14;
	p0 =	slt.u32 s1, $0x48;
	v7 =	vld [tilespmem:s8+$0xFFFFFE00];
	v8 =	vmov s13;
	s13 =	sadd.s32 $0xA, s11;
	[tilespmem:s4+$0x1F0] =	vst v10  }
0x3ec: {  	v9 =	vmov s14;
	v6 =	vld [tilespmem:s8+$0xFFFFFE70];
	s13 =	sand.u32 $0xA, s13;
	[tilespmem:s4+$0x170] =	vst v4  }
0x3ed: {  	v4 =	vld [tilespmem:s22+$0x1F80];
	[tilespmem:s4+$0xFFFFFE20] =	vst v1  }
0x3ee: {  	v1 =	vld [tilespmem:s8+$0xFFFFFE10];
	[tilespmem:s4+$0x1D0] =	vst v5;
	s4 =	smov.u32 s0  }
0x3ef: {  	v5 =	vmov s25;
	v10 =	vld [tilespmem:s8+$0xFFFFFE20]  }
0x3f0: {  	v11 =	vld [tilespmem:s8+$0xFFFFFE30]  }
0x3f1: {  	v12 =	vld [tilespmem:s8+$0xFFFFFE40]  }
0x3f2: {  	v13 =	vperm.xlane v4, v5;
	v14 =	vld [tilespmem:s8+$0xFFFFFE50];
	v8 =	vperm.xlane v4, v8  }
0x3f3: {  	v15 =	vld [tilespmem:s8+$0xFFFFFE60]  }
0x3f4: {  	v7 =	vmul.f32 v7, v13;
	v16 =	vmul.f32 v1, v13;
	v17 =	vld [tilespmem:s8+$0xFFFFFEF0]  }
0x3f5: {  	v5 =	vmul.f32 v6, v13;
	v11 =	vmul.f32 v11, v13;
	v6 =	vld [tilespmem:s8+$0xFFFFFE80]  }
0x3f6: {  	v1 =	vmul.f32 v10, v13;
	[tilespmem:s0+$0xFFFFFE00] =	vst v7;
	v7 =	vmul.f32 v12, v13;
	v10 =	vld [tilespmem:s8+$0xFFFFFE90]  }
0x3f7: {  	[tilespmem:s0+$0xFFFFFE30] =	vst v11;
	v11 =	vmul.f32 v14, v13;
	v12 =	vld [tilespmem:s8+$0xFFFFFEA0]  }
0x3f8: {  	[tilespmem:s0+$0xFFFFFE40] =	vst v7;
	v7 =	vmul.f32 v15, v13;
	v13 =	vld [tilespmem:s8+$0xFFFFFEB0]  }
0x3f9: {  	[tilespmem:s0+$0xFFFFFE50] =	vst v11;
	v11 =	vld [tilespmem:s8+$0xFFFFFEC0];
	v14 =	vmul.f32 v17, v8  }
0x3fa: {  	[tilespmem:s0+$0xFFFFFE60] =	vst v7;
	v7 =	vld [tilespmem:s8+$0xFFFFFED0];
	v6 =	vmul.f32 v6, v8  }
0x3fb: {  	[tilespmem:s0+$0xFFFFFE10] =	vst v16;
	v15 =	vld [tilespmem:s8+$0xFFFFFEE0];
	v10 =	vmul.f32 v10, v8  }
0x3fc: {  	[tilespmem:s0+$0xFFFFFE80] =	vst v6;
	v6 =	vmul.f32 v12, v8;
	v12 =	vld [tilespmem:s8+$0xFFFFFF70]  }
0x3fd: {  	[tilespmem:s0+$0xFFFFFE90] =	vst v10;
	v10 =	vmul.f32 v13, v8;
	v13 =	vld [tilespmem:s8+$0xFFFFFF00]  }
0x3fe: {  	[tilespmem:s0+$0xFFFFFEA0] =	vst v6;
	v6 =	vmul.f32 v11, v8;
	v11 =	vld [tilespmem:s8+$0xFFFFFF10]  }
0x3ff: {  	[tilespmem:s0+$0xFFFFFEB0] =	vst v10;
	v7 =	vmul.f32 v7, v8;
	v10 =	vmov s13;
	v16 =	vld [tilespmem:s8+$0xFFFFFF20]  }
0x400: {  	[tilespmem:s0+$0xFFFFFEC0] =	vst v6;
	v6 =	vmul.f32 v15, v8;
	v8 =	vperm.xlane v4, v10;
	v10 =	vld [tilespmem:s8+$0xFFFFFF30]  }
0x401: {  	[tilespmem:s0+$0xFFFFFED0] =	vst v7;
	v7 =	vld [tilespmem:s8+$0xFFFFFF40]  }
0x402: {  	[tilespmem:s0+$0xFFFFFEE0] =	vst v6;
	v6 =	vld [tilespmem:s8+$0xFFFFFF50];
	v13 =	vmul.f32 v13, v8  }
0x403: {  	[tilespmem:s0+$0xFFFFFEF0] =	vst v14;
	v14 =	vld [tilespmem:s8+$0xFFFFFF60];
	v11 =	vmul.f32 v11, v8  }
0x404: {  	[tilespmem:s0+$0xFFFFFF00] =	vst v13;
	v13 =	vmul.f32 v16, v8;
	v15 =	vld [tilespmem:s8+$0xFFFFFFF0]  }
0x405: {  	[tilespmem:s0+$0xFFFFFF10] =	vst v11;
	v10 =	vmul.f32 v10, v8;
	v11 =	vld [tilespmem:s8+$0xFFFFFF80]  }
0x406: {  	[tilespmem:s0+$0xFFFFFF20] =	vst v13;
	v7 =	vmul.f32 v7, v8;
	v13 =	vld [tilespmem:s8+$0xFFFFFF90]  }
0x407: {  	[tilespmem:s0+$0xFFFFFF30] =	vst v10;
	v6 =	vmul.f32 v6, v8;
	v10 =	vld [tilespmem:s8+$0xFFFFFFA0]  }
0x408: {  	v9 =	vperm.xlane v4, v9;
	[tilespmem:s0+$0xFFFFFF40] =	vst v7;
	v7 =	vmul.f32 v14, v8;
	v14 =	vld [tilespmem:s8+$0xFFFFFFB0]  }
0x409: {  	[tilespmem:s0+$0xFFFFFF50] =	vst v6;
	v6 =	vmul.f32 v12, v8;
	v8 =	vld [tilespmem:s8+$0xFFFFFFD0]  }
0x40a: {  	[tilespmem:s0+$0xFFFFFF60] =	vst v7;
	v7 =	vld [tilespmem:s8+$0xFFFFFFE0];
	v11 =	vmul.f32 v11, v9  }
0x40b: {  	[tilespmem:s0+$0xFFFFFF70] =	vst v6;
	v6 =	vld [tilespmem:s8+$0xFFFFFFC0];
	v12 =	vmul.f32 v13, v9  }
0x40c: {  	[tilespmem:s0+$0xFFFFFF80] =	vst v11;
	v10 =	vmul.f32 v10, v9;
	v11 =	vld [tilespmem:s8+$0x70]  }
0x40d: {  	s13 =	sadd.s32 $0xC, s11;
	[tilespmem:s0+$0xFFFFFF90] =	vst v12;
	v12 =	vmul.f32 v14, v9;
	v13 =	vld [tilespmem:s8+$0x0]  }
0x40e: {  	s13 =	sand.u32 $0xC, s13;
	[tilespmem:s0+$0xFFFFFFA0] =	vst v10;
	v8 =	vmul.f32 v8, v9;
	v10 =	vld [tilespmem:s8+$0x10]  }
0x40f: {  	[tilespmem:s0+$0xFFFFFFB0] =	vst v12;
	v7 =	vmul.f32 v7, v9;
	v12 =	vmov s13;
	v14 =	vld [tilespmem:s8+$0x20]  }
0x410: {  	v6 =	vmul.f32 v6, v9;
	[tilespmem:s0+$0xFFFFFFD0] =	vst v8;
	v8 =	vperm.xlane v4, v12;
	v12 =	vld [tilespmem:s8+$0x30]  }
0x411: {  	[tilespmem:s0+$0xFFFFFFE0] =	vst v7;
	v7 =	vmul.f32 v15, v9;
	v9 =	vld [tilespmem:s8+$0x40]  }
0x412: {  	[tilespmem:s0+$0xFFFFFFC0] =	vst v6;
	v6 =	vld [tilespmem:s8+$0x50];
	v13 =	vmul.f32 v13, v8  }
0x413: {  	[tilespmem:s0+$0xFFFFFFF0] =	vst v7;
	v7 =	vld [tilespmem:s8+$0x60];
	v10 =	vmul.f32 v10, v8  }
0x414: {  	[tilespmem:s0+$0x0] =	vst v13;
	v13 =	vmul.f32 v14, v8;
	v14 =	vld [tilespmem:s8+$0x90]  }
0x415: {  	s13 =	sadd.s32 $0xD, s11;
	[tilespmem:s0+$0x10] =	vst v10;
	v10 =	vmul.f32 v12, v8;
	v12 =	vld [tilespmem:s8+$0x80]  }
0x416: {  	s13 =	sand.u32 $0xD, s13;
	[tilespmem:s0+$0x20] =	vst v13;
	v9 =	vmul.f32 v9, v8;
	v13 =	vld [tilespmem:s8+$0xA0]  }
0x417: {  	[tilespmem:s0+$0x30] =	vst v10;
	v6 =	vmul.f32 v6, v8;
	v10 =	vmov s13;
	v15 =	vld [tilespmem:s8+$0xB0]  }
0x418: {  	[tilespmem:s0+$0x40] =	vst v9;
	v7 =	vmul.f32 v7, v8;
	v9 =	vperm.xlane v4, v10;
	v10 =	vld [tilespmem:s8+$0xD0]  }
0x419: {  	[tilespmem:s0+$0x50] =	vst v6;
	v6 =	vmul.f32 v11, v8;
	v8 =	vld [tilespmem:s8+$0xF0]  }
0x41a: {  	[tilespmem:s0+$0x60] =	vst v7;
	v11 =	vld [tilespmem:s8+$0xE0];
	v7 =	vmul.f32 v12, v9  }
0x41b: {  	[tilespmem:s0+$0x70] =	vst v6;
	v6 =	vld [tilespmem:s8+$0xC0];
	v12 =	vmul.f32 v13, v9  }
0x41c: {  	[tilespmem:s0+$0x80] =	vst v7;
	v13 =	vmul.f32 v15, v9;
	v7 =	vld [tilespmem:s8+$0x170]  }
0x41d: {  	s13 =	sadd.s32 $0xE, s11;
	[tilespmem:s0+$0xA0] =	vst v12;
	v10 =	vmul.f32 v10, v9;
	v12 =	vld [tilespmem:s8+$0x100]  }
0x41e: {  	s13 =	sand.u32 $0xE, s13;
	[tilespmem:s0+$0xB0] =	vst v13;
	v8 =	vmul.f32 v8, v9;
	v13 =	vld [tilespmem:s8+$0x110]  }
0x41f: {  	[tilespmem:s0+$0xD0] =	vst v10;
	v10 =	vmul.f32 v11, v9;
	v11 =	vmov s13;
	v15 =	vld [tilespmem:s8+$0x160]  }
0x420: {  	v6 =	vmul.f32 v6, v9;
	[tilespmem:s0+$0xF0] =	vst v8;
	v8 =	vperm.xlane v4, v11;
	v11 =	vld [tilespmem:s8+$0x120]  }
0x421: {  	v9 =	vmul.f32 v14, v9;
	[tilespmem:s0+$0xE0] =	vst v10;
	v10 =	vld [tilespmem:s8+$0x130]  }
0x422: {  	[tilespmem:s0+$0xC0] =	vst v6;
	v6 =	vld [tilespmem:s8+$0x140];
	v12 =	vmul.f32 v12, v8  }
0x423: {  	[tilespmem:s0+$0x90] =	vst v9;
	v14 =	vld [tilespmem:s8+$0x150];
	v13 =	vmul.f32 v13, v8  }
0x424: {  	s11 =	sadd.s32 $0xF, s11;
	[tilespmem:s0+$0x100] =	vst v12;
	v12 =	vmul.f32 v15, v8;
	v15 =	vld [tilespmem:s8+$0x190]  }
0x425: {  	[tilespmem:s0+$0xFFFFFE70] =	vst v5;
	v9 =	vmul.f32 v11, v8;
	v5 =	vmov s11;
	v11 =	vld [tilespmem:s8+$0x180]  }
0x426: {  	v10 =	vmul.f32 v10, v8;
	[tilespmem:s0+$0x160] =	vst v12;
	v5 =	vperm.xlane v4, v5;
	v12 =	vld [tilespmem:s8+$0x1A0]  }
0x427: {  	[tilespmem:s0+$0x110] =	vst v13;
	v6 =	vmul.f32 v6, v8;
	v13 =	vld [tilespmem:s8+$0x1B0]  }
0x428: {  	[tilespmem:s0+$0x130] =	vst v10;
	v4 =	vmul.f32 v14, v8;
	v10 =	vld [tilespmem:s8+$0x1F0];
	v2 =	vmul.f32 v2, v5  }
0x429: {  	v3 =	vmul.f32 v3, v5;
	[tilespmem:s0+$0x140] =	vst v6;
	v6 =	vld [tilespmem:s8+$0x1D0];
	v14 =	vmul.f32 v15, v5  }
0x42a: {  	v11 =	vmul.f32 v11, v5;
	[tilespmem:s0+$0x1C0] =	vst v2  }
.Ltmp8:
0x42b: {  	[tilespmem:s0+$0x190] =	vst v14;
	v2 =	vmul.f32 v12, v5;
	(pc) =	sbr.rel @p0 .LBB2_19-.Ltmp8, $4  }
0x42c: {  	[tilespmem:s0+$0x180] =	vst v11;
	v11 =	vmul.f32 v13, v5  }
0x42d: {  	[tilespmem:s0+$0x1A0] =	vst v2;
	v10 =	vmul.f32 v10, v5  }
0x42e: {  	[tilespmem:s0+$0x1E0] =	vst v3  }
0x42f: {  	s8 =	sadd.s32 $0x400, s8;
	s0 =	sadd.s32 $0x400, s0;
	[tilespmem:s4+$0x1B0] =	vst v11  }
0x430: {  	[tilespmem:s4+$0x120] =	vst v9  }
0x431: {  	[tilespmem:s4+$0x150] =	vst v4  }
0x432: {  	v2 =	vmul.f32 v7, v8;
	[tilespmem:s4+$0x1F0] =	vst v10  }
0x433: {  	v3 =	vmul.f32 v6, v5;
	[tilespmem:s4+$0xFFFFFE20] =	vst v1  }
0x434: {  	[tilespmem:s4+$0x170] =	vst v2  }
0x435: {  	s24 =	sadd.s32 $0x1, s24;
	[tilespmem:s4+$0x1D0] =	vst v3  }
0x436: {  	[spmem:s2] =	stream.indirect.scatter.add.f32 [tilespmem:s26], [sflag:$0x4], $0x80, s21, s3, $0xb8;
	v63 =	vld [tilespmem:$0x0]  }
0x437: {  	p0 =	sne.s32 s24, $0x8;
	_ =	swait.ge [sflag:s18], $0x2800  }
.Ltmp9:
0x438: {  	[sflag:s18] =	ssyncset.done $0x0;
	(pc) =	sbr.rel @p0 .LBB2_4-.Ltmp9, $4  }
0x439: {  	[sflag:s18] =	ssyncadd.s32 $0xFFFFD800  }
0x43a: {  	_ =	swait.ge [sflag:s19], $0x2800  }
0x43b: {  	[sflag:s19] =	ssyncset.done $0x0  }
0x43c: {  	[sflag:s19] =	ssyncadd.s32 $0xFFFFD800  }
0x43d: {  	s0 =	stileid.u32;
	[bflag:$0x0] =	sbarrier.arrive $0xFFFF  }
0x43e: {  	s0 =	sshll.u32 s0, $0x6;
	s22 =	rddreg [dreg:$0xc]  }
0x43f: {  	s4 =	rddreg [dreg:$0x4];
	s0 =	sor.u32 $0x1C05, s0;
	s1 =	sshrl.u32 s22, $0x3  }
0x440: {  	[hbm:s4], [sflag:s0] =	dma.local [spmem:s1], $0x500  }
0x441: {  	_ =	swait.ge [sflag:s29], $0x500  }
0x442: {  	[sflag:s29] =	ssyncset.done $0x0;
	s8 =	rddreg [dreg:$0xd]  }
0x443: {  	s30 =	rddreg [dreg:$0x5];
	[sflag:s29] =	ssyncadd.s32 $0xFFFFFB00;
	s25 =	sshrl.u32 s8, $0x3  }
0x444: {  	[hbm:s30], [sflag:s0] =	dma.local [spmem:s25], $0x500  }
0x445: {  	_ =	swait.ge [sflag:s29], $0x500  }
0x446: {  	[sflag:s29] =	ssyncset.done $0x0;
	s23 =	rddreg [dreg:$0xe]  }
0x447: {  	s11 =	rddreg [dreg:$0x6];
	[sflag:s29] =	ssyncadd.s32 $0xFFFFFB00;
	s4 =	sshrl.u32 s23, $0x3  }
0x448: {  	[hbm:s11], [sflag:s0] =	dma.local [spmem:s4], $0x500  }
0x449: {  	_ =	swait.ge [sflag:s29], $0x500  }
0x44a: {  	[sflag:s29] =	ssyncset.done $0x0;
	s24 =	rddreg [dreg:$0xf]  }
0x44b: {  	s14 =	rddreg [dreg:$0x7];
	[sflag:s29] =	ssyncadd.s32 $0xFFFFFB00;
	s13 =	sshrl.u32 s24, $0x3  }
0x44c: {  	[hbm:s14], [sflag:s0] =	dma.local [spmem:s13], $0x500  }
0x44d: {  	_ =	swait.ge [sflag:s29], $0x500  }
0x44e: {  	[sflag:s29] =	ssyncset.done $0x0;
	s11 =	rddreg [dreg:$0x10]  }
0x44f: {  	s30 =	rddreg [dreg:$0x8];
	[sflag:s29] =	ssyncadd.s32 $0xFFFFFB00;
	s25 =	sshrl.u32 s11, $0x3  }
0x450: {  	[hbm:s30], [sflag:s0] =	dma.local [spmem:s25], $0x500  }
0x451: {  	_ =	swait.ge [sflag:s29], $0x500  }
0x452: {  	[sflag:s29] =	ssyncset.done $0x0;
	s13 =	rddreg [dreg:$0x11]  }
0x453: {  	s14 =	rddreg [dreg:$0x9];
	[sflag:s29] =	ssyncadd.s32 $0xFFFFFB00;
	s4 =	sshrl.u32 s13, $0x3  }
0x454: {  	[hbm:s14], [sflag:s0] =	dma.local [spmem:s4], $0x500  }
0x455: {  	_ =	swait.ge [sflag:s29], $0x500  }
0x456: {  	[sflag:s29] =	ssyncset.done $0x0;
	s14 =	rddreg [dreg:$0x12]  }
0x457: {  	s30 =	rddreg [dreg:$0xa];
	[sflag:s29] =	ssyncadd.s32 $0xFFFFFB00;
	s25 =	sshrl.u32 s14, $0x3  }
0x458: {  	[hbm:s30], [sflag:s0] =	dma.local [spmem:s25], $0x500  }
0x459: {  	_ =	swait.ge [sflag:s29], $0x500  }
0x45a: {  	[sflag:s29] =	ssyncset.done $0x0;
	s25 =	rddreg [dreg:$0x13]  }
0x45b: {  	s30 =	rddreg [dreg:$0xb];
	[sflag:s29] =	ssyncadd.s32 $0xFFFFFB00;
	s4 =	sshrl.u32 s25, $0x3  }
0x45c: {  	[hbm:s30], [sflag:s0] =	dma.local [spmem:s4], $0x500  }
0x45d: {  	_ =	swait.ge [sflag:s29], $0x500  }
0x45e: {  	s4 =	rddreg [dreg:$0x15]  }
0x45f: {  	s30 =	rddreg [dreg:$0x14];
	s1 =	sadd.s32 $0x1, s4  }
0x460: {  	p0 =	sne.s32 s1, s30  }
.Ltmp10:
0x461: {  	_ = 	snop;
	(pc) =	sbr.rel @p0 .LBB2_1-.Ltmp10, $3  }
0x462: {  	_ =	sdelay $0x1  }
0x463: {  	[sflag:s29] =	ssyncset.done $0x0  }
0x464: {  	[sflag:s29] =	ssyncadd.s32 $0xFFFFFB00  }
0x465: {  	_ =	sfence.sel $0x180000  }
0x466: {  	[bflag:$0x0] =	sbarrier.arrive $0xFFFF  }
0x467: {  	_ =	strace $0x90000047  }
0x468: {  	s0 =	stileid.u32;
	[bflag:$0x2] =	sbarrier.arrive $0xFFFF  }
0x469: {  	p0 =	sne.s32 s0, $0x0;
	s0 =	rddreg [dreg:$0x3]  }
0x46a: {  	s0 =	sadd.s32 @!p0 $0x100000, s0  }
0x46b: {  	[sflag:s0] =	ssyncadd.tile.s32 @!p0 $0x1;
	_ =	shalt  }
.Lfunc_end2:
_tile_overlayer_lowered:
.L_overlay_start_2:
0x46c: {  	(tag) =	ssettag $0x2  }
0x46d: {  	s0 =	rddreg [dreg:$0x0];
	s2 =	stileid.u32  }
0x46e: {  	s1 =	rddreg [dreg:$0x1];
	p0 =	sne.s32 s2, $0x0  }
0x46f: {  	s3 =	rddreg [dreg:$0x2];
	[bflag:$0x3] =	sbarrier.arrive $0xFFFF;
	s2 =	simm.s32 @!p0 $0x1C05  }
0x470: {  	[timem:s3], [sflag:s2] =	dma.local @!p0 [hbm:s0], s1  }
0x471: {  	s0 =	simm.s32 @!p0 $0x5  }
0x472: {  	_ =	swait.ge @!p0 [sflag:s0], s1  }
0x473: {  	s1 =	ssub.s32 @!p0 $0x0, s1;
	[sflag:s0] =	ssyncset.done @!p0 $0x0  }
0x474: {  	[sflag:s0] =	ssyncadd.s32 @!p0 s1  }
0x475: {  	[bflag:$0x3] =	sbarrier.arrive $0xFFFF  }
0x476: {  	_ =	shalt  }

</sc_bundles>
